<compile_context>
chip_gen: v7x
topology: tpu7x:2x2x1
jax: 0.10.2.dev20260603
libtpu: 0.0.44.dev20260713+nightly
codegen_flags: <defaults>
</compile_context>

<pallas_src>
import functools

import jax
import jax.numpy as jnp
from jax import lax
from jax.experimental import pallas as pl
from jax.experimental.pallas import tpu as pltpu
from jax.experimental.pallas import tpu_sc as plsc

B, L, V, D, DO = 16384, 200, 165, 4, 10
NC, NS = 2, 16
NW = NC * NS
Q = B // 4
GPW = Q // NW
RPW = 4 * GPW
BLK = 16
XS = 256
UNROLL = 4
TBL = V * D * 16


def _make_kernel():
    mesh = plsc.VectorSubcoreMesh(
        core_axis_name="c", subcore_axis_name="s", num_cores=NC,
        num_subcores=NS)

    @functools.partial(
        pl.kernel,
        out_type=jax.ShapeDtypeStruct((B, DO), jnp.float32),
        mesh=mesh,
        compiler_params=pltpu.CompilerParams(
            use_tc_tiling_on_sc=False, needs_layout_passes=False),
        scratch_types=[
            pltpu.VMEM((GPW * XS,), jnp.int32),
            pltpu.VMEM((TBL + 64,), jnp.float32),
            pltpu.VMEM((D, 16), jnp.float32),
            pltpu.VMEM((16,), jnp.float32),
            pltpu.VMEM((RPW, DO), jnp.float32),
            pltpu.SemaphoreType.DMA,
            pltpu.SemaphoreType.DMA,
        ],
    )
    def showdown_kernel(x_hbm, tbl_hbm, w_hbm, b_hbm, out_hbm,
                        x_v, tbl_v, w_v, b_v, out_v, sem0, sem1):
        wid = lax.axis_index("s") * NC + lax.axis_index("c")
        half = GPW * XS // 2
        c0 = pltpu.async_copy(
            x_hbm.at[pl.ds(wid * (GPW * XS), half)],
            x_v.at[pl.ds(0, half)], sem0)
        c1 = pltpu.async_copy(
            x_hbm.at[pl.ds(wid * (GPW * XS) + half, half)],
            x_v.at[pl.ds(half, half)], sem1)
        pltpu.sync_copy(tbl_hbm, tbl_v.at[pl.ds(0, TBL)])
        pltpu.sync_copy(w_hbm, w_v)
        pltpu.sync_copy(b_hbm, b_v)
        c0.wait()

        lane = lax.iota(jnp.int32, 16)
        wrows = [w_v[d] for d in range(D)]
        brow = b_v[...]
        wj = [[wrows[d][j] for j in range(DO)] for d in range(D)]
        bj = [brow[j] for j in range(DO)]
        tbl_d = [tbl_v.at[pl.ds(d * 16, TBL)] for d in range(D)]
        jvecs = [jnp.full((16,), j, jnp.int32) for j in range(DO)]
        mhi = jnp.full((16,), 255 << 6, jnp.int32)
        wrap = jnp.full((16,), L, jnp.int32)

        zero = jnp.zeros((16,), jnp.float32)
        zeros16 = tuple(zero for _ in range(16))

        def block_body(blk, _):
            groups = lane + blk * BLK
            addr0 = groups * XS + lane

            def l_body(i, carry):
                addr, cnt = carry[0], carry[1]
                accs = list(carry[2:])
                for _ in range(UNROLL):
                    word = plsc.load_gather(x_v, [addr])
                    for s in range(4):
                        sh = 8 * s - 6
                        hi = ((word << 6) if sh < 0 else (word >> sh)) & mhi
                        gidx = hi | lane
                        for d in range(D):
                            g = plsc.load_gather(tbl_d[d], [gidx])
                            a = 4 * s + d
                            accs[a] = accs[a] + g
                    cnt = cnt + 1
                    addr = addr + 1
                    addr = jnp.where(cnt == wrap, addr - L, addr)
                return (addr, cnt) + tuple(accs)

            carry = lax.fori_loop(
                0, L // UNROLL, l_body,
                (addr0, lane, *zeros16))
            accs = carry[2:]
            for s in range(4):
                rows_s = groups + s * GPW
                for j in range(DO):
                    o = jnp.full((16,), bj[j], jnp.float32)
                    for d in range(D):
                        o = o + accs[4 * s + d] * wj[d][j]
                    plsc.store_scatter(out_v, [rows_s, jvecs[j]], o)
            return 0

        lax.fori_loop(0, GPW // BLK // 2, block_body, 0)
        c1.wait()
        lax.fori_loop(GPW // BLK // 2, GPW // BLK, block_body, 0)
        for s in range(4):
            pltpu.sync_copy(
                out_v.at[pl.ds(s * GPW, GPW)],
                out_hbm.at[pl.ds(wid * GPW + s * Q, GPW)])

    return showdown_kernel


_kernel = _make_kernel()


def kernel(x, embed_table, W, b):
    xi = x.astype(jnp.int32)
    pad = ((0, 0), (0, XS - L))
    xp = (jnp.pad(xi[:Q], pad) | (jnp.pad(xi[Q:2 * Q], pad) << 8)
          | (jnp.pad(xi[2 * Q:3 * Q], pad) << 16)
          | (jnp.pad(xi[3 * Q:], pad) << 24))
    xp1 = xp.reshape(-1)
    tbl_rep = jnp.broadcast_to(
        embed_table.reshape(V * D, 1), (V * D, 16)).reshape(-1)
    w_pad = jnp.concatenate([W, jnp.zeros((D, 16 - DO), jnp.float32)], 1)
    b_pad = jnp.concatenate([b, jnp.zeros((16 - DO,), jnp.float32)])
    out = _kernel(xp1, tbl_rep, w_pad, b_pad)
    return out.reshape(B, DO)

# --- scband reference (transcript-rebuilt; emitter-appended) ---
"""Pipeline reference for scband-showdown-model-58901181497750 (READ-ONLY COPY).

The authoritative reference and input builder live on the scoring server;
editing this copy changes nothing except your own understanding.
"""

import jax, jax.numpy as jnp
import numpy as np


def setup_inputs(seed: int = 0) -> dict:
    key = jax.random.key(seed)
    k1, k2, k3, k4 = jax.random.split(key, 4)
    x = jax.random.randint(k1, (16384, 200), 0, 165, dtype=jnp.int64)
    embed_table = jax.random.normal(k2, (165, 4), dtype=jnp.float32)
    # Linear(4, 10): weight [10, 4] in torch; store transposed for matmul
    W = jax.random.normal(k3, (4, 10), dtype=jnp.float32) * (1.0 / np.sqrt(4))
    b = jax.random.normal(k4, (10,), dtype=jnp.float32) * 0.01
    return {"x": x, "embed_table": embed_table, "W": W, "b": b}


def reference(x, embed_table, W, b):
    # emb = self.embed(x)  -> gather rows: [B, L, 4]
    emb = jnp.take(embed_table, x, axis=0)
    # emb = torch.sum(emb, dim=1)  -> [B, 4]
    emb = jnp.sum(emb, axis=1)
    # (torch.flatten() call is a no-op bug in the original; emb is already [B, 4])
    # x = self.linear(emb) -> [B, 10]
    out = emb @ W + b
    return out

if __name__ == "__main__":
    import jax
    _d = setup_inputs()
    print(jax.jit(kernel)(*tuple(_d.values())))

</pallas_src>

<mosaic_0001>
#map = affine_map<(d0, d1) -> (0)>
#map1 = affine_map<(d0, d1) -> (0, 0)>
module attributes {stable_mosaic.version = 14 : i64} {
  func.func @showdown_kernel(%arg0: i32, %arg1: i32, %arg2: memref<1048576xi32, #tpu.memory_space<hbm>>, %arg3: memref<10560xf32, #tpu.memory_space<hbm>>, %arg4: memref<4x16xf32, #tpu.memory_space<hbm>>, %arg5: memref<16xf32, #tpu.memory_space<hbm>>, %arg6: memref<16384x10xf32, #tpu.memory_space<hbm>>, %arg7: memref<32768xi32, #tpu.memory_space<vmem>>, %arg8: memref<10624xf32, #tpu.memory_space<vmem>>, %arg9: memref<4x16xf32, #tpu.memory_space<vmem>>, %arg10: memref<16xf32, #tpu.memory_space<vmem>>, %arg11: memref<512x10xf32, #tpu.memory_space<vmem>>, %arg12: memref<!tpu.dma_semaphore, #tpu.memory_space<semaphore_mem>>, %arg13: memref<!tpu.dma_semaphore, #tpu.memory_space<semaphore_mem>>) attributes {dimension_semantics = [#tpu.dimension_semantics<core_parallel>, #tpu.dimension_semantics<subcore_parallel>], iteration_bounds = array<i64: 2, 16>, scalar_prefetch = 0 : i64, scratch_operands = 7 : i64, tpu.core_type = #tpu.core_type<sc_vector_subcore>, window_params = [{transform_indices = #map}, {transform_indices = #map}, {transform_indices = #map1}, {transform_indices = #map}, {transform_indices = #map1}]} {
    %mul3A = arith.constant 2 : i32
    %mul3A_0 = arith.muli %arg1, %mul3A : i32
    %add3A = arith.addi %mul3A_0, %arg0 : i32
    %mul3A_1 = arith.constant 32768 : i32
    %mul3A_2 = arith.muli %add3A, %mul3A_1 : i32
    %dma_start3A = arith.constant 0 : i32
    %dma_start3A_3 = tpu.memref_slice %arg7[%dma_start3A] : memref<32768xi32, #tpu.memory_space<vmem>> -> memref<16384xi32, #tpu.memory_space<vmem>>
    %dma_start3A_4 = tpu.memref_slice %arg2[%mul3A_2] : memref<1048576xi32, #tpu.memory_space<hbm>> -> memref<16384xi32, #tpu.memory_space<hbm>>
    %dma_start3A_5 = arith.constant 0 : i32
    %dma_start3A_6 = tpu.memref_slice %arg7[%dma_start3A_5] : memref<32768xi32, #tpu.memory_space<vmem>> -> memref<16384xi32, #tpu.memory_space<vmem>>
    %dma_start3A_7 = tpu.memref_slice %arg2[%mul3A_2] : memref<1048576xi32, #tpu.memory_space<hbm>> -> memref<16384xi32, #tpu.memory_space<hbm>>
    tpu.enqueue_dma source(%dma_start3A_7 : memref<16384xi32, #tpu.memory_space<hbm>>) target(%dma_start3A_6 : memref<16384xi32, #tpu.memory_space<vmem>>) target_semaphore(%arg12 : memref<!tpu.dma_semaphore, #tpu.memory_space<semaphore_mem>>)
    %mul3A_8 = arith.constant 32768 : i32
    %mul3A_9 = arith.muli %add3A, %mul3A_8 : i32
    %add3A_10 = arith.constant 16384 : i32
    %add3A_11 = arith.addi %mul3A_9, %add3A_10 : i32
    %dma_start3A_12 = arith.constant 16384 : i32
    %dma_start3A_13 = tpu.memref_slice %arg7[%dma_start3A_12] : memref<32768xi32, #tpu.memory_space<vmem>> -> memref<16384xi32, #tpu.memory_space<vmem>>
    %dma_start3A_14 = tpu.memref_slice %arg2[%add3A_11] : memref<1048576xi32, #tpu.memory_space<hbm>> -> memref<16384xi32, #tpu.memory_space<hbm>>
    %dma_start3A_15 = arith.constant 16384 : i32
    %dma_start3A_16 = tpu.memref_slice %arg7[%dma_start3A_15] : memref<32768xi32, #tpu.memory_space<vmem>> -> memref<16384xi32, #tpu.memory_space<vmem>>
    %dma_start3A_17 = tpu.memref_slice %arg2[%add3A_11] : memref<1048576xi32, #tpu.memory_space<hbm>> -> memref<16384xi32, #tpu.memory_space<hbm>>
    tpu.enqueue_dma source(%dma_start3A_17 : memref<16384xi32, #tpu.memory_space<hbm>>) target(%dma_start3A_16 : memref<16384xi32, #tpu.memory_space<vmem>>) target_semaphore(%arg13 : memref<!tpu.dma_semaphore, #tpu.memory_space<semaphore_mem>>)
    "tpu.region"() ({
      %run_scoped3A = tpu.sem_alloc : memref<!tpu.dma_semaphore, #tpu.memory_space<semaphore_mem>>
      %dma_start3A_198 = arith.constant 0 : i32
      %dma_start3A_199 = tpu.memref_slice %arg8[%dma_start3A_198] : memref<10624xf32, #tpu.memory_space<vmem>> -> memref<10560xf32, #tpu.memory_space<vmem>>
      %dma_start3A_200 = arith.constant 0 : i32
      %dma_start3A_201 = tpu.memref_slice %arg8[%dma_start3A_200] : memref<10624xf32, #tpu.memory_space<vmem>> -> memref<10560xf32, #tpu.memory_space<vmem>>
      tpu.enqueue_dma source(%arg3 : memref<10560xf32, #tpu.memory_space<hbm>>) target(%dma_start3A_201 : memref<10560xf32, #tpu.memory_space<vmem>>) target_semaphore(%run_scoped3A : memref<!tpu.dma_semaphore, #tpu.memory_space<semaphore_mem>>)
      %dma_wait3A_202 = arith.constant 0 : i32
      %dma_wait3A_203 = tpu.memref_slice %arg8[%dma_wait3A_202] : memref<10624xf32, #tpu.memory_space<vmem>> -> memref<10560xf32, #tpu.memory_space<vmem>>
      %dma_wait3A_204 = arith.constant 0 : i32
      %dma_wait3A_205 = tpu.memref_slice %arg8[%dma_wait3A_204] : memref<10624xf32, #tpu.memory_space<vmem>> -> memref<10560xf32, #tpu.memory_space<vmem>>
      tpu.wait_dma2 semaphore(%run_scoped3A : memref<!tpu.dma_semaphore, #tpu.memory_space<semaphore_mem>>) src(%arg3 : memref<10560xf32, #tpu.memory_space<hbm>>) dst(%dma_wait3A_205 : memref<10560xf32, #tpu.memory_space<vmem>>)
      tpu.yield
    }) : () -> ()
    "tpu.region"() ({
      %run_scoped3A = tpu.sem_alloc : memref<!tpu.dma_semaphore, #tpu.memory_space<semaphore_mem>>
      tpu.enqueue_dma source(%arg4 : memref<4x16xf32, #tpu.memory_space<hbm>>) target(%arg9 : memref<4x16xf32, #tpu.memory_space<vmem>>) target_semaphore(%run_scoped3A : memref<!tpu.dma_semaphore, #tpu.memory_space<semaphore_mem>>)
      tpu.wait_dma2 semaphore(%run_scoped3A : memref<!tpu.dma_semaphore, #tpu.memory_space<semaphore_mem>>) src(%arg4 : memref<4x16xf32, #tpu.memory_space<hbm>>) dst(%arg9 : memref<4x16xf32, #tpu.memory_space<vmem>>)
      tpu.yield
    }) : () -> ()
    "tpu.region"() ({
      %run_scoped3A = tpu.sem_alloc : memref<!tpu.dma_semaphore, #tpu.memory_space<semaphore_mem>>
      tpu.enqueue_dma source(%arg5 : memref<16xf32, #tpu.memory_space<hbm>>) target(%arg10 : memref<16xf32, #tpu.memory_space<vmem>>) target_semaphore(%run_scoped3A : memref<!tpu.dma_semaphore, #tpu.memory_space<semaphore_mem>>)
      tpu.wait_dma2 semaphore(%run_scoped3A : memref<!tpu.dma_semaphore, #tpu.memory_space<semaphore_mem>>) src(%arg5 : memref<16xf32, #tpu.memory_space<hbm>>) dst(%arg10 : memref<16xf32, #tpu.memory_space<vmem>>)
      tpu.yield
    }) : () -> ()
    %dma_wait3A = arith.constant 0 : i32
    %dma_wait3A_18 = tpu.memref_slice %arg7[%dma_wait3A] : memref<32768xi32, #tpu.memory_space<vmem>> -> memref<16384xi32, #tpu.memory_space<vmem>>
    %dma_wait3A_19 = tpu.memref_slice %arg2[%mul3A_2] : memref<1048576xi32, #tpu.memory_space<hbm>> -> memref<16384xi32, #tpu.memory_space<hbm>>
    %dma_wait3A_20 = arith.constant 0 : i32
    %dma_wait3A_21 = tpu.memref_slice %arg7[%dma_wait3A_20] : memref<32768xi32, #tpu.memory_space<vmem>> -> memref<16384xi32, #tpu.memory_space<vmem>>
    %dma_wait3A_22 = tpu.memref_slice %arg2[%mul3A_2] : memref<1048576xi32, #tpu.memory_space<hbm>> -> memref<16384xi32, #tpu.memory_space<hbm>>
    tpu.wait_dma2 semaphore(%arg12 : memref<!tpu.dma_semaphore, #tpu.memory_space<semaphore_mem>>) src(%dma_wait3A_22 : memref<16384xi32, #tpu.memory_space<hbm>>) dst(%dma_wait3A_21 : memref<16384xi32, #tpu.memory_space<vmem>>)
    %iota3A = tpu.iota {dimensions = array<i32: 0>} : vector<16xi32>
    %get3A = arith.constant 0 : i32
    %get3A_23 = arith.index_cast %get3A : i32 to index
    %get3A_24 = arith.constant 0 : index
    %get3A_25 = tpu.vector_load %arg9[%get3A_23, %get3A_24] {strides = array<i32>} : memref<4x16xf32, #tpu.memory_space<vmem>>, vector<16xf32>,
    %get3A_26 = arith.constant 1 : i32
    %get3A_27 = arith.index_cast %get3A_26 : i32 to index
    %get3A_28 = arith.constant 0 : index
    %get3A_29 = tpu.vector_load %arg9[%get3A_27, %get3A_28] {strides = array<i32>} : memref<4x16xf32, #tpu.memory_space<vmem>>, vector<16xf32>,
    %get3A_30 = arith.constant 2 : i32
    %get3A_31 = arith.index_cast %get3A_30 : i32 to index
    %get3A_32 = arith.constant 0 : index
    %get3A_33 = tpu.vector_load %arg9[%get3A_31, %get3A_32] {strides = array<i32>} : memref<4x16xf32, #tpu.memory_space<vmem>>, vector<16xf32>,
    %get3A_34 = arith.constant 3 : i32
    %get3A_35 = arith.index_cast %get3A_34 : i32 to index
    %get3A_36 = arith.constant 0 : index
    %get3A_37 = tpu.vector_load %arg9[%get3A_35, %get3A_36] {strides = array<i32>} : memref<4x16xf32, #tpu.memory_space<vmem>>, vector<16xf32>,
    %get3A_38 = arith.constant 0 : index
    %get3A_39 = tpu.vector_load %arg10[%get3A_38] {strides = array<i32>} : memref<16xf32, #tpu.memory_space<vmem>>, vector<16xf32>,
    %slice3A = vector.extract_strided_slice %get3A_25 {offsets = [0], sizes = [1], strides = [1]} : vector<16xf32> to vector<1xf32>
    %squeeze3A = vector.extract %slice3A[0] : f32 from vector<1xf32>
    %slice3A_40 = vector.extract_strided_slice %get3A_25 {offsets = [1], sizes = [1], strides = [1]} : vector<16xf32> to vector<1xf32>
    %squeeze3A_41 = vector.extract %slice3A_40[0] : f32 from vector<1xf32>
    %slice3A_42 = vector.extract_strided_slice %get3A_25 {offsets = [2], sizes = [1], strides = [1]} : vector<16xf32> to vector<1xf32>
    %squeeze3A_43 = vector.extract %slice3A_42[0] : f32 from vector<1xf32>
    %slice3A_44 = vector.extract_strided_slice %get3A_25 {offsets = [3], sizes = [1], strides = [1]} : vector<16xf32> to vector<1xf32>
    %squeeze3A_45 = vector.extract %slice3A_44[0] : f32 from vector<1xf32>
    %slice3A_46 = vector.extract_strided_slice %get3A_25 {offsets = [4], sizes = [1], strides = [1]} : vector<16xf32> to vector<1xf32>
    %squeeze3A_47 = vector.extract %slice3A_46[0] : f32 from vector<1xf32>
    %slice3A_48 = vector.extract_strided_slice %get3A_25 {offsets = [5], sizes = [1], strides = [1]} : vector<16xf32> to vector<1xf32>
    %squeeze3A_49 = vector.extract %slice3A_48[0] : f32 from vector<1xf32>
    %slice3A_50 = vector.extract_strided_slice %get3A_25 {offsets = [6], sizes = [1], strides = [1]} : vector<16xf32> to vector<1xf32>
    %squeeze3A_51 = vector.extract %slice3A_50[0] : f32 from vector<1xf32>
    %slice3A_52 = vector.extract_strided_slice %get3A_25 {offsets = [7], sizes = [1], strides = [1]} : vector<16xf32> to vector<1xf32>
    %squeeze3A_53 = vector.extract %slice3A_52[0] : f32 from vector<1xf32>
    %slice3A_54 = vector.extract_strided_slice %get3A_25 {offsets = [8], sizes = [1], strides = [1]} : vector<16xf32> to vector<1xf32>
    %squeeze3A_55 = vector.extract %slice3A_54[0] : f32 from vector<1xf32>
    %slice3A_56 = vector.extract_strided_slice %get3A_25 {offsets = [9], sizes = [1], strides = [1]} : vector<16xf32> to vector<1xf32>
    %squeeze3A_57 = vector.extract %slice3A_56[0] : f32 from vector<1xf32>
    %slice3A_58 = vector.extract_strided_slice %get3A_29 {offsets = [0], sizes = [1], strides = [1]} : vector<16xf32> to vector<1xf32>
    %squeeze3A_59 = vector.extract %slice3A_58[0] : f32 from vector<1xf32>
    %slice3A_60 = vector.extract_strided_slice %get3A_29 {offsets = [1], sizes = [1], strides = [1]} : vector<16xf32> to vector<1xf32>
    %squeeze3A_61 = vector.extract %slice3A_60[0] : f32 from vector<1xf32>
    %slice3A_62 = vector.extract_strided_slice %get3A_29 {offsets = [2], sizes = [1], strides = [1]} : vector<16xf32> to vector<1xf32>
    %squeeze3A_63 = vector.extract %slice3A_62[0] : f32 from vector<1xf32>
    %slice3A_64 = vector.extract_strided_slice %get3A_29 {offsets = [3], sizes = [1], strides = [1]} : vector<16xf32> to vector<1xf32>
    %squeeze3A_65 = vector.extract %slice3A_64[0] : f32 from vector<1xf32>
    %slice3A_66 = vector.extract_strided_slice %get3A_29 {offsets = [4], sizes = [1], strides = [1]} : vector<16xf32> to vector<1xf32>
    %squeeze3A_67 = vector.extract %slice3A_66[0] : f32 from vector<1xf32>
    %slice3A_68 = vector.extract_strided_slice %get3A_29 {offsets = [5], sizes = [1], strides = [1]} : vector<16xf32> to vector<1xf32>
    %squeeze3A_69 = vector.extract %slice3A_68[0] : f32 from vector<1xf32>
    %slice3A_70 = vector.extract_strided_slice %get3A_29 {offsets = [6], sizes = [1], strides = [1]} : vector<16xf32> to vector<1xf32>
    %squeeze3A_71 = vector.extract %slice3A_70[0] : f32 from vector<1xf32>
    %slice3A_72 = vector.extract_strided_slice %get3A_29 {offsets = [7], sizes = [1], strides = [1]} : vector<16xf32> to vector<1xf32>
    %squeeze3A_73 = vector.extract %slice3A_72[0] : f32 from vector<1xf32>
    %slice3A_74 = vector.extract_strided_slice %get3A_29 {offsets = [8], sizes = [1], strides = [1]} : vector<16xf32> to vector<1xf32>
    %squeeze3A_75 = vector.extract %slice3A_74[0] : f32 from vector<1xf32>
    %slice3A_76 = vector.extract_strided_slice %get3A_29 {offsets = [9], sizes = [1], strides = [1]} : vector<16xf32> to vector<1xf32>
    %squeeze3A_77 = vector.extract %slice3A_76[0] : f32 from vector<1xf32>
    %slice3A_78 = vector.extract_strided_slice %get3A_33 {offsets = [0], sizes = [1], strides = [1]} : vector<16xf32> to vector<1xf32>
    %squeeze3A_79 = vector.extract %slice3A_78[0] : f32 from vector<1xf32>
    %slice3A_80 = vector.extract_strided_slice %get3A_33 {offsets = [1], sizes = [1], strides = [1]} : vector<16xf32> to vector<1xf32>
    %squeeze3A_81 = vector.extract %slice3A_80[0] : f32 from vector<1xf32>
    %slice3A_82 = vector.extract_strided_slice %get3A_33 {offsets = [2], sizes = [1], strides = [1]} : vector<16xf32> to vector<1xf32>
    %squeeze3A_83 = vector.extract %slice3A_82[0] : f32 from vector<1xf32>
    %slice3A_84 = vector.extract_strided_slice %get3A_33 {offsets = [3], sizes = [1], strides = [1]} : vector<16xf32> to vector<1xf32>
    %squeeze3A_85 = vector.extract %slice3A_84[0] : f32 from vector<1xf32>
    %slice3A_86 = vector.extract_strided_slice %get3A_33 {offsets = [4], sizes = [1], strides = [1]} : vector<16xf32> to vector<1xf32>
    %squeeze3A_87 = vector.extract %slice3A_86[0] : f32 from vector<1xf32>
    %slice3A_88 = vector.extract_strided_slice %get3A_33 {offsets = [5], sizes = [1], strides = [1]} : vector<16xf32> to vector<1xf32>
    %squeeze3A_89 = vector.extract %slice3A_88[0] : f32 from vector<1xf32>
    %slice3A_90 = vector.extract_strided_slice %get3A_33 {offsets = [6], sizes = [1], strides = [1]} : vector<16xf32> to vector<1xf32>
    %squeeze3A_91 = vector.extract %slice3A_90[0] : f32 from vector<1xf32>
    %slice3A_92 = vector.extract_strided_slice %get3A_33 {offsets = [7], sizes = [1], strides = [1]} : vector<16xf32> to vector<1xf32>
    %squeeze3A_93 = vector.extract %slice3A_92[0] : f32 from vector<1xf32>
    %slice3A_94 = vector.extract_strided_slice %get3A_33 {offsets = [8], sizes = [1], strides = [1]} : vector<16xf32> to vector<1xf32>
    %squeeze3A_95 = vector.extract %slice3A_94[0] : f32 from vector<1xf32>
    %slice3A_96 = vector.extract_strided_slice %get3A_33 {offsets = [9], sizes = [1], strides = [1]} : vector<16xf32> to vector<1xf32>
    %squeeze3A_97 = vector.extract %slice3A_96[0] : f32 from vector<1xf32>
    %slice3A_98 = vector.extract_strided_slice %get3A_37 {offsets = [0], sizes = [1], strides = [1]} : vector<16xf32> to vector<1xf32>
    %squeeze3A_99 = vector.extract %slice3A_98[0] : f32 from vector<1xf32>
    %slice3A_100 = vector.extract_strided_slice %get3A_37 {offsets = [1], sizes = [1], strides = [1]} : vector<16xf32> to vector<1xf32>
    %squeeze3A_101 = vector.extract %slice3A_100[0] : f32 from vector<1xf32>
    %slice3A_102 = vector.extract_strided_slice %get3A_37 {offsets = [2], sizes = [1], strides = [1]} : vector<16xf32> to vector<1xf32>
    %squeeze3A_103 = vector.extract %slice3A_102[0] : f32 from vector<1xf32>
    %slice3A_104 = vector.extract_strided_slice %get3A_37 {offsets = [3], sizes = [1], strides = [1]} : vector<16xf32> to vector<1xf32>
    %squeeze3A_105 = vector.extract %slice3A_104[0] : f32 from vector<1xf32>
    %slice3A_106 = vector.extract_strided_slice %get3A_37 {offsets = [4], sizes = [1], strides = [1]} : vector<16xf32> to vector<1xf32>
    %squeeze3A_107 = vector.extract %slice3A_106[0] : f32 from vector<1xf32>
    %slice3A_108 = vector.extract_strided_slice %get3A_37 {offsets = [5], sizes = [1], strides = [1]} : vector<16xf32> to vector<1xf32>
    %squeeze3A_109 = vector.extract %slice3A_108[0] : f32 from vector<1xf32>
    %slice3A_110 = vector.extract_strided_slice %get3A_37 {offsets = [6], sizes = [1], strides = [1]} : vector<16xf32> to vector<1xf32>
    %squeeze3A_111 = vector.extract %slice3A_110[0] : f32 from vector<1xf32>
    %slice3A_112 = vector.extract_strided_slice %get3A_37 {offsets = [7], sizes = [1], strides = [1]} : vector<16xf32> to vector<1xf32>
    %squeeze3A_113 = vector.extract %slice3A_112[0] : f32 from vector<1xf32>
    %slice3A_114 = vector.extract_strided_slice %get3A_37 {offsets = [8], sizes = [1], strides = [1]} : vector<16xf32> to vector<1xf32>
    %squeeze3A_115 = vector.extract %slice3A_114[0] : f32 from vector<1xf32>
    %slice3A_116 = vector.extract_strided_slice %get3A_37 {offsets = [9], sizes = [1], strides = [1]} : vector<16xf32> to vector<1xf32>
    %squeeze3A_117 = vector.extract %slice3A_116[0] : f32 from vector<1xf32>
    %slice3A_118 = vector.extract_strided_slice %get3A_39 {offsets = [0], sizes = [1], strides = [1]} : vector<16xf32> to vector<1xf32>
    %squeeze3A_119 = vector.extract %slice3A_118[0] : f32 from vector<1xf32>
    %slice3A_120 = vector.extract_strided_slice %get3A_39 {offsets = [1], sizes = [1], strides = [1]} : vector<16xf32> to vector<1xf32>
    %squeeze3A_121 = vector.extract %slice3A_120[0] : f32 from vector<1xf32>
    %slice3A_122 = vector.extract_strided_slice %get3A_39 {offsets = [2], sizes = [1], strides = [1]} : vector<16xf32> to vector<1xf32>
    %squeeze3A_123 = vector.extract %slice3A_122[0] : f32 from vector<1xf32>
    %slice3A_124 = vector.extract_strided_slice %get3A_39 {offsets = [3], sizes = [1], strides = [1]} : vector<16xf32> to vector<1xf32>
    %squeeze3A_125 = vector.extract %slice3A_124[0] : f32 from vector<1xf32>
    %slice3A_126 = vector.extract_strided_slice %get3A_39 {offsets = [4], sizes = [1], strides = [1]} : vector<16xf32> to vector<1xf32>
    %squeeze3A_127 = vector.extract %slice3A_126[0] : f32 from vector<1xf32>
    %slice3A_128 = vector.extract_strided_slice %get3A_39 {offsets = [5], sizes = [1], strides = [1]} : vector<16xf32> to vector<1xf32>
    %squeeze3A_129 = vector.extract %slice3A_128[0] : f32 from vector<1xf32>
    %slice3A_130 = vector.extract_strided_slice %get3A_39 {offsets = [6], sizes = [1], strides = [1]} : vector<16xf32> to vector<1xf32>
    %squeeze3A_131 = vector.extract %slice3A_130[0] : f32 from vector<1xf32>
    %slice3A_132 = vector.extract_strided_slice %get3A_39 {offsets = [7], sizes = [1], strides = [1]} : vector<16xf32> to vector<1xf32>
    %squeeze3A_133 = vector.extract %slice3A_132[0] : f32 from vector<1xf32>
    %slice3A_134 = vector.extract_strided_slice %get3A_39 {offsets = [8], sizes = [1], strides = [1]} : vector<16xf32> to vector<1xf32>
    %squeeze3A_135 = vector.extract %slice3A_134[0] : f32 from vector<1xf32>
    %slice3A_136 = vector.extract_strided_slice %get3A_39 {offsets = [9], sizes = [1], strides = [1]} : vector<16xf32> to vector<1xf32>
    %squeeze3A_137 = vector.extract %slice3A_136[0] : f32 from vector<1xf32>
    %broadcast_in_dim3A = arith.constant 0 : i32
    %broadcast_in_dim3A_138 = vector.broadcast %broadcast_in_dim3A : i32 to vector<16xi32>
    %broadcast_in_dim3A_139 = arith.constant 1 : i32
    %broadcast_in_dim3A_140 = vector.broadcast %broadcast_in_dim3A_139 : i32 to vector<16xi32>
    %broadcast_in_dim3A_141 = arith.constant 2 : i32
    %broadcast_in_dim3A_142 = vector.broadcast %broadcast_in_dim3A_141 : i32 to vector<16xi32>
    %broadcast_in_dim3A_143 = arith.constant 3 : i32
    %broadcast_in_dim3A_144 = vector.broadcast %broadcast_in_dim3A_143 : i32 to vector<16xi32>
    %broadcast_in_dim3A_145 = arith.constant 4 : i32
    %broadcast_in_dim3A_146 = vector.broadcast %broadcast_in_dim3A_145 : i32 to vector<16xi32>
    %broadcast_in_dim3A_147 = arith.constant 5 : i32
    %broadcast_in_dim3A_148 = vector.broadcast %broadcast_in_dim3A_147 : i32 to vector<16xi32>
    %broadcast_in_dim3A_149 = arith.constant 6 : i32
    %broadcast_in_dim3A_150 = vector.broadcast %broadcast_in_dim3A_149 : i32 to vector<16xi32>
    %broadcast_in_dim3A_151 = arith.constant 7 : i32
    %broadcast_in_dim3A_152 = vector.broadcast %broadcast_in_dim3A_151 : i32 to vector<16xi32>
    %broadcast_in_dim3A_153 = arith.constant 8 : i32
    %broadcast_in_dim3A_154 = vector.broadcast %broadcast_in_dim3A_153 : i32 to vector<16xi32>
    %broadcast_in_dim3A_155 = arith.constant 9 : i32
    %broadcast_in_dim3A_156 = vector.broadcast %broadcast_in_dim3A_155 : i32 to vector<16xi32>
    %broadcast_in_dim3A_157 = arith.constant 16320 : i32
    %broadcast_in_dim3A_158 = vector.broadcast %broadcast_in_dim3A_157 : i32 to vector<16xi32>
    %broadcast_in_dim3A_159 = arith.constant 200 : i32
    %broadcast_in_dim3A_160 = vector.broadcast %broadcast_in_dim3A_159 : i32 to vector<16xi32>
    %broadcast_in_dim3A_161 = arith.constant 0.000000e+00 : f32
    %broadcast_in_dim3A_162 = vector.broadcast %broadcast_in_dim3A_161 : f32 to vector<16xf32>
    %scan3A = arith.constant 0 : i32
    %scan3A_163 = arith.constant 0 : i32
    %scan3A_164 = arith.constant 4 : i32
    %scan3A_165 = arith.addi %scan3A_163, %scan3A_164 : i32
    %scan3A_166 = arith.constant 1 : i32
    %scan3A_167 = scf.for %scan3A_198 = %scan3A_163 to %scan3A_165 step %scan3A_166 iter_args(%scan3A_199 = %scan3A) -> (i32)  : i32 {
      %mul3A_200 = arith.constant 16 : i32
      %mul3A_201 = arith.muli %scan3A_198, %mul3A_200 : i32
      %add3A_202 = vector.broadcast %mul3A_201 : i32 to vector<16xi32>
      %add3A_203 = arith.addi %iota3A, %add3A_202 : vector<16xi32>
      %mul3A_204 = arith.constant 256 : i32
      %mul3A_205 = vector.broadcast %mul3A_204 : i32 to vector<16xi32>
      %mul3A_206 = arith.muli %add3A_203, %mul3A_205 : vector<16xi32>
      %add3A_207 = arith.addi %mul3A_206, %iota3A : vector<16xi32>
      %scan3A_208 = arith.constant 0 : i32
      %scan3A_209 = arith.constant 50 : i32
      %scan3A_210 = arith.addi %scan3A_208, %scan3A_209 : i32
      %scan3A_211 = arith.constant 1 : i32
      %scan3A_212:18 = scf.for %scan3A_747 = %scan3A_208 to %scan3A_210 step %scan3A_211 iter_args(%scan3A_748 = %add3A_207, %scan3A_749 = %iota3A, %scan3A_750 = %broadcast_in_dim3A_162, %scan3A_751 = %broadcast_in_dim3A_162, %scan3A_752 = %broadcast_in_dim3A_162, %scan3A_753 = %broadcast_in_dim3A_162, %scan3A_754 = %broadcast_in_dim3A_162, %scan3A_755 = %broadcast_in_dim3A_162, %scan3A_756 = %broadcast_in_dim3A_162, %scan3A_757 = %broadcast_in_dim3A_162, %scan3A_758 = %broadcast_in_dim3A_162, %scan3A_759 = %broadcast_in_dim3A_162, %scan3A_760 = %broadcast_in_dim3A_162, %scan3A_761 = %broadcast_in_dim3A_162, %scan3A_762 = %broadcast_in_dim3A_162, %scan3A_763 = %broadcast_in_dim3A_162, %scan3A_764 = %broadcast_in_dim3A_162, %scan3A_765 = %broadcast_in_dim3A_162) -> (vector<16xi32>, vector<16xi32>, vector<16xf32>, vector<16xf32>, vector<16xf32>, vector<16xf32>, vector<16xf32>, vector<16xf32>, vector<16xf32>, vector<16xf32>, vector<16xf32>, vector<16xf32>, vector<16xf32>, vector<16xf32>, vector<16xf32>, vector<16xf32>, vector<16xf32>, vector<16xf32>)  : i32 {
        %gather3A = tpu.vector_load_idx %arg7[%scan3A_748] : memref<32768xi32, #tpu.memory_space<vmem>>[vector<16xi32>], vector<16xi32>,
        %shift_left3A = arith.constant 6 : i32
        %shift_left3A_766 = vector.broadcast %shift_left3A : i32 to vector<16xi32>
        %shift_left3A_767 = arith.shli %gather3A, %shift_left3A_766 : vector<16xi32>
        %and3A = arith.andi %shift_left3A_767, %broadcast_in_dim3A_158 : vector<16xi32>
        %or3A = arith.ori %and3A, %iota3A : vector<16xi32>
        %gather3A_768 = arith.constant 0 : i32
        %gather3A_769 = tpu.memref_slice %arg8[%gather3A_768] : memref<10624xf32, #tpu.memory_space<vmem>> -> memref<10560xf32, #tpu.memory_space<vmem>>
        %gather3A_770 = tpu.vector_load_idx %gather3A_769[%or3A] : memref<10560xf32, #tpu.memory_space<vmem>>[vector<16xi32>], vector<16xf32>,
        %add3A_771 = arith.addf %scan3A_750, %gather3A_770 : vector<16xf32>
        %gather3A_772 = arith.constant 16 : i32
        %gather3A_773 = tpu.memref_slice %arg8[%gather3A_772] : memref<10624xf32, #tpu.memory_space<vmem>> -> memref<10560xf32, #tpu.memory_space<vmem>>
        %gather3A_774 = tpu.vector_load_idx %gather3A_773[%or3A] : memref<10560xf32, #tpu.memory_space<vmem>>[vector<16xi32>], vector<16xf32>,
        %add3A_775 = arith.addf %scan3A_751, %gather3A_774 : vector<16xf32>
        %gather3A_776 = arith.constant 32 : i32
        %gather3A_777 = tpu.memref_slice %arg8[%gather3A_776] : memref<10624xf32, #tpu.memory_space<vmem>> -> memref<10560xf32, #tpu.memory_space<vmem>>
        %gather3A_778 = tpu.vector_load_idx %gather3A_777[%or3A] : memref<10560xf32, #tpu.memory_space<vmem>>[vector<16xi32>], vector<16xf32>,
        %add3A_779 = arith.addf %scan3A_752, %gather3A_778 : vector<16xf32>
        %gather3A_780 = arith.constant 48 : i32
        %gather3A_781 = tpu.memref_slice %arg8[%gather3A_780] : memref<10624xf32, #tpu.memory_space<vmem>> -> memref<10560xf32, #tpu.memory_space<vmem>>
        %gather3A_782 = tpu.vector_load_idx %gather3A_781[%or3A] : memref<10560xf32, #tpu.memory_space<vmem>>[vector<16xi32>], vector<16xf32>,
        %add3A_783 = arith.addf %scan3A_753, %gather3A_782 : vector<16xf32>
        %shift_right_arithmetic3A = arith.constant 2 : i32
        %shift_right_arithmetic3A_784 = vector.broadcast %shift_right_arithmetic3A : i32 to vector<16xi32>
        %shift_right_arithmetic3A_785 = arith.shrsi %gather3A, %shift_right_arithmetic3A_784 : vector<16xi32>
        %and3A_786 = arith.andi %shift_right_arithmetic3A_785, %broadcast_in_dim3A_158 : vector<16xi32>
        %or3A_787 = arith.ori %and3A_786, %iota3A : vector<16xi32>
        %gather3A_788 = arith.constant 0 : i32
        %gather3A_789 = tpu.memref_slice %arg8[%gather3A_788] : memref<10624xf32, #tpu.memory_space<vmem>> -> memref<10560xf32, #tpu.memory_space<vmem>>
        %gather3A_790 = tpu.vector_load_idx %gather3A_789[%or3A_787] : memref<10560xf32, #tpu.memory_space<vmem>>[vector<16xi32>], vector<16xf32>,
        %add3A_791 = arith.addf %scan3A_754, %gather3A_790 : vector<16xf32>
        %gather3A_792 = arith.constant 16 : i32
        %gather3A_793 = tpu.memref_slice %arg8[%gather3A_792] : memref<10624xf32, #tpu.memory_space<vmem>> -> memref<10560xf32, #tpu.memory_space<vmem>>
        %gather3A_794 = tpu.vector_load_idx %gather3A_793[%or3A_787] : memref<10560xf32, #tpu.memory_space<vmem>>[vector<16xi32>], vector<16xf32>,
        %add3A_795 = arith.addf %scan3A_755, %gather3A_794 : vector<16xf32>
        %gather3A_796 = arith.constant 32 : i32
        %gather3A_797 = tpu.memref_slice %arg8[%gather3A_796] : memref<10624xf32, #tpu.memory_space<vmem>> -> memref<10560xf32, #tpu.memory_space<vmem>>
        %gather3A_798 = tpu.vector_load_idx %gather3A_797[%or3A_787] : memref<10560xf32, #tpu.memory_space<vmem>>[vector<16xi32>], vector<16xf32>,
        %add3A_799 = arith.addf %scan3A_756, %gather3A_798 : vector<16xf32>
        %gather3A_800 = arith.constant 48 : i32
        %gather3A_801 = tpu.memref_slice %arg8[%gather3A_800] : memref<10624xf32, #tpu.memory_space<vmem>> -> memref<10560xf32, #tpu.memory_space<vmem>>
        %gather3A_802 = tpu.vector_load_idx %gather3A_801[%or3A_787] : memref<10560xf32, #tpu.memory_space<vmem>>[vector<16xi32>], vector<16xf32>,
        %add3A_803 = arith.addf %scan3A_757, %gather3A_802 : vector<16xf32>
        %shift_right_arithmetic3A_804 = arith.constant 10 : i32
        %shift_right_arithmetic3A_805 = vector.broadcast %shift_right_arithmetic3A_804 : i32 to vector<16xi32>
        %shift_right_arithmetic3A_806 = arith.shrsi %gather3A, %shift_right_arithmetic3A_805 : vector<16xi32>
        %and3A_807 = arith.andi %shift_right_arithmetic3A_806, %broadcast_in_dim3A_158 : vector<16xi32>
        %or3A_808 = arith.ori %and3A_807, %iota3A : vector<16xi32>
        %gather3A_809 = arith.constant 0 : i32
        %gather3A_810 = tpu.memref_slice %arg8[%gather3A_809] : memref<10624xf32, #tpu.memory_space<vmem>> -> memref<10560xf32, #tpu.memory_space<vmem>>
        %gather3A_811 = tpu.vector_load_idx %gather3A_810[%or3A_808] : memref<10560xf32, #tpu.memory_space<vmem>>[vector<16xi32>], vector<16xf32>,
        %add3A_812 = arith.addf %scan3A_758, %gather3A_811 : vector<16xf32>
        %gather3A_813 = arith.constant 16 : i32
        %gather3A_814 = tpu.memref_slice %arg8[%gather3A_813] : memref<10624xf32, #tpu.memory_space<vmem>> -> memref<10560xf32, #tpu.memory_space<vmem>>
        %gather3A_815 = tpu.vector_load_idx %gather3A_814[%or3A_808] : memref<10560xf32, #tpu.memory_space<vmem>>[vector<16xi32>], vector<16xf32>,
        %add3A_816 = arith.addf %scan3A_759, %gather3A_815 : vector<16xf32>
        %gather3A_817 = arith.constant 32 : i32
        %gather3A_818 = tpu.memref_slice %arg8[%gather3A_817] : memref<10624xf32, #tpu.memory_space<vmem>> -> memref<10560xf32, #tpu.memory_space<vmem>>
        %gather3A_819 = tpu.vector_load_idx %gather3A_818[%or3A_808] : memref<10560xf32, #tpu.memory_space<vmem>>[vector<16xi32>], vector<16xf32>,
        %add3A_820 = arith.addf %scan3A_760, %gather3A_819 : vector<16xf32>
        %gather3A_821 = arith.constant 48 : i32
        %gather3A_822 = tpu.memref_slice %arg8[%gather3A_821] : memref<10624xf32, #tpu.memory_space<vmem>> -> memref<10560xf32, #tpu.memory_space<vmem>>
        %gather3A_823 = tpu.vector_load_idx %gather3A_822[%or3A_808] : memref<10560xf32, #tpu.memory_space<vmem>>[vector<16xi32>], vector<16xf32>,
        %add3A_824 = arith.addf %scan3A_761, %gather3A_823 : vector<16xf32>
        %shift_right_arithmetic3A_825 = arith.constant 18 : i32
        %shift_right_arithmetic3A_826 = vector.broadcast %shift_right_arithmetic3A_825 : i32 to vector<16xi32>
        %shift_right_arithmetic3A_827 = arith.shrsi %gather3A, %shift_right_arithmetic3A_826 : vector<16xi32>
        %and3A_828 = arith.andi %shift_right_arithmetic3A_827, %broadcast_in_dim3A_158 : vector<16xi32>
        %or3A_829 = arith.ori %and3A_828, %iota3A : vector<16xi32>
        %gather3A_830 = arith.constant 0 : i32
        %gather3A_831 = tpu.memref_slice %arg8[%gather3A_830] : memref<10624xf32, #tpu.memory_space<vmem>> -> memref<10560xf32, #tpu.memory_space<vmem>>
        %gather3A_832 = tpu.vector_load_idx %gather3A_831[%or3A_829] : memref<10560xf32, #tpu.memory_space<vmem>>[vector<16xi32>], vector<16xf32>,
        %add3A_833 = arith.addf %scan3A_762, %gather3A_832 : vector<16xf32>
        %gather3A_834 = arith.constant 16 : i32
        %gather3A_835 = tpu.memref_slice %arg8[%gather3A_834] : memref<10624xf32, #tpu.memory_space<vmem>> -> memref<10560xf32, #tpu.memory_space<vmem>>
        %gather3A_836 = tpu.vector_load_idx %gather3A_835[%or3A_829] : memref<10560xf32, #tpu.memory_space<vmem>>[vector<16xi32>], vector<16xf32>,
        %add3A_837 = arith.addf %scan3A_763, %gather3A_836 : vector<16xf32>
        %gather3A_838 = arith.constant 32 : i32
        %gather3A_839 = tpu.memref_slice %arg8[%gather3A_838] : memref<10624xf32, #tpu.memory_space<vmem>> -> memref<10560xf32, #tpu.memory_space<vmem>>
        %gather3A_840 = tpu.vector_load_idx %gather3A_839[%or3A_829] : memref<10560xf32, #tpu.memory_space<vmem>>[vector<16xi32>], vector<16xf32>,
        %add3A_841 = arith.addf %scan3A_764, %gather3A_840 : vector<16xf32>
        %gather3A_842 = arith.constant 48 : i32
        %gather3A_843 = tpu.memref_slice %arg8[%gather3A_842] : memref<10624xf32, #tpu.memory_space<vmem>> -> memref<10560xf32, #tpu.memory_space<vmem>>
        %gather3A_844 = tpu.vector_load_idx %gather3A_843[%or3A_829] : memref<10560xf32, #tpu.memory_space<vmem>>[vector<16xi32>], vector<16xf32>,
        %add3A_845 = arith.addf %scan3A_765, %gather3A_844 : vector<16xf32>
        %add3A_846 = arith.constant 1 : i32
        %add3A_847 = vector.broadcast %add3A_846 : i32 to vector<16xi32>
        %add3A_848 = arith.addi %scan3A_749, %add3A_847 : vector<16xi32>
        %add3A_849 = arith.constant 1 : i32
        %add3A_850 = vector.broadcast %add3A_849 : i32 to vector<16xi32>
        %add3A_851 = arith.addi %scan3A_748, %add3A_850 : vector<16xi32>
        %eq3A = arith.cmpi eq, %add3A_848, %broadcast_in_dim3A_160 : vector<16xi32>
        %sub3A = arith.constant 200 : i32
        %sub3A_852 = vector.broadcast %sub3A : i32 to vector<16xi32>
        %sub3A_853 = arith.subi %add3A_851, %sub3A_852 : vector<16xi32>
        %select_n3A = arith.select %eq3A, %sub3A_853, %add3A_851 : vector<16xi1>, vector<16xi32>
        %gather3A_854 = tpu.vector_load_idx %arg7[%select_n3A] : memref<32768xi32, #tpu.memory_space<vmem>>[vector<16xi32>], vector<16xi32>,
        %shift_left3A_855 = arith.constant 6 : i32
        %shift_left3A_856 = vector.broadcast %shift_left3A_855 : i32 to vector<16xi32>
        %shift_left3A_857 = arith.shli %gather3A_854, %shift_left3A_856 : vector<16xi32>
        %and3A_858 = arith.andi %shift_left3A_857, %broadcast_in_dim3A_158 : vector<16xi32>
        %or3A_859 = arith.ori %and3A_858, %iota3A : vector<16xi32>
        %gather3A_860 = arith.constant 0 : i32
        %gather3A_861 = tpu.memref_slice %arg8[%gather3A_860] : memref<10624xf32, #tpu.memory_space<vmem>> -> memref<10560xf32, #tpu.memory_space<vmem>>
        %gather3A_862 = tpu.vector_load_idx %gather3A_861[%or3A_859] : memref<10560xf32, #tpu.memory_space<vmem>>[vector<16xi32>], vector<16xf32>,
        %add3A_863 = arith.addf %add3A_771, %gather3A_862 : vector<16xf32>
        %gather3A_864 = arith.constant 16 : i32
        %gather3A_865 = tpu.memref_slice %arg8[%gather3A_864] : memref<10624xf32, #tpu.memory_space<vmem>> -> memref<10560xf32, #tpu.memory_space<vmem>>
        %gather3A_866 = tpu.vector_load_idx %gather3A_865[%or3A_859] : memref<10560xf32, #tpu.memory_space<vmem>>[vector<16xi32>], vector<16xf32>,
        %add3A_867 = arith.addf %add3A_775, %gather3A_866 : vector<16xf32>
        %gather3A_868 = arith.constant 32 : i32
        %gather3A_869 = tpu.memref_slice %arg8[%gather3A_868] : memref<10624xf32, #tpu.memory_space<vmem>> -> memref<10560xf32, #tpu.memory_space<vmem>>
        %gather3A_870 = tpu.vector_load_idx %gather3A_869[%or3A_859] : memref<10560xf32, #tpu.memory_space<vmem>>[vector<16xi32>], vector<16xf32>,
        %add3A_871 = arith.addf %add3A_779, %gather3A_870 : vector<16xf32>
        %gather3A_872 = arith.constant 48 : i32
        %gather3A_873 = tpu.memref_slice %arg8[%gather3A_872] : memref<10624xf32, #tpu.memory_space<vmem>> -> memref<10560xf32, #tpu.memory_space<vmem>>
        %gather3A_874 = tpu.vector_load_idx %gather3A_873[%or3A_859] : memref<10560xf32, #tpu.memory_space<vmem>>[vector<16xi32>], vector<16xf32>,
        %add3A_875 = arith.addf %add3A_783, %gather3A_874 : vector<16xf32>
        %shift_right_arithmetic3A_876 = arith.constant 2 : i32
        %shift_right_arithmetic3A_877 = vector.broadcast %shift_right_arithmetic3A_876 : i32 to vector<16xi32>
        %shift_right_arithmetic3A_878 = arith.shrsi %gather3A_854, %shift_right_arithmetic3A_877 : vector<16xi32>
        %and3A_879 = arith.andi %shift_right_arithmetic3A_878, %broadcast_in_dim3A_158 : vector<16xi32>
        %or3A_880 = arith.ori %and3A_879, %iota3A : vector<16xi32>
        %gather3A_881 = arith.constant 0 : i32
        %gather3A_882 = tpu.memref_slice %arg8[%gather3A_881] : memref<10624xf32, #tpu.memory_space<vmem>> -> memref<10560xf32, #tpu.memory_space<vmem>>
        %gather3A_883 = tpu.vector_load_idx %gather3A_882[%or3A_880] : memref<10560xf32, #tpu.memory_space<vmem>>[vector<16xi32>], vector<16xf32>,
        %add3A_884 = arith.addf %add3A_791, %gather3A_883 : vector<16xf32>
        %gather3A_885 = arith.constant 16 : i32
        %gather3A_886 = tpu.memref_slice %arg8[%gather3A_885] : memref<10624xf32, #tpu.memory_space<vmem>> -> memref<10560xf32, #tpu.memory_space<vmem>>
        %gather3A_887 = tpu.vector_load_idx %gather3A_886[%or3A_880] : memref<10560xf32, #tpu.memory_space<vmem>>[vector<16xi32>], vector<16xf32>,
        %add3A_888 = arith.addf %add3A_795, %gather3A_887 : vector<16xf32>
        %gather3A_889 = arith.constant 32 : i32
        %gather3A_890 = tpu.memref_slice %arg8[%gather3A_889] : memref<10624xf32, #tpu.memory_space<vmem>> -> memref<10560xf32, #tpu.memory_space<vmem>>
        %gather3A_891 = tpu.vector_load_idx %gather3A_890[%or3A_880] : memref<10560xf32, #tpu.memory_space<vmem>>[vector<16xi32>], vector<16xf32>,
        %add3A_892 = arith.addf %add3A_799, %gather3A_891 : vector<16xf32>
        %gather3A_893 = arith.constant 48 : i32
        %gather3A_894 = tpu.memref_slice %arg8[%gather3A_893] : memref<10624xf32, #tpu.memory_space<vmem>> -> memref<10560xf32, #tpu.memory_space<vmem>>
        %gather3A_895 = tpu.vector_load_idx %gather3A_894[%or3A_880] : memref<10560xf32, #tpu.memory_space<vmem>>[vector<16xi32>], vector<16xf32>,
        %add3A_896 = arith.addf %add3A_803, %gather3A_895 : vector<16xf32>
        %shift_right_arithmetic3A_897 = arith.constant 10 : i32
        %shift_right_arithmetic3A_898 = vector.broadcast %shift_right_arithmetic3A_897 : i32 to vector<16xi32>
        %shift_right_arithmetic3A_899 = arith.shrsi %gather3A_854, %shift_right_arithmetic3A_898 : vector<16xi32>
        %and3A_900 = arith.andi %shift_right_arithmetic3A_899, %broadcast_in_dim3A_158 : vector<16xi32>
        %or3A_901 = arith.ori %and3A_900, %iota3A : vector<16xi32>
        %gather3A_902 = arith.constant 0 : i32
        %gather3A_903 = tpu.memref_slice %arg8[%gather3A_902] : memref<10624xf32, #tpu.memory_space<vmem>> -> memref<10560xf32, #tpu.memory_space<vmem>>
        %gather3A_904 = tpu.vector_load_idx %gather3A_903[%or3A_901] : memref<10560xf32, #tpu.memory_space<vmem>>[vector<16xi32>], vector<16xf32>,
        %add3A_905 = arith.addf %add3A_812, %gather3A_904 : vector<16xf32>
        %gather3A_906 = arith.constant 16 : i32
        %gather3A_907 = tpu.memref_slice %arg8[%gather3A_906] : memref<10624xf32, #tpu.memory_space<vmem>> -> memref<10560xf32, #tpu.memory_space<vmem>>
        %gather3A_908 = tpu.vector_load_idx %gather3A_907[%or3A_901] : memref<10560xf32, #tpu.memory_space<vmem>>[vector<16xi32>], vector<16xf32>,
        %add3A_909 = arith.addf %add3A_816, %gather3A_908 : vector<16xf32>
        %gather3A_910 = arith.constant 32 : i32
        %gather3A_911 = tpu.memref_slice %arg8[%gather3A_910] : memref<10624xf32, #tpu.memory_space<vmem>> -> memref<10560xf32, #tpu.memory_space<vmem>>
        %gather3A_912 = tpu.vector_load_idx %gather3A_911[%or3A_901] : memref<10560xf32, #tpu.memory_space<vmem>>[vector<16xi32>], vector<16xf32>,
        %add3A_913 = arith.addf %add3A_820, %gather3A_912 : vector<16xf32>
        %gather3A_914 = arith.constant 48 : i32
        %gather3A_915 = tpu.memref_slice %arg8[%gather3A_914] : memref<10624xf32, #tpu.memory_space<vmem>> -> memref<10560xf32, #tpu.memory_space<vmem>>
        %gather3A_916 = tpu.vector_load_idx %gather3A_915[%or3A_901] : memref<10560xf32, #tpu.memory_space<vmem>>[vector<16xi32>], vector<16xf32>,
        %add3A_917 = arith.addf %add3A_824, %gather3A_916 : vector<16xf32>
        %shift_right_arithmetic3A_918 = arith.constant 18 : i32
        %shift_right_arithmetic3A_919 = vector.broadcast %shift_right_arithmetic3A_918 : i32 to vector<16xi32>
        %shift_right_arithmetic3A_920 = arith.shrsi %gather3A_854, %shift_right_arithmetic3A_919 : vector<16xi32>
        %and3A_921 = arith.andi %shift_right_arithmetic3A_920, %broadcast_in_dim3A_158 : vector<16xi32>
        %or3A_922 = arith.ori %and3A_921, %iota3A : vector<16xi32>
        %gather3A_923 = arith.constant 0 : i32
        %gather3A_924 = tpu.memref_slice %arg8[%gather3A_923] : memref<10624xf32, #tpu.memory_space<vmem>> -> memref<10560xf32, #tpu.memory_space<vmem>>
        %gather3A_925 = tpu.vector_load_idx %gather3A_924[%or3A_922] : memref<10560xf32, #tpu.memory_space<vmem>>[vector<16xi32>], vector<16xf32>,
        %add3A_926 = arith.addf %add3A_833, %gather3A_925 : vector<16xf32>
        %gather3A_927 = arith.constant 16 : i32
        %gather3A_928 = tpu.memref_slice %arg8[%gather3A_927] : memref<10624xf32, #tpu.memory_space<vmem>> -> memref<10560xf32, #tpu.memory_space<vmem>>
        %gather3A_929 = tpu.vector_load_idx %gather3A_928[%or3A_922] : memref<10560xf32, #tpu.memory_space<vmem>>[vector<16xi32>], vector<16xf32>,
        %add3A_930 = arith.addf %add3A_837, %gather3A_929 : vector<16xf32>
        %gather3A_931 = arith.constant 32 : i32
        %gather3A_932 = tpu.memref_slice %arg8[%gather3A_931] : memref<10624xf32, #tpu.memory_space<vmem>> -> memref<10560xf32, #tpu.memory_space<vmem>>
        %gather3A_933 = tpu.vector_load_idx %gather3A_932[%or3A_922] : memref<10560xf32, #tpu.memory_space<vmem>>[vector<16xi32>], vector<16xf32>,
        %add3A_934 = arith.addf %add3A_841, %gather3A_933 : vector<16xf32>
        %gather3A_935 = arith.constant 48 : i32
        %gather3A_936 = tpu.memref_slice %arg8[%gather3A_935] : memref<10624xf32, #tpu.memory_space<vmem>> -> memref<10560xf32, #tpu.memory_space<vmem>>
        %gather3A_937 = tpu.vector_load_idx %gather3A_936[%or3A_922] : memref<10560xf32, #tpu.memory_space<vmem>>[vector<16xi32>], vector<16xf32>,
        %add3A_938 = arith.addf %add3A_845, %gather3A_937 : vector<16xf32>
        %add3A_939 = arith.constant 1 : i32
        %add3A_940 = vector.broadcast %add3A_939 : i32 to vector<16xi32>
        %add3A_941 = arith.addi %add3A_848, %add3A_940 : vector<16xi32>
        %add3A_942 = arith.constant 1 : i32
        %add3A_943 = vector.broadcast %add3A_942 : i32 to vector<16xi32>
        %add3A_944 = arith.addi %select_n3A, %add3A_943 : vector<16xi32>
        %eq3A_945 = arith.cmpi eq, %add3A_941, %broadcast_in_dim3A_160 : vector<16xi32>
        %sub3A_946 = arith.constant 200 : i32
        %sub3A_947 = vector.broadcast %sub3A_946 : i32 to vector<16xi32>
        %sub3A_948 = arith.subi %add3A_944, %sub3A_947 : vector<16xi32>
        %select_n3A_949 = arith.select %eq3A_945, %sub3A_948, %add3A_944 : vector<16xi1>, vector<16xi32>
        %gather3A_950 = tpu.vector_load_idx %arg7[%select_n3A_949] : memref<32768xi32, #tpu.memory_space<vmem>>[vector<16xi32>], vector<16xi32>,
        %shift_left3A_951 = arith.constant 6 : i32
        %shift_left3A_952 = vector.broadcast %shift_left3A_951 : i32 to vector<16xi32>
        %shift_left3A_953 = arith.shli %gather3A_950, %shift_left3A_952 : vector<16xi32>
        %and3A_954 = arith.andi %shift_left3A_953, %broadcast_in_dim3A_158 : vector<16xi32>
        %or3A_955 = arith.ori %and3A_954, %iota3A : vector<16xi32>
        %gather3A_956 = arith.constant 0 : i32
        %gather3A_957 = tpu.memref_slice %arg8[%gather3A_956] : memref<10624xf32, #tpu.memory_space<vmem>> -> memref<10560xf32, #tpu.memory_space<vmem>>
        %gather3A_958 = tpu.vector_load_idx %gather3A_957[%or3A_955] : memref<10560xf32, #tpu.memory_space<vmem>>[vector<16xi32>], vector<16xf32>,
        %add3A_959 = arith.addf %add3A_863, %gather3A_958 : vector<16xf32>
        %gather3A_960 = arith.constant 16 : i32
        %gather3A_961 = tpu.memref_slice %arg8[%gather3A_960] : memref<10624xf32, #tpu.memory_space<vmem>> -> memref<10560xf32, #tpu.memory_space<vmem>>
        %gather3A_962 = tpu.vector_load_idx %gather3A_961[%or3A_955] : memref<10560xf32, #tpu.memory_space<vmem>>[vector<16xi32>], vector<16xf32>,
        %add3A_963 = arith.addf %add3A_867, %gather3A_962 : vector<16xf32>
        %gather3A_964 = arith.constant 32 : i32
        %gather3A_965 = tpu.memref_slice %arg8[%gather3A_964] : memref<10624xf32, #tpu.memory_space<vmem>> -> memref<10560xf32, #tpu.memory_space<vmem>>
        %gather3A_966 = tpu.vector_load_idx %gather3A_965[%or3A_955] : memref<10560xf32, #tpu.memory_space<vmem>>[vector<16xi32>], vector<16xf32>,
        %add3A_967 = arith.addf %add3A_871, %gather3A_966 : vector<16xf32>
        %gather3A_968 = arith.constant 48 : i32
        %gather3A_969 = tpu.memref_slice %arg8[%gather3A_968] : memref<10624xf32, #tpu.memory_space<vmem>> -> memref<10560xf32, #tpu.memory_space<vmem>>
        %gather3A_970 = tpu.vector_load_idx %gather3A_969[%or3A_955] : memref<10560xf32, #tpu.memory_space<vmem>>[vector<16xi32>], vector<16xf32>,
        %add3A_971 = arith.addf %add3A_875, %gather3A_970 : vector<16xf32>
        %shift_right_arithmetic3A_972 = arith.constant 2 : i32
        %shift_right_arithmetic3A_973 = vector.broadcast %shift_right_arithmetic3A_972 : i32 to vector<16xi32>
        %shift_right_arithmetic3A_974 = arith.shrsi %gather3A_950, %shift_right_arithmetic3A_973 : vector<16xi32>
        %and3A_975 = arith.andi %shift_right_arithmetic3A_974, %broadcast_in_dim3A_158 : vector<16xi32>
        %or3A_976 = arith.ori %and3A_975, %iota3A : vector<16xi32>
        %gather3A_977 = arith.constant 0 : i32
        %gather3A_978 = tpu.memref_slice %arg8[%gather3A_977] : memref<10624xf32, #tpu.memory_space<vmem>> -> memref<10560xf32, #tpu.memory_space<vmem>>
        %gather3A_979 = tpu.vector_load_idx %gather3A_978[%or3A_976] : memref<10560xf32, #tpu.memory_space<vmem>>[vector<16xi32>], vector<16xf32>,
        %add3A_980 = arith.addf %add3A_884, %gather3A_979 : vector<16xf32>
        %gather3A_981 = arith.constant 16 : i32
        %gather3A_982 = tpu.memref_slice %arg8[%gather3A_981] : memref<10624xf32, #tpu.memory_space<vmem>> -> memref<10560xf32, #tpu.memory_space<vmem>>
        %gather3A_983 = tpu.vector_load_idx %gather3A_982[%or3A_976] : memref<10560xf32, #tpu.memory_space<vmem>>[vector<16xi32>], vector<16xf32>,
        %add3A_984 = arith.addf %add3A_888, %gather3A_983 : vector<16xf32>
        %gather3A_985 = arith.constant 32 : i32
        %gather3A_986 = tpu.memref_slice %arg8[%gather3A_985] : memref<10624xf32, #tpu.memory_space<vmem>> -> memref<10560xf32, #tpu.memory_space<vmem>>
        %gather3A_987 = tpu.vector_load_idx %gather3A_986[%or3A_976] : memref<10560xf32, #tpu.memory_space<vmem>>[vector<16xi32>], vector<16xf32>,
        %add3A_988 = arith.addf %add3A_892, %gather3A_987 : vector<16xf32>
        %gather3A_989 = arith.constant 48 : i32
        %gather3A_990 = tpu.memref_slice %arg8[%gather3A_989] : memref<10624xf32, #tpu.memory_space<vmem>> -> memref<10560xf32, #tpu.memory_space<vmem>>
        %gather3A_991 = tpu.vector_load_idx %gather3A_990[%or3A_976] : memref<10560xf32, #tpu.memory_space<vmem>>[vector<16xi32>], vector<16xf32>,
        %add3A_992 = arith.addf %add3A_896, %gather3A_991 : vector<16xf32>
        %shift_right_arithmetic3A_993 = arith.constant 10 : i32
        %shift_right_arithmetic3A_994 = vector.broadcast %shift_right_arithmetic3A_993 : i32 to vector<16xi32>
        %shift_right_arithmetic3A_995 = arith.shrsi %gather3A_950, %shift_right_arithmetic3A_994 : vector<16xi32>
        %and3A_996 = arith.andi %shift_right_arithmetic3A_995, %broadcast_in_dim3A_158 : vector<16xi32>
        %or3A_997 = arith.ori %and3A_996, %iota3A : vector<16xi32>
        %gather3A_998 = arith.constant 0 : i32
        %gather3A_999 = tpu.memref_slice %arg8[%gather3A_998] : memref<10624xf32, #tpu.memory_space<vmem>> -> memref<10560xf32, #tpu.memory_space<vmem>>
        %gather3A_1000 = tpu.vector_load_idx %gather3A_999[%or3A_997] : memref<10560xf32, #tpu.memory_space<vmem>>[vector<16xi32>], vector<16xf32>,
        %add3A_1001 = arith.addf %add3A_905, %gather3A_1000 : vector<16xf32>
        %gather3A_1002 = arith.constant 16 : i32
        %gather3A_1003 = tpu.memref_slice %arg8[%gather3A_1002] : memref<10624xf32, #tpu.memory_space<vmem>> -> memref<10560xf32, #tpu.memory_space<vmem>>
        %gather3A_1004 = tpu.vector_load_idx %gather3A_1003[%or3A_997] : memref<10560xf32, #tpu.memory_space<vmem>>[vector<16xi32>], vector<16xf32>,
        %add3A_1005 = arith.addf %add3A_909, %gather3A_1004 : vector<16xf32>
        %gather3A_1006 = arith.constant 32 : i32
        %gather3A_1007 = tpu.memref_slice %arg8[%gather3A_1006] : memref<10624xf32, #tpu.memory_space<vmem>> -> memref<10560xf32, #tpu.memory_space<vmem>>
        %gather3A_1008 = tpu.vector_load_idx %gather3A_1007[%or3A_997] : memref<10560xf32, #tpu.memory_space<vmem>>[vector<16xi32>], vector<16xf32>,
        %add3A_1009 = arith.addf %add3A_913, %gather3A_1008 : vector<16xf32>
        %gather3A_1010 = arith.constant 48 : i32
        %gather3A_1011 = tpu.memref_slice %arg8[%gather3A_1010] : memref<10624xf32, #tpu.memory_space<vmem>> -> memref<10560xf32, #tpu.memory_space<vmem>>
        %gather3A_1012 = tpu.vector_load_idx %gather3A_1011[%or3A_997] : memref<10560xf32, #tpu.memory_space<vmem>>[vector<16xi32>], vector<16xf32>,
        %add3A_1013 = arith.addf %add3A_917, %gather3A_1012 : vector<16xf32>
        %shift_right_arithmetic3A_1014 = arith.constant 18 : i32
        %shift_right_arithmetic3A_1015 = vector.broadcast %shift_right_arithmetic3A_1014 : i32 to vector<16xi32>
        %shift_right_arithmetic3A_1016 = arith.shrsi %gather3A_950, %shift_right_arithmetic3A_1015 : vector<16xi32>
        %and3A_1017 = arith.andi %shift_right_arithmetic3A_1016, %broadcast_in_dim3A_158 : vector<16xi32>
        %or3A_1018 = arith.ori %and3A_1017, %iota3A : vector<16xi32>
        %gather3A_1019 = arith.constant 0 : i32
        %gather3A_1020 = tpu.memref_slice %arg8[%gather3A_1019] : memref<10624xf32, #tpu.memory_space<vmem>> -> memref<10560xf32, #tpu.memory_space<vmem>>
        %gather3A_1021 = tpu.vector_load_idx %gather3A_1020[%or3A_1018] : memref<10560xf32, #tpu.memory_space<vmem>>[vector<16xi32>], vector<16xf32>,
        %add3A_1022 = arith.addf %add3A_926, %gather3A_1021 : vector<16xf32>
        %gather3A_1023 = arith.constant 16 : i32
        %gather3A_1024 = tpu.memref_slice %arg8[%gather3A_1023] : memref<10624xf32, #tpu.memory_space<vmem>> -> memref<10560xf32, #tpu.memory_space<vmem>>
        %gather3A_1025 = tpu.vector_load_idx %gather3A_1024[%or3A_1018] : memref<10560xf32, #tpu.memory_space<vmem>>[vector<16xi32>], vector<16xf32>,
        %add3A_1026 = arith.addf %add3A_930, %gather3A_1025 : vector<16xf32>
        %gather3A_1027 = arith.constant 32 : i32
        %gather3A_1028 = tpu.memref_slice %arg8[%gather3A_1027] : memref<10624xf32, #tpu.memory_space<vmem>> -> memref<10560xf32, #tpu.memory_space<vmem>>
        %gather3A_1029 = tpu.vector_load_idx %gather3A_1028[%or3A_1018] : memref<10560xf32, #tpu.memory_space<vmem>>[vector<16xi32>], vector<16xf32>,
        %add3A_1030 = arith.addf %add3A_934, %gather3A_1029 : vector<16xf32>
        %gather3A_1031 = arith.constant 48 : i32
        %gather3A_1032 = tpu.memref_slice %arg8[%gather3A_1031] : memref<10624xf32, #tpu.memory_space<vmem>> -> memref<10560xf32, #tpu.memory_space<vmem>>
        %gather3A_1033 = tpu.vector_load_idx %gather3A_1032[%or3A_1018] : memref<10560xf32, #tpu.memory_space<vmem>>[vector<16xi32>], vector<16xf32>,
        %add3A_1034 = arith.addf %add3A_938, %gather3A_1033 : vector<16xf32>
        %add3A_1035 = arith.constant 1 : i32
        %add3A_1036 = vector.broadcast %add3A_1035 : i32 to vector<16xi32>
        %add3A_1037 = arith.addi %add3A_941, %add3A_1036 : vector<16xi32>
        %add3A_1038 = arith.constant 1 : i32
        %add3A_1039 = vector.broadcast %add3A_1038 : i32 to vector<16xi32>
        %add3A_1040 = arith.addi %select_n3A_949, %add3A_1039 : vector<16xi32>
        %eq3A_1041 = arith.cmpi eq, %add3A_1037, %broadcast_in_dim3A_160 : vector<16xi32>
        %sub3A_1042 = arith.constant 200 : i32
        %sub3A_1043 = vector.broadcast %sub3A_1042 : i32 to vector<16xi32>
        %sub3A_1044 = arith.subi %add3A_1040, %sub3A_1043 : vector<16xi32>
        %select_n3A_1045 = arith.select %eq3A_1041, %sub3A_1044, %add3A_1040 : vector<16xi1>, vector<16xi32>
        %gather3A_1046 = tpu.vector_load_idx %arg7[%select_n3A_1045] : memref<32768xi32, #tpu.memory_space<vmem>>[vector<16xi32>], vector<16xi32>,
        %shift_left3A_1047 = arith.constant 6 : i32
        %shift_left3A_1048 = vector.broadcast %shift_left3A_1047 : i32 to vector<16xi32>
        %shift_left3A_1049 = arith.shli %gather3A_1046, %shift_left3A_1048 : vector<16xi32>
        %and3A_1050 = arith.andi %shift_left3A_1049, %broadcast_in_dim3A_158 : vector<16xi32>
        %or3A_1051 = arith.ori %and3A_1050, %iota3A : vector<16xi32>
        %gather3A_1052 = arith.constant 0 : i32
        %gather3A_1053 = tpu.memref_slice %arg8[%gather3A_1052] : memref<10624xf32, #tpu.memory_space<vmem>> -> memref<10560xf32, #tpu.memory_space<vmem>>
        %gather3A_1054 = tpu.vector_load_idx %gather3A_1053[%or3A_1051] : memref<10560xf32, #tpu.memory_space<vmem>>[vector<16xi32>], vector<16xf32>,
        %add3A_1055 = arith.addf %add3A_959, %gather3A_1054 : vector<16xf32>
        %gather3A_1056 = arith.constant 16 : i32
        %gather3A_1057 = tpu.memref_slice %arg8[%gather3A_1056] : memref<10624xf32, #tpu.memory_space<vmem>> -> memref<10560xf32, #tpu.memory_space<vmem>>
        %gather3A_1058 = tpu.vector_load_idx %gather3A_1057[%or3A_1051] : memref<10560xf32, #tpu.memory_space<vmem>>[vector<16xi32>], vector<16xf32>,
        %add3A_1059 = arith.addf %add3A_963, %gather3A_1058 : vector<16xf32>
        %gather3A_1060 = arith.constant 32 : i32
        %gather3A_1061 = tpu.memref_slice %arg8[%gather3A_1060] : memref<10624xf32, #tpu.memory_space<vmem>> -> memref<10560xf32, #tpu.memory_space<vmem>>
        %gather3A_1062 = tpu.vector_load_idx %gather3A_1061[%or3A_1051] : memref<10560xf32, #tpu.memory_space<vmem>>[vector<16xi32>], vector<16xf32>,
        %add3A_1063 = arith.addf %add3A_967, %gather3A_1062 : vector<16xf32>
        %gather3A_1064 = arith.constant 48 : i32
        %gather3A_1065 = tpu.memref_slice %arg8[%gather3A_1064] : memref<10624xf32, #tpu.memory_space<vmem>> -> memref<10560xf32, #tpu.memory_space<vmem>>
        %gather3A_1066 = tpu.vector_load_idx %gather3A_1065[%or3A_1051] : memref<10560xf32, #tpu.memory_space<vmem>>[vector<16xi32>], vector<16xf32>,
        %add3A_1067 = arith.addf %add3A_971, %gather3A_1066 : vector<16xf32>
        %shift_right_arithmetic3A_1068 = arith.constant 2 : i32
        %shift_right_arithmetic3A_1069 = vector.broadcast %shift_right_arithmetic3A_1068 : i32 to vector<16xi32>
        %shift_right_arithmetic3A_1070 = arith.shrsi %gather3A_1046, %shift_right_arithmetic3A_1069 : vector<16xi32>
        %and3A_1071 = arith.andi %shift_right_arithmetic3A_1070, %broadcast_in_dim3A_158 : vector<16xi32>
        %or3A_1072 = arith.ori %and3A_1071, %iota3A : vector<16xi32>
        %gather3A_1073 = arith.constant 0 : i32
        %gather3A_1074 = tpu.memref_slice %arg8[%gather3A_1073] : memref<10624xf32, #tpu.memory_space<vmem>> -> memref<10560xf32, #tpu.memory_space<vmem>>
        %gather3A_1075 = tpu.vector_load_idx %gather3A_1074[%or3A_1072] : memref<10560xf32, #tpu.memory_space<vmem>>[vector<16xi32>], vector<16xf32>,
        %add3A_1076 = arith.addf %add3A_980, %gather3A_1075 : vector<16xf32>
        %gather3A_1077 = arith.constant 16 : i32
        %gather3A_1078 = tpu.memref_slice %arg8[%gather3A_1077] : memref<10624xf32, #tpu.memory_space<vmem>> -> memref<10560xf32, #tpu.memory_space<vmem>>
        %gather3A_1079 = tpu.vector_load_idx %gather3A_1078[%or3A_1072] : memref<10560xf32, #tpu.memory_space<vmem>>[vector<16xi32>], vector<16xf32>,
        %add3A_1080 = arith.addf %add3A_984, %gather3A_1079 : vector<16xf32>
        %gather3A_1081 = arith.constant 32 : i32
        %gather3A_1082 = tpu.memref_slice %arg8[%gather3A_1081] : memref<10624xf32, #tpu.memory_space<vmem>> -> memref<10560xf32, #tpu.memory_space<vmem>>
        %gather3A_1083 = tpu.vector_load_idx %gather3A_1082[%or3A_1072] : memref<10560xf32, #tpu.memory_space<vmem>>[vector<16xi32>], vector<16xf32>,
        %add3A_1084 = arith.addf %add3A_988, %gather3A_1083 : vector<16xf32>
        %gather3A_1085 = arith.constant 48 : i32
        %gather3A_1086 = tpu.memref_slice %arg8[%gather3A_1085] : memref<10624xf32, #tpu.memory_space<vmem>> -> memref<10560xf32, #tpu.memory_space<vmem>>
        %gather3A_1087 = tpu.vector_load_idx %gather3A_1086[%or3A_1072] : memref<10560xf32, #tpu.memory_space<vmem>>[vector<16xi32>], vector<16xf32>,
        %add3A_1088 = arith.addf %add3A_992, %gather3A_1087 : vector<16xf32>
        %shift_right_arithmetic3A_1089 = arith.constant 10 : i32
        %shift_right_arithmetic3A_1090 = vector.broadcast %shift_right_arithmetic3A_1089 : i32 to vector<16xi32>
        %shift_right_arithmetic3A_1091 = arith.shrsi %gather3A_1046, %shift_right_arithmetic3A_1090 : vector<16xi32>
        %and3A_1092 = arith.andi %shift_right_arithmetic3A_1091, %broadcast_in_dim3A_158 : vector<16xi32>
        %or3A_1093 = arith.ori %and3A_1092, %iota3A : vector<16xi32>
        %gather3A_1094 = arith.constant 0 : i32
        %gather3A_1095 = tpu.memref_slice %arg8[%gather3A_1094] : memref<10624xf32, #tpu.memory_space<vmem>> -> memref<10560xf32, #tpu.memory_space<vmem>>
        %gather3A_1096 = tpu.vector_load_idx %gather3A_1095[%or3A_1093] : memref<10560xf32, #tpu.memory_space<vmem>>[vector<16xi32>], vector<16xf32>,
        %add3A_1097 = arith.addf %add3A_1001, %gather3A_1096 : vector<16xf32>
        %gather3A_1098 = arith.constant 16 : i32
        %gather3A_1099 = tpu.memref_slice %arg8[%gather3A_1098] : memref<10624xf32, #tpu.memory_space<vmem>> -> memref<10560xf32, #tpu.memory_space<vmem>>
        %gather3A_1100 = tpu.vector_load_idx %gather3A_1099[%or3A_1093] : memref<10560xf32, #tpu.memory_space<vmem>>[vector<16xi32>], vector<16xf32>,
        %add3A_1101 = arith.addf %add3A_1005, %gather3A_1100 : vector<16xf32>
        %gather3A_1102 = arith.constant 32 : i32
        %gather3A_1103 = tpu.memref_slice %arg8[%gather3A_1102] : memref<10624xf32, #tpu.memory_space<vmem>> -> memref<10560xf32, #tpu.memory_space<vmem>>
        %gather3A_1104 = tpu.vector_load_idx %gather3A_1103[%or3A_1093] : memref<10560xf32, #tpu.memory_space<vmem>>[vector<16xi32>], vector<16xf32>,
        %add3A_1105 = arith.addf %add3A_1009, %gather3A_1104 : vector<16xf32>
        %gather3A_1106 = arith.constant 48 : i32
        %gather3A_1107 = tpu.memref_slice %arg8[%gather3A_1106] : memref<10624xf32, #tpu.memory_space<vmem>> -> memref<10560xf32, #tpu.memory_space<vmem>>
        %gather3A_1108 = tpu.vector_load_idx %gather3A_1107[%or3A_1093] : memref<10560xf32, #tpu.memory_space<vmem>>[vector<16xi32>], vector<16xf32>,
        %add3A_1109 = arith.addf %add3A_1013, %gather3A_1108 : vector<16xf32>
        %shift_right_arithmetic3A_1110 = arith.constant 18 : i32
        %shift_right_arithmetic3A_1111 = vector.broadcast %shift_right_arithmetic3A_1110 : i32 to vector<16xi32>
        %shift_right_arithmetic3A_1112 = arith.shrsi %gather3A_1046, %shift_right_arithmetic3A_1111 : vector<16xi32>
        %and3A_1113 = arith.andi %shift_right_arithmetic3A_1112, %broadcast_in_dim3A_158 : vector<16xi32>
        %or3A_1114 = arith.ori %and3A_1113, %iota3A : vector<16xi32>
        %gather3A_1115 = arith.constant 0 : i32
        %gather3A_1116 = tpu.memref_slice %arg8[%gather3A_1115] : memref<10624xf32, #tpu.memory_space<vmem>> -> memref<10560xf32, #tpu.memory_space<vmem>>
        %gather3A_1117 = tpu.vector_load_idx %gather3A_1116[%or3A_1114] : memref<10560xf32, #tpu.memory_space<vmem>>[vector<16xi32>], vector<16xf32>,
        %add3A_1118 = arith.addf %add3A_1022, %gather3A_1117 : vector<16xf32>
        %gather3A_1119 = arith.constant 16 : i32
        %gather3A_1120 = tpu.memref_slice %arg8[%gather3A_1119] : memref<10624xf32, #tpu.memory_space<vmem>> -> memref<10560xf32, #tpu.memory_space<vmem>>
        %gather3A_1121 = tpu.vector_load_idx %gather3A_1120[%or3A_1114] : memref<10560xf32, #tpu.memory_space<vmem>>[vector<16xi32>], vector<16xf32>,
        %add3A_1122 = arith.addf %add3A_1026, %gather3A_1121 : vector<16xf32>
        %gather3A_1123 = arith.constant 32 : i32
        %gather3A_1124 = tpu.memref_slice %arg8[%gather3A_1123] : memref<10624xf32, #tpu.memory_space<vmem>> -> memref<10560xf32, #tpu.memory_space<vmem>>
        %gather3A_1125 = tpu.vector_load_idx %gather3A_1124[%or3A_1114] : memref<10560xf32, #tpu.memory_space<vmem>>[vector<16xi32>], vector<16xf32>,
        %add3A_1126 = arith.addf %add3A_1030, %gather3A_1125 : vector<16xf32>
        %gather3A_1127 = arith.constant 48 : i32
        %gather3A_1128 = tpu.memref_slice %arg8[%gather3A_1127] : memref<10624xf32, #tpu.memory_space<vmem>> -> memref<10560xf32, #tpu.memory_space<vmem>>
        %gather3A_1129 = tpu.vector_load_idx %gather3A_1128[%or3A_1114] : memref<10560xf32, #tpu.memory_space<vmem>>[vector<16xi32>], vector<16xf32>,
        %add3A_1130 = arith.addf %add3A_1034, %gather3A_1129 : vector<16xf32>
        %add3A_1131 = arith.constant 1 : i32
        %add3A_1132 = vector.broadcast %add3A_1131 : i32 to vector<16xi32>
        %add3A_1133 = arith.addi %add3A_1037, %add3A_1132 : vector<16xi32>
        %add3A_1134 = arith.constant 1 : i32
        %add3A_1135 = vector.broadcast %add3A_1134 : i32 to vector<16xi32>
        %add3A_1136 = arith.addi %select_n3A_1045, %add3A_1135 : vector<16xi32>
        %eq3A_1137 = arith.cmpi eq, %add3A_1133, %broadcast_in_dim3A_160 : vector<16xi32>
        %sub3A_1138 = arith.constant 200 : i32
        %sub3A_1139 = vector.broadcast %sub3A_1138 : i32 to vector<16xi32>
        %sub3A_1140 = arith.subi %add3A_1136, %sub3A_1139 : vector<16xi32>
        %select_n3A_1141 = arith.select %eq3A_1137, %sub3A_1140, %add3A_1136 : vector<16xi1>, vector<16xi32>
        scf.yield %select_n3A_1141, %add3A_1133, %add3A_1055, %add3A_1059, %add3A_1063, %add3A_1067, %add3A_1076, %add3A_1080, %add3A_1084, %add3A_1088, %add3A_1097, %add3A_1101, %add3A_1105, %add3A_1109, %add3A_1118, %add3A_1122, %add3A_1126, %add3A_1130 : vector<16xi32>, vector<16xi32>, vector<16xf32>, vector<16xf32>, vector<16xf32>, vector<16xf32>, vector<16xf32>, vector<16xf32>, vector<16xf32>, vector<16xf32>, vector<16xf32>, vector<16xf32>, vector<16xf32>, vector<16xf32>, vector<16xf32>, vector<16xf32>, vector<16xf32>, vector<16xf32>
      }
      %scan3A_213 = arith.constant 50 : i32
      %add3A_214 = arith.constant 0 : i32
      %add3A_215 = vector.broadcast %add3A_214 : i32 to vector<16xi32>
      %add3A_216 = arith.addi %add3A_203, %add3A_215 : vector<16xi32>
      %broadcast_in_dim3A_217 = vector.broadcast %squeeze3A_119 : f32 to vector<16xf32>
      %mul3A_218 = vector.broadcast %squeeze3A : f32 to vector<16xf32>
      %mul3A_219 = arith.mulf %scan3A_212#2, %mul3A_218 : vector<16xf32>
      %add3A_220 = arith.addf %broadcast_in_dim3A_217, %mul3A_219 : vector<16xf32>
      %mul3A_221 = vector.broadcast %squeeze3A_59 : f32 to vector<16xf32>
      %mul3A_222 = arith.mulf %scan3A_212#3, %mul3A_221 : vector<16xf32>
      %add3A_223 = arith.addf %add3A_220, %mul3A_222 : vector<16xf32>
      %mul3A_224 = vector.broadcast %squeeze3A_79 : f32 to vector<16xf32>
      %mul3A_225 = arith.mulf %scan3A_212#4, %mul3A_224 : vector<16xf32>
      %add3A_226 = arith.addf %add3A_223, %mul3A_225 : vector<16xf32>
      %mul3A_227 = vector.broadcast %squeeze3A_99 : f32 to vector<16xf32>
      %mul3A_228 = arith.mulf %scan3A_212#5, %mul3A_227 : vector<16xf32>
      %add3A_229 = arith.addf %add3A_226, %mul3A_228 : vector<16xf32>
      tpu.vector_store_idx %arg11[%add3A_216, %broadcast_in_dim3A_138], %add3A_229 : memref<512x10xf32, #tpu.memory_space<vmem>>[vector<16xi32>, vector<16xi32>], vector<16xf32>,
      %broadcast_in_dim3A_230 = vector.broadcast %squeeze3A_121 : f32 to vector<16xf32>
      %mul3A_231 = vector.broadcast %squeeze3A_41 : f32 to vector<16xf32>
      %mul3A_232 = arith.mulf %scan3A_212#2, %mul3A_231 : vector<16xf32>
      %add3A_233 = arith.addf %broadcast_in_dim3A_230, %mul3A_232 : vector<16xf32>
      %mul3A_234 = vector.broadcast %squeeze3A_61 : f32 to vector<16xf32>
      %mul3A_235 = arith.mulf %scan3A_212#3, %mul3A_234 : vector<16xf32>
      %add3A_236 = arith.addf %add3A_233, %mul3A_235 : vector<16xf32>
      %mul3A_237 = vector.broadcast %squeeze3A_81 : f32 to vector<16xf32>
      %mul3A_238 = arith.mulf %scan3A_212#4, %mul3A_237 : vector<16xf32>
      %add3A_239 = arith.addf %add3A_236, %mul3A_238 : vector<16xf32>
      %mul3A_240 = vector.broadcast %squeeze3A_101 : f32 to vector<16xf32>
      %mul3A_241 = arith.mulf %scan3A_212#5, %mul3A_240 : vector<16xf32>
      %add3A_242 = arith.addf %add3A_239, %mul3A_241 : vector<16xf32>
      tpu.vector_store_idx %arg11[%add3A_216, %broadcast_in_dim3A_140], %add3A_242 : memref<512x10xf32, #tpu.memory_space<vmem>>[vector<16xi32>, vector<16xi32>], vector<16xf32>,
      %broadcast_in_dim3A_243 = vector.broadcast %squeeze3A_123 : f32 to vector<16xf32>
      %mul3A_244 = vector.broadcast %squeeze3A_43 : f32 to vector<16xf32>
      %mul3A_245 = arith.mulf %scan3A_212#2, %mul3A_244 : vector<16xf32>
      %add3A_246 = arith.addf %broadcast_in_dim3A_243, %mul3A_245 : vector<16xf32>
      %mul3A_247 = vector.broadcast %squeeze3A_63 : f32 to vector<16xf32>
      %mul3A_248 = arith.mulf %scan3A_212#3, %mul3A_247 : vector<16xf32>
      %add3A_249 = arith.addf %add3A_246, %mul3A_248 : vector<16xf32>
      %mul3A_250 = vector.broadcast %squeeze3A_83 : f32 to vector<16xf32>
      %mul3A_251 = arith.mulf %scan3A_212#4, %mul3A_250 : vector<16xf32>
      %add3A_252 = arith.addf %add3A_249, %mul3A_251 : vector<16xf32>
      %mul3A_253 = vector.broadcast %squeeze3A_103 : f32 to vector<16xf32>
      %mul3A_254 = arith.mulf %scan3A_212#5, %mul3A_253 : vector<16xf32>
      %add3A_255 = arith.addf %add3A_252, %mul3A_254 : vector<16xf32>
      tpu.vector_store_idx %arg11[%add3A_216, %broadcast_in_dim3A_142], %add3A_255 : memref<512x10xf32, #tpu.memory_space<vmem>>[vector<16xi32>, vector<16xi32>], vector<16xf32>,
      %broadcast_in_dim3A_256 = vector.broadcast %squeeze3A_125 : f32 to vector<16xf32>
      %mul3A_257 = vector.broadcast %squeeze3A_45 : f32 to vector<16xf32>
      %mul3A_258 = arith.mulf %scan3A_212#2, %mul3A_257 : vector<16xf32>
      %add3A_259 = arith.addf %broadcast_in_dim3A_256, %mul3A_258 : vector<16xf32>
      %mul3A_260 = vector.broadcast %squeeze3A_65 : f32 to vector<16xf32>
      %mul3A_261 = arith.mulf %scan3A_212#3, %mul3A_260 : vector<16xf32>
      %add3A_262 = arith.addf %add3A_259, %mul3A_261 : vector<16xf32>
      %mul3A_263 = vector.broadcast %squeeze3A_85 : f32 to vector<16xf32>
      %mul3A_264 = arith.mulf %scan3A_212#4, %mul3A_263 : vector<16xf32>
      %add3A_265 = arith.addf %add3A_262, %mul3A_264 : vector<16xf32>
      %mul3A_266 = vector.broadcast %squeeze3A_105 : f32 to vector<16xf32>
      %mul3A_267 = arith.mulf %scan3A_212#5, %mul3A_266 : vector<16xf32>
      %add3A_268 = arith.addf %add3A_265, %mul3A_267 : vector<16xf32>
      tpu.vector_store_idx %arg11[%add3A_216, %broadcast_in_dim3A_144], %add3A_268 : memref<512x10xf32, #tpu.memory_space<vmem>>[vector<16xi32>, vector<16xi32>], vector<16xf32>,
      %broadcast_in_dim3A_269 = vector.broadcast %squeeze3A_127 : f32 to vector<16xf32>
      %mul3A_270 = vector.broadcast %squeeze3A_47 : f32 to vector<16xf32>
      %mul3A_271 = arith.mulf %scan3A_212#2, %mul3A_270 : vector<16xf32>
      %add3A_272 = arith.addf %broadcast_in_dim3A_269, %mul3A_271 : vector<16xf32>
      %mul3A_273 = vector.broadcast %squeeze3A_67 : f32 to vector<16xf32>
      %mul3A_274 = arith.mulf %scan3A_212#3, %mul3A_273 : vector<16xf32>
      %add3A_275 = arith.addf %add3A_272, %mul3A_274 : vector<16xf32>
      %mul3A_276 = vector.broadcast %squeeze3A_87 : f32 to vector<16xf32>
      %mul3A_277 = arith.mulf %scan3A_212#4, %mul3A_276 : vector<16xf32>
      %add3A_278 = arith.addf %add3A_275, %mul3A_277 : vector<16xf32>
      %mul3A_279 = vector.broadcast %squeeze3A_107 : f32 to vector<16xf32>
      %mul3A_280 = arith.mulf %scan3A_212#5, %mul3A_279 : vector<16xf32>
      %add3A_281 = arith.addf %add3A_278, %mul3A_280 : vector<16xf32>
      tpu.vector_store_idx %arg11[%add3A_216, %broadcast_in_dim3A_146], %add3A_281 : memref<512x10xf32, #tpu.memory_space<vmem>>[vector<16xi32>, vector<16xi32>], vector<16xf32>,
      %broadcast_in_dim3A_282 = vector.broadcast %squeeze3A_129 : f32 to vector<16xf32>
      %mul3A_283 = vector.broadcast %squeeze3A_49 : f32 to vector<16xf32>
      %mul3A_284 = arith.mulf %scan3A_212#2, %mul3A_283 : vector<16xf32>
      %add3A_285 = arith.addf %broadcast_in_dim3A_282, %mul3A_284 : vector<16xf32>
      %mul3A_286 = vector.broadcast %squeeze3A_69 : f32 to vector<16xf32>
      %mul3A_287 = arith.mulf %scan3A_212#3, %mul3A_286 : vector<16xf32>
      %add3A_288 = arith.addf %add3A_285, %mul3A_287 : vector<16xf32>
      %mul3A_289 = vector.broadcast %squeeze3A_89 : f32 to vector<16xf32>
      %mul3A_290 = arith.mulf %scan3A_212#4, %mul3A_289 : vector<16xf32>
      %add3A_291 = arith.addf %add3A_288, %mul3A_290 : vector<16xf32>
      %mul3A_292 = vector.broadcast %squeeze3A_109 : f32 to vector<16xf32>
      %mul3A_293 = arith.mulf %scan3A_212#5, %mul3A_292 : vector<16xf32>
      %add3A_294 = arith.addf %add3A_291, %mul3A_293 : vector<16xf32>
      tpu.vector_store_idx %arg11[%add3A_216, %broadcast_in_dim3A_148], %add3A_294 : memref<512x10xf32, #tpu.memory_space<vmem>>[vector<16xi32>, vector<16xi32>], vector<16xf32>,
      %broadcast_in_dim3A_295 = vector.broadcast %squeeze3A_131 : f32 to vector<16xf32>
      %mul3A_296 = vector.broadcast %squeeze3A_51 : f32 to vector<16xf32>
      %mul3A_297 = arith.mulf %scan3A_212#2, %mul3A_296 : vector<16xf32>
      %add3A_298 = arith.addf %broadcast_in_dim3A_295, %mul3A_297 : vector<16xf32>
      %mul3A_299 = vector.broadcast %squeeze3A_71 : f32 to vector<16xf32>
      %mul3A_300 = arith.mulf %scan3A_212#3, %mul3A_299 : vector<16xf32>
      %add3A_301 = arith.addf %add3A_298, %mul3A_300 : vector<16xf32>
      %mul3A_302 = vector.broadcast %squeeze3A_91 : f32 to vector<16xf32>
      %mul3A_303 = arith.mulf %scan3A_212#4, %mul3A_302 : vector<16xf32>
      %add3A_304 = arith.addf %add3A_301, %mul3A_303 : vector<16xf32>
      %mul3A_305 = vector.broadcast %squeeze3A_111 : f32 to vector<16xf32>
      %mul3A_306 = arith.mulf %scan3A_212#5, %mul3A_305 : vector<16xf32>
      %add3A_307 = arith.addf %add3A_304, %mul3A_306 : vector<16xf32>
      tpu.vector_store_idx %arg11[%add3A_216, %broadcast_in_dim3A_150], %add3A_307 : memref<512x10xf32, #tpu.memory_space<vmem>>[vector<16xi32>, vector<16xi32>], vector<16xf32>,
      %broadcast_in_dim3A_308 = vector.broadcast %squeeze3A_133 : f32 to vector<16xf32>
      %mul3A_309 = vector.broadcast %squeeze3A_53 : f32 to vector<16xf32>
      %mul3A_310 = arith.mulf %scan3A_212#2, %mul3A_309 : vector<16xf32>
      %add3A_311 = arith.addf %broadcast_in_dim3A_308, %mul3A_310 : vector<16xf32>
      %mul3A_312 = vector.broadcast %squeeze3A_73 : f32 to vector<16xf32>
      %mul3A_313 = arith.mulf %scan3A_212#3, %mul3A_312 : vector<16xf32>
      %add3A_314 = arith.addf %add3A_311, %mul3A_313 : vector<16xf32>
      %mul3A_315 = vector.broadcast %squeeze3A_93 : f32 to vector<16xf32>
      %mul3A_316 = arith.mulf %scan3A_212#4, %mul3A_315 : vector<16xf32>
      %add3A_317 = arith.addf %add3A_314, %mul3A_316 : vector<16xf32>
      %mul3A_318 = vector.broadcast %squeeze3A_113 : f32 to vector<16xf32>
      %mul3A_319 = arith.mulf %scan3A_212#5, %mul3A_318 : vector<16xf32>
      %add3A_320 = arith.addf %add3A_317, %mul3A_319 : vector<16xf32>
      tpu.vector_store_idx %arg11[%add3A_216, %broadcast_in_dim3A_152], %add3A_320 : memref<512x10xf32, #tpu.memory_space<vmem>>[vector<16xi32>, vector<16xi32>], vector<16xf32>,
      %broadcast_in_dim3A_321 = vector.broadcast %squeeze3A_135 : f32 to vector<16xf32>
      %mul3A_322 = vector.broadcast %squeeze3A_55 : f32 to vector<16xf32>
      %mul3A_323 = arith.mulf %scan3A_212#2, %mul3A_322 : vector<16xf32>
      %add3A_324 = arith.addf %broadcast_in_dim3A_321, %mul3A_323 : vector<16xf32>
      %mul3A_325 = vector.broadcast %squeeze3A_75 : f32 to vector<16xf32>
      %mul3A_326 = arith.mulf %scan3A_212#3, %mul3A_325 : vector<16xf32>
      %add3A_327 = arith.addf %add3A_324, %mul3A_326 : vector<16xf32>
      %mul3A_328 = vector.broadcast %squeeze3A_95 : f32 to vector<16xf32>
      %mul3A_329 = arith.mulf %scan3A_212#4, %mul3A_328 : vector<16xf32>
      %add3A_330 = arith.addf %add3A_327, %mul3A_329 : vector<16xf32>
      %mul3A_331 = vector.broadcast %squeeze3A_115 : f32 to vector<16xf32>
      %mul3A_332 = arith.mulf %scan3A_212#5, %mul3A_331 : vector<16xf32>
      %add3A_333 = arith.addf %add3A_330, %mul3A_332 : vector<16xf32>
      tpu.vector_store_idx %arg11[%add3A_216, %broadcast_in_dim3A_154], %add3A_333 : memref<512x10xf32, #tpu.memory_space<vmem>>[vector<16xi32>, vector<16xi32>], vector<16xf32>,
      %broadcast_in_dim3A_334 = vector.broadcast %squeeze3A_137 : f32 to vector<16xf32>
      %mul3A_335 = vector.broadcast %squeeze3A_57 : f32 to vector<16xf32>
      %mul3A_336 = arith.mulf %scan3A_212#2, %mul3A_335 : vector<16xf32>
      %add3A_337 = arith.addf %broadcast_in_dim3A_334, %mul3A_336 : vector<16xf32>
      %mul3A_338 = vector.broadcast %squeeze3A_77 : f32 to vector<16xf32>
      %mul3A_339 = arith.mulf %scan3A_212#3, %mul3A_338 : vector<16xf32>
      %add3A_340 = arith.addf %add3A_337, %mul3A_339 : vector<16xf32>
      %mul3A_341 = vector.broadcast %squeeze3A_97 : f32 to vector<16xf32>
      %mul3A_342 = arith.mulf %scan3A_212#4, %mul3A_341 : vector<16xf32>
      %add3A_343 = arith.addf %add3A_340, %mul3A_342 : vector<16xf32>
      %mul3A_344 = vector.broadcast %squeeze3A_117 : f32 to vector<16xf32>
      %mul3A_345 = arith.mulf %scan3A_212#5, %mul3A_344 : vector<16xf32>
      %add3A_346 = arith.addf %add3A_343, %mul3A_345 : vector<16xf32>
      tpu.vector_store_idx %arg11[%add3A_216, %broadcast_in_dim3A_156], %add3A_346 : memref<512x10xf32, #tpu.memory_space<vmem>>[vector<16xi32>, vector<16xi32>], vector<16xf32>,
      %add3A_347 = arith.constant 128 : i32
      %add3A_348 = vector.broadcast %add3A_347 : i32 to vector<16xi32>
      %add3A_349 = arith.addi %add3A_203, %add3A_348 : vector<16xi32>
      %broadcast_in_dim3A_350 = vector.broadcast %squeeze3A_119 : f32 to vector<16xf32>
      %mul3A_351 = vector.broadcast %squeeze3A : f32 to vector<16xf32>
      %mul3A_352 = arith.mulf %scan3A_212#6, %mul3A_351 : vector<16xf32>
      %add3A_353 = arith.addf %broadcast_in_dim3A_350, %mul3A_352 : vector<16xf32>
      %mul3A_354 = vector.broadcast %squeeze3A_59 : f32 to vector<16xf32>
      %mul3A_355 = arith.mulf %scan3A_212#7, %mul3A_354 : vector<16xf32>
      %add3A_356 = arith.addf %add3A_353, %mul3A_355 : vector<16xf32>
      %mul3A_357 = vector.broadcast %squeeze3A_79 : f32 to vector<16xf32>
      %mul3A_358 = arith.mulf %scan3A_212#8, %mul3A_357 : vector<16xf32>
      %add3A_359 = arith.addf %add3A_356, %mul3A_358 : vector<16xf32>
      %mul3A_360 = vector.broadcast %squeeze3A_99 : f32 to vector<16xf32>
      %mul3A_361 = arith.mulf %scan3A_212#9, %mul3A_360 : vector<16xf32>
      %add3A_362 = arith.addf %add3A_359, %mul3A_361 : vector<16xf32>
      tpu.vector_store_idx %arg11[%add3A_349, %broadcast_in_dim3A_138], %add3A_362 : memref<512x10xf32, #tpu.memory_space<vmem>>[vector<16xi32>, vector<16xi32>], vector<16xf32>,
      %broadcast_in_dim3A_363 = vector.broadcast %squeeze3A_121 : f32 to vector<16xf32>
      %mul3A_364 = vector.broadcast %squeeze3A_41 : f32 to vector<16xf32>
      %mul3A_365 = arith.mulf %scan3A_212#6, %mul3A_364 : vector<16xf32>
      %add3A_366 = arith.addf %broadcast_in_dim3A_363, %mul3A_365 : vector<16xf32>
      %mul3A_367 = vector.broadcast %squeeze3A_61 : f32 to vector<16xf32>
      %mul3A_368 = arith.mulf %scan3A_212#7, %mul3A_367 : vector<16xf32>
      %add3A_369 = arith.addf %add3A_366, %mul3A_368 : vector<16xf32>
      %mul3A_370 = vector.broadcast %squeeze3A_81 : f32 to vector<16xf32>
      %mul3A_371 = arith.mulf %scan3A_212#8, %mul3A_370 : vector<16xf32>
      %add3A_372 = arith.addf %add3A_369, %mul3A_371 : vector<16xf32>
      %mul3A_373 = vector.broadcast %squeeze3A_101 : f32 to vector<16xf32>
      %mul3A_374 = arith.mulf %scan3A_212#9, %mul3A_373 : vector<16xf32>
      %add3A_375 = arith.addf %add3A_372, %mul3A_374 : vector<16xf32>
      tpu.vector_store_idx %arg11[%add3A_349, %broadcast_in_dim3A_140], %add3A_375 : memref<512x10xf32, #tpu.memory_space<vmem>>[vector<16xi32>, vector<16xi32>], vector<16xf32>,
      %broadcast_in_dim3A_376 = vector.broadcast %squeeze3A_123 : f32 to vector<16xf32>
      %mul3A_377 = vector.broadcast %squeeze3A_43 : f32 to vector<16xf32>
      %mul3A_378 = arith.mulf %scan3A_212#6, %mul3A_377 : vector<16xf32>
      %add3A_379 = arith.addf %broadcast_in_dim3A_376, %mul3A_378 : vector<16xf32>
      %mul3A_380 = vector.broadcast %squeeze3A_63 : f32 to vector<16xf32>
      %mul3A_381 = arith.mulf %scan3A_212#7, %mul3A_380 : vector<16xf32>
      %add3A_382 = arith.addf %add3A_379, %mul3A_381 : vector<16xf32>
      %mul3A_383 = vector.broadcast %squeeze3A_83 : f32 to vector<16xf32>
      %mul3A_384 = arith.mulf %scan3A_212#8, %mul3A_383 : vector<16xf32>
      %add3A_385 = arith.addf %add3A_382, %mul3A_384 : vector<16xf32>
      %mul3A_386 = vector.broadcast %squeeze3A_103 : f32 to vector<16xf32>
      %mul3A_387 = arith.mulf %scan3A_212#9, %mul3A_386 : vector<16xf32>
      %add3A_388 = arith.addf %add3A_385, %mul3A_387 : vector<16xf32>
      tpu.vector_store_idx %arg11[%add3A_349, %broadcast_in_dim3A_142], %add3A_388 : memref<512x10xf32, #tpu.memory_space<vmem>>[vector<16xi32>, vector<16xi32>], vector<16xf32>,
      %broadcast_in_dim3A_389 = vector.broadcast %squeeze3A_125 : f32 to vector<16xf32>
      %mul3A_390 = vector.broadcast %squeeze3A_45 : f32 to vector<16xf32>
      %mul3A_391 = arith.mulf %scan3A_212#6, %mul3A_390 : vector<16xf32>
      %add3A_392 = arith.addf %broadcast_in_dim3A_389, %mul3A_391 : vector<16xf32>
      %mul3A_393 = vector.broadcast %squeeze3A_65 : f32 to vector<16xf32>
      %mul3A_394 = arith.mulf %scan3A_212#7, %mul3A_393 : vector<16xf32>
      %add3A_395 = arith.addf %add3A_392, %mul3A_394 : vector<16xf32>
      %mul3A_396 = vector.broadcast %squeeze3A_85 : f32 to vector<16xf32>
      %mul3A_397 = arith.mulf %scan3A_212#8, %mul3A_396 : vector<16xf32>
      %add3A_398 = arith.addf %add3A_395, %mul3A_397 : vector<16xf32>
      %mul3A_399 = vector.broadcast %squeeze3A_105 : f32 to vector<16xf32>
      %mul3A_400 = arith.mulf %scan3A_212#9, %mul3A_399 : vector<16xf32>
      %add3A_401 = arith.addf %add3A_398, %mul3A_400 : vector<16xf32>
      tpu.vector_store_idx %arg11[%add3A_349, %broadcast_in_dim3A_144], %add3A_401 : memref<512x10xf32, #tpu.memory_space<vmem>>[vector<16xi32>, vector<16xi32>], vector<16xf32>,
      %broadcast_in_dim3A_402 = vector.broadcast %squeeze3A_127 : f32 to vector<16xf32>
      %mul3A_403 = vector.broadcast %squeeze3A_47 : f32 to vector<16xf32>
      %mul3A_404 = arith.mulf %scan3A_212#6, %mul3A_403 : vector<16xf32>
      %add3A_405 = arith.addf %broadcast_in_dim3A_402, %mul3A_404 : vector<16xf32>
      %mul3A_406 = vector.broadcast %squeeze3A_67 : f32 to vector<16xf32>
      %mul3A_407 = arith.mulf %scan3A_212#7, %mul3A_406 : vector<16xf32>
      %add3A_408 = arith.addf %add3A_405, %mul3A_407 : vector<16xf32>
      %mul3A_409 = vector.broadcast %squeeze3A_87 : f32 to vector<16xf32>
      %mul3A_410 = arith.mulf %scan3A_212#8, %mul3A_409 : vector<16xf32>
      %add3A_411 = arith.addf %add3A_408, %mul3A_410 : vector<16xf32>
      %mul3A_412 = vector.broadcast %squeeze3A_107 : f32 to vector<16xf32>
      %mul3A_413 = arith.mulf %scan3A_212#9, %mul3A_412 : vector<16xf32>
      %add3A_414 = arith.addf %add3A_411, %mul3A_413 : vector<16xf32>
      tpu.vector_store_idx %arg11[%add3A_349, %broadcast_in_dim3A_146], %add3A_414 : memref<512x10xf32, #tpu.memory_space<vmem>>[vector<16xi32>, vector<16xi32>], vector<16xf32>,
      %broadcast_in_dim3A_415 = vector.broadcast %squeeze3A_129 : f32 to vector<16xf32>
      %mul3A_416 = vector.broadcast %squeeze3A_49 : f32 to vector<16xf32>
      %mul3A_417 = arith.mulf %scan3A_212#6, %mul3A_416 : vector<16xf32>
      %add3A_418 = arith.addf %broadcast_in_dim3A_415, %mul3A_417 : vector<16xf32>
      %mul3A_419 = vector.broadcast %squeeze3A_69 : f32 to vector<16xf32>
      %mul3A_420 = arith.mulf %scan3A_212#7, %mul3A_419 : vector<16xf32>
      %add3A_421 = arith.addf %add3A_418, %mul3A_420 : vector<16xf32>
      %mul3A_422 = vector.broadcast %squeeze3A_89 : f32 to vector<16xf32>
      %mul3A_423 = arith.mulf %scan3A_212#8, %mul3A_422 : vector<16xf32>
      %add3A_424 = arith.addf %add3A_421, %mul3A_423 : vector<16xf32>
      %mul3A_425 = vector.broadcast %squeeze3A_109 : f32 to vector<16xf32>
      %mul3A_426 = arith.mulf %scan3A_212#9, %mul3A_425 : vector<16xf32>
      %add3A_427 = arith.addf %add3A_424, %mul3A_426 : vector<16xf32>
      tpu.vector_store_idx %arg11[%add3A_349, %broadcast_in_dim3A_148], %add3A_427 : memref<512x10xf32, #tpu.memory_space<vmem>>[vector<16xi32>, vector<16xi32>], vector<16xf32>,
      %broadcast_in_dim3A_428 = vector.broadcast %squeeze3A_131 : f32 to vector<16xf32>
      %mul3A_429 = vector.broadcast %squeeze3A_51 : f32 to vector<16xf32>
      %mul3A_430 = arith.mulf %scan3A_212#6, %mul3A_429 : vector<16xf32>
      %add3A_431 = arith.addf %broadcast_in_dim3A_428, %mul3A_430 : vector<16xf32>
      %mul3A_432 = vector.broadcast %squeeze3A_71 : f32 to vector<16xf32>
      %mul3A_433 = arith.mulf %scan3A_212#7, %mul3A_432 : vector<16xf32>
      %add3A_434 = arith.addf %add3A_431, %mul3A_433 : vector<16xf32>
      %mul3A_435 = vector.broadcast %squeeze3A_91 : f32 to vector<16xf32>
      %mul3A_436 = arith.mulf %scan3A_212#8, %mul3A_435 : vector<16xf32>
      %add3A_437 = arith.addf %add3A_434, %mul3A_436 : vector<16xf32>
      %mul3A_438 = vector.broadcast %squeeze3A_111 : f32 to vector<16xf32>
      %mul3A_439 = arith.mulf %scan3A_212#9, %mul3A_438 : vector<16xf32>
      %add3A_440 = arith.addf %add3A_437, %mul3A_439 : vector<16xf32>
      tpu.vector_store_idx %arg11[%add3A_349, %broadcast_in_dim3A_150], %add3A_440 : memref<512x10xf32, #tpu.memory_space<vmem>>[vector<16xi32>, vector<16xi32>], vector<16xf32>,
      %broadcast_in_dim3A_441 = vector.broadcast %squeeze3A_133 : f32 to vector<16xf32>
      %mul3A_442 = vector.broadcast %squeeze3A_53 : f32 to vector<16xf32>
      %mul3A_443 = arith.mulf %scan3A_212#6, %mul3A_442 : vector<16xf32>
      %add3A_444 = arith.addf %broadcast_in_dim3A_441, %mul3A_443 : vector<16xf32>
      %mul3A_445 = vector.broadcast %squeeze3A_73 : f32 to vector<16xf32>
      %mul3A_446 = arith.mulf %scan3A_212#7, %mul3A_445 : vector<16xf32>
      %add3A_447 = arith.addf %add3A_444, %mul3A_446 : vector<16xf32>
      %mul3A_448 = vector.broadcast %squeeze3A_93 : f32 to vector<16xf32>
      %mul3A_449 = arith.mulf %scan3A_212#8, %mul3A_448 : vector<16xf32>
      %add3A_450 = arith.addf %add3A_447, %mul3A_449 : vector<16xf32>
      %mul3A_451 = vector.broadcast %squeeze3A_113 : f32 to vector<16xf32>
      %mul3A_452 = arith.mulf %scan3A_212#9, %mul3A_451 : vector<16xf32>
      %add3A_453 = arith.addf %add3A_450, %mul3A_452 : vector<16xf32>
      tpu.vector_store_idx %arg11[%add3A_349, %broadcast_in_dim3A_152], %add3A_453 : memref<512x10xf32, #tpu.memory_space<vmem>>[vector<16xi32>, vector<16xi32>], vector<16xf32>,
      %broadcast_in_dim3A_454 = vector.broadcast %squeeze3A_135 : f32 to vector<16xf32>
      %mul3A_455 = vector.broadcast %squeeze3A_55 : f32 to vector<16xf32>
      %mul3A_456 = arith.mulf %scan3A_212#6, %mul3A_455 : vector<16xf32>
      %add3A_457 = arith.addf %broadcast_in_dim3A_454, %mul3A_456 : vector<16xf32>
      %mul3A_458 = vector.broadcast %squeeze3A_75 : f32 to vector<16xf32>
      %mul3A_459 = arith.mulf %scan3A_212#7, %mul3A_458 : vector<16xf32>
      %add3A_460 = arith.addf %add3A_457, %mul3A_459 : vector<16xf32>
      %mul3A_461 = vector.broadcast %squeeze3A_95 : f32 to vector<16xf32>
      %mul3A_462 = arith.mulf %scan3A_212#8, %mul3A_461 : vector<16xf32>
      %add3A_463 = arith.addf %add3A_460, %mul3A_462 : vector<16xf32>
      %mul3A_464 = vector.broadcast %squeeze3A_115 : f32 to vector<16xf32>
      %mul3A_465 = arith.mulf %scan3A_212#9, %mul3A_464 : vector<16xf32>
      %add3A_466 = arith.addf %add3A_463, %mul3A_465 : vector<16xf32>
      tpu.vector_store_idx %arg11[%add3A_349, %broadcast_in_dim3A_154], %add3A_466 : memref<512x10xf32, #tpu.memory_space<vmem>>[vector<16xi32>, vector<16xi32>], vector<16xf32>,
      %broadcast_in_dim3A_467 = vector.broadcast %squeeze3A_137 : f32 to vector<16xf32>
      %mul3A_468 = vector.broadcast %squeeze3A_57 : f32 to vector<16xf32>
      %mul3A_469 = arith.mulf %scan3A_212#6, %mul3A_468 : vector<16xf32>
      %add3A_470 = arith.addf %broadcast_in_dim3A_467, %mul3A_469 : vector<16xf32>
      %mul3A_471 = vector.broadcast %squeeze3A_77 : f32 to vector<16xf32>
      %mul3A_472 = arith.mulf %scan3A_212#7, %mul3A_471 : vector<16xf32>
      %add3A_473 = arith.addf %add3A_470, %mul3A_472 : vector<16xf32>
      %mul3A_474 = vector.broadcast %squeeze3A_97 : f32 to vector<16xf32>
      %mul3A_475 = arith.mulf %scan3A_212#8, %mul3A_474 : vector<16xf32>
      %add3A_476 = arith.addf %add3A_473, %mul3A_475 : vector<16xf32>
      %mul3A_477 = vector.broadcast %squeeze3A_117 : f32 to vector<16xf32>
      %mul3A_478 = arith.mulf %scan3A_212#9, %mul3A_477 : vector<16xf32>
      %add3A_479 = arith.addf %add3A_476, %mul3A_478 : vector<16xf32>
      tpu.vector_store_idx %arg11[%add3A_349, %broadcast_in_dim3A_156], %add3A_479 : memref<512x10xf32, #tpu.memory_space<vmem>>[vector<16xi32>, vector<16xi32>], vector<16xf32>,
      %add3A_480 = arith.constant 256 : i32
      %add3A_481 = vector.broadcast %add3A_480 : i32 to vector<16xi32>
      %add3A_482 = arith.addi %add3A_203, %add3A_481 : vector<16xi32>
      %broadcast_in_dim3A_483 = vector.broadcast %squeeze3A_119 : f32 to vector<16xf32>
      %mul3A_484 = vector.broadcast %squeeze3A : f32 to vector<16xf32>
      %mul3A_485 = arith.mulf %scan3A_212#10, %mul3A_484 : vector<16xf32>
      %add3A_486 = arith.addf %broadcast_in_dim3A_483, %mul3A_485 : vector<16xf32>
      %mul3A_487 = vector.broadcast %squeeze3A_59 : f32 to vector<16xf32>
      %mul3A_488 = arith.mulf %scan3A_212#11, %mul3A_487 : vector<16xf32>
      %add3A_489 = arith.addf %add3A_486, %mul3A_488 : vector<16xf32>
      %mul3A_490 = vector.broadcast %squeeze3A_79 : f32 to vector<16xf32>
      %mul3A_491 = arith.mulf %scan3A_212#12, %mul3A_490 : vector<16xf32>
      %add3A_492 = arith.addf %add3A_489, %mul3A_491 : vector<16xf32>
      %mul3A_493 = vector.broadcast %squeeze3A_99 : f32 to vector<16xf32>
      %mul3A_494 = arith.mulf %scan3A_212#13, %mul3A_493 : vector<16xf32>
      %add3A_495 = arith.addf %add3A_492, %mul3A_494 : vector<16xf32>
      tpu.vector_store_idx %arg11[%add3A_482, %broadcast_in_dim3A_138], %add3A_495 : memref<512x10xf32, #tpu.memory_space<vmem>>[vector<16xi32>, vector<16xi32>], vector<16xf32>,
      %broadcast_in_dim3A_496 = vector.broadcast %squeeze3A_121 : f32 to vector<16xf32>
      %mul3A_497 = vector.broadcast %squeeze3A_41 : f32 to vector<16xf32>
      %mul3A_498 = arith.mulf %scan3A_212#10, %mul3A_497 : vector<16xf32>
      %add3A_499 = arith.addf %broadcast_in_dim3A_496, %mul3A_498 : vector<16xf32>
      %mul3A_500 = vector.broadcast %squeeze3A_61 : f32 to vector<16xf32>
      %mul3A_501 = arith.mulf %scan3A_212#11, %mul3A_500 : vector<16xf32>
      %add3A_502 = arith.addf %add3A_499, %mul3A_501 : vector<16xf32>
      %mul3A_503 = vector.broadcast %squeeze3A_81 : f32 to vector<16xf32>
      %mul3A_504 = arith.mulf %scan3A_212#12, %mul3A_503 : vector<16xf32>
      %add3A_505 = arith.addf %add3A_502, %mul3A_504 : vector<16xf32>
      %mul3A_506 = vector.broadcast %squeeze3A_101 : f32 to vector<16xf32>
      %mul3A_507 = arith.mulf %scan3A_212#13, %mul3A_506 : vector<16xf32>
      %add3A_508 = arith.addf %add3A_505, %mul3A_507 : vector<16xf32>
      tpu.vector_store_idx %arg11[%add3A_482, %broadcast_in_dim3A_140], %add3A_508 : memref<512x10xf32, #tpu.memory_space<vmem>>[vector<16xi32>, vector<16xi32>], vector<16xf32>,
      %broadcast_in_dim3A_509 = vector.broadcast %squeeze3A_123 : f32 to vector<16xf32>
      %mul3A_510 = vector.broadcast %squeeze3A_43 : f32 to vector<16xf32>
      %mul3A_511 = arith.mulf %scan3A_212#10, %mul3A_510 : vector<16xf32>
      %add3A_512 = arith.addf %broadcast_in_dim3A_509, %mul3A_511 : vector<16xf32>
      %mul3A_513 = vector.broadcast %squeeze3A_63 : f32 to vector<16xf32>
      %mul3A_514 = arith.mulf %scan3A_212#11, %mul3A_513 : vector<16xf32>
      %add3A_515 = arith.addf %add3A_512, %mul3A_514 : vector<16xf32>
      %mul3A_516 = vector.broadcast %squeeze3A_83 : f32 to vector<16xf32>
      %mul3A_517 = arith.mulf %scan3A_212#12, %mul3A_516 : vector<16xf32>
      %add3A_518 = arith.addf %add3A_515, %mul3A_517 : vector<16xf32>
      %mul3A_519 = vector.broadcast %squeeze3A_103 : f32 to vector<16xf32>
      %mul3A_520 = arith.mulf %scan3A_212#13, %mul3A_519 : vector<16xf32>
      %add3A_521 = arith.addf %add3A_518, %mul3A_520 : vector<16xf32>
      tpu.vector_store_idx %arg11[%add3A_482, %broadcast_in_dim3A_142], %add3A_521 : memref<512x10xf32, #tpu.memory_space<vmem>>[vector<16xi32>, vector<16xi32>], vector<16xf32>,
      %broadcast_in_dim3A_522 = vector.broadcast %squeeze3A_125 : f32 to vector<16xf32>
      %mul3A_523 = vector.broadcast %squeeze3A_45 : f32 to vector<16xf32>
      %mul3A_524 = arith.mulf %scan3A_212#10, %mul3A_523 : vector<16xf32>
      %add3A_525 = arith.addf %broadcast_in_dim3A_522, %mul3A_524 : vector<16xf32>
      %mul3A_526 = vector.broadcast %squeeze3A_65 : f32 to vector<16xf32>
      %mul3A_527 = arith.mulf %scan3A_212#11, %mul3A_526 : vector<16xf32>
      %add3A_528 = arith.addf %add3A_525, %mul3A_527 : vector<16xf32>
      %mul3A_529 = vector.broadcast %squeeze3A_85 : f32 to vector<16xf32>
      %mul3A_530 = arith.mulf %scan3A_212#12, %mul3A_529 : vector<16xf32>
      %add3A_531 = arith.addf %add3A_528, %mul3A_530 : vector<16xf32>
      %mul3A_532 = vector.broadcast %squeeze3A_105 : f32 to vector<16xf32>
      %mul3A_533 = arith.mulf %scan3A_212#13, %mul3A_532 : vector<16xf32>
      %add3A_534 = arith.addf %add3A_531, %mul3A_533 : vector<16xf32>
      tpu.vector_store_idx %arg11[%add3A_482, %broadcast_in_dim3A_144], %add3A_534 : memref<512x10xf32, #tpu.memory_space<vmem>>[vector<16xi32>, vector<16xi32>], vector<16xf32>,
      %broadcast_in_dim3A_535 = vector.broadcast %squeeze3A_127 : f32 to vector<16xf32>
      %mul3A_536 = vector.broadcast %squeeze3A_47 : f32 to vector<16xf32>
      %mul3A_537 = arith.mulf %scan3A_212#10, %mul3A_536 : vector<16xf32>
      %add3A_538 = arith.addf %broadcast_in_dim3A_535, %mul3A_537 : vector<16xf32>
      %mul3A_539 = vector.broadcast %squeeze3A_67 : f32 to vector<16xf32>
      %mul3A_540 = arith.mulf %scan3A_212#11, %mul3A_539 : vector<16xf32>
      %add3A_541 = arith.addf %add3A_538, %mul3A_540 : vector<16xf32>
      %mul3A_542 = vector.broadcast %squeeze3A_87 : f32 to vector<16xf32>
      %mul3A_543 = arith.mulf %scan3A_212#12, %mul3A_542 : vector<16xf32>
      %add3A_544 = arith.addf %add3A_541, %mul3A_543 : vector<16xf32>
      %mul3A_545 = vector.broadcast %squeeze3A_107 : f32 to vector<16xf32>
      %mul3A_546 = arith.mulf %scan3A_212#13, %mul3A_545 : vector<16xf32>
      %add3A_547 = arith.addf %add3A_544, %mul3A_546 : vector<16xf32>
      tpu.vector_store_idx %arg11[%add3A_482, %broadcast_in_dim3A_146], %add3A_547 : memref<512x10xf32, #tpu.memory_space<vmem>>[vector<16xi32>, vector<16xi32>], vector<16xf32>,
      %broadcast_in_dim3A_548 = vector.broadcast %squeeze3A_129 : f32 to vector<16xf32>
      %mul3A_549 = vector.broadcast %squeeze3A_49 : f32 to vector<16xf32>
      %mul3A_550 = arith.mulf %scan3A_212#10, %mul3A_549 : vector<16xf32>
      %add3A_551 = arith.addf %broadcast_in_dim3A_548, %mul3A_550 : vector<16xf32>
      %mul3A_552 = vector.broadcast %squeeze3A_69 : f32 to vector<16xf32>
      %mul3A_553 = arith.mulf %scan3A_212#11, %mul3A_552 : vector<16xf32>
      %add3A_554 = arith.addf %add3A_551, %mul3A_553 : vector<16xf32>
      %mul3A_555 = vector.broadcast %squeeze3A_89 : f32 to vector<16xf32>
      %mul3A_556 = arith.mulf %scan3A_212#12, %mul3A_555 : vector<16xf32>
      %add3A_557 = arith.addf %add3A_554, %mul3A_556 : vector<16xf32>
      %mul3A_558 = vector.broadcast %squeeze3A_109 : f32 to vector<16xf32>
      %mul3A_559 = arith.mulf %scan3A_212#13, %mul3A_558 : vector<16xf32>
      %add3A_560 = arith.addf %add3A_557, %mul3A_559 : vector<16xf32>
      tpu.vector_store_idx %arg11[%add3A_482, %broadcast_in_dim3A_148], %add3A_560 : memref<512x10xf32, #tpu.memory_space<vmem>>[vector<16xi32>, vector<16xi32>], vector<16xf32>,
      %broadcast_in_dim3A_561 = vector.broadcast %squeeze3A_131 : f32 to vector<16xf32>
      %mul3A_562 = vector.broadcast %squeeze3A_51 : f32 to vector<16xf32>
      %mul3A_563 = arith.mulf %scan3A_212#10, %mul3A_562 : vector<16xf32>
      %add3A_564 = arith.addf %broadcast_in_dim3A_561, %mul3A_563 : vector<16xf32>
      %mul3A_565 = vector.broadcast %squeeze3A_71 : f32 to vector<16xf32>
      %mul3A_566 = arith.mulf %scan3A_212#11, %mul3A_565 : vector<16xf32>
      %add3A_567 = arith.addf %add3A_564, %mul3A_566 : vector<16xf32>
      %mul3A_568 = vector.broadcast %squeeze3A_91 : f32 to vector<16xf32>
      %mul3A_569 = arith.mulf %scan3A_212#12, %mul3A_568 : vector<16xf32>
      %add3A_570 = arith.addf %add3A_567, %mul3A_569 : vector<16xf32>
      %mul3A_571 = vector.broadcast %squeeze3A_111 : f32 to vector<16xf32>
      %mul3A_572 = arith.mulf %scan3A_212#13, %mul3A_571 : vector<16xf32>
      %add3A_573 = arith.addf %add3A_570, %mul3A_572 : vector<16xf32>
      tpu.vector_store_idx %arg11[%add3A_482, %broadcast_in_dim3A_150], %add3A_573 : memref<512x10xf32, #tpu.memory_space<vmem>>[vector<16xi32>, vector<16xi32>], vector<16xf32>,
      %broadcast_in_dim3A_574 = vector.broadcast %squeeze3A_133 : f32 to vector<16xf32>
      %mul3A_575 = vector.broadcast %squeeze3A_53 : f32 to vector<16xf32>
      %mul3A_576 = arith.mulf %scan3A_212#10, %mul3A_575 : vector<16xf32>
      %add3A_577 = arith.addf %broadcast_in_dim3A_574, %mul3A_576 : vector<16xf32>
      %mul3A_578 = vector.broadcast %squeeze3A_73 : f32 to vector<16xf32>
      %mul3A_579 = arith.mulf %scan3A_212#11, %mul3A_578 : vector<16xf32>
      %add3A_580 = arith.addf %add3A_577, %mul3A_579 : vector<16xf32>
      %mul3A_581 = vector.broadcast %squeeze3A_93 : f32 to vector<16xf32>
      %mul3A_582 = arith.mulf %scan3A_212#12, %mul3A_581 : vector<16xf32>
      %add3A_583 = arith.addf %add3A_580, %mul3A_582 : vector<16xf32>
      %mul3A_584 = vector.broadcast %squeeze3A_113 : f32 to vector<16xf32>
      %mul3A_585 = arith.mulf %scan3A_212#13, %mul3A_584 : vector<16xf32>
      %add3A_586 = arith.addf %add3A_583, %mul3A_585 : vector<16xf32>
      tpu.vector_store_idx %arg11[%add3A_482, %broadcast_in_dim3A_152], %add3A_586 : memref<512x10xf32, #tpu.memory_space<vmem>>[vector<16xi32>, vector<16xi32>], vector<16xf32>,
      %broadcast_in_dim3A_587 = vector.broadcast %squeeze3A_135 : f32 to vector<16xf32>
      %mul3A_588 = vector.broadcast %squeeze3A_55 : f32 to vector<16xf32>
      %mul3A_589 = arith.mulf %scan3A_212#10, %mul3A_588 : vector<16xf32>
      %add3A_590 = arith.addf %broadcast_in_dim3A_587, %mul3A_589 : vector<16xf32>
      %mul3A_591 = vector.broadcast %squeeze3A_75 : f32 to vector<16xf32>
      %mul3A_592 = arith.mulf %scan3A_212#11, %mul3A_591 : vector<16xf32>
      %add3A_593 = arith.addf %add3A_590, %mul3A_592 : vector<16xf32>
      %mul3A_594 = vector.broadcast %squeeze3A_95 : f32 to vector<16xf32>
      %mul3A_595 = arith.mulf %scan3A_212#12, %mul3A_594 : vector<16xf32>
      %add3A_596 = arith.addf %add3A_593, %mul3A_595 : vector<16xf32>
      %mul3A_597 = vector.broadcast %squeeze3A_115 : f32 to vector<16xf32>
      %mul3A_598 = arith.mulf %scan3A_212#13, %mul3A_597 : vector<16xf32>
      %add3A_599 = arith.addf %add3A_596, %mul3A_598 : vector<16xf32>
      tpu.vector_store_idx %arg11[%add3A_482, %broadcast_in_dim3A_154], %add3A_599 : memref<512x10xf32, #tpu.memory_space<vmem>>[vector<16xi32>, vector<16xi32>], vector<16xf32>,
      %broadcast_in_dim3A_600 = vector.broadcast %squeeze3A_137 : f32 to vector<16xf32>
      %mul3A_601 = vector.broadcast %squeeze3A_57 : f32 to vector<16xf32>
      %mul3A_602 = arith.mulf %scan3A_212#10, %mul3A_601 : vector<16xf32>
      %add3A_603 = arith.addf %broadcast_in_dim3A_600, %mul3A_602 : vector<16xf32>
      %mul3A_604 = vector.broadcast %squeeze3A_77 : f32 to vector<16xf32>
      %mul3A_605 = arith.mulf %scan3A_212#11, %mul3A_604 : vector<16xf32>
      %add3A_606 = arith.addf %add3A_603, %mul3A_605 : vector<16xf32>
      %mul3A_607 = vector.broadcast %squeeze3A_97 : f32 to vector<16xf32>
      %mul3A_608 = arith.mulf %scan3A_212#12, %mul3A_607 : vector<16xf32>
      %add3A_609 = arith.addf %add3A_606, %mul3A_608 : vector<16xf32>
      %mul3A_610 = vector.broadcast %squeeze3A_117 : f32 to vector<16xf32>
      %mul3A_611 = arith.mulf %scan3A_212#13, %mul3A_610 : vector<16xf32>
      %add3A_612 = arith.addf %add3A_609, %mul3A_611 : vector<16xf32>
      tpu.vector_store_idx %arg11[%add3A_482, %broadcast_in_dim3A_156], %add3A_612 : memref<512x10xf32, #tpu.memory_space<vmem>>[vector<16xi32>, vector<16xi32>], vector<16xf32>,
      %add3A_613 = arith.constant 384 : i32
      %add3A_614 = vector.broadcast %add3A_613 : i32 to vector<16xi32>
      %add3A_615 = arith.addi %add3A_203, %add3A_614 : vector<16xi32>
      %broadcast_in_dim3A_616 = vector.broadcast %squeeze3A_119 : f32 to vector<16xf32>
      %mul3A_617 = vector.broadcast %squeeze3A : f32 to vector<16xf32>
      %mul3A_618 = arith.mulf %scan3A_212#14, %mul3A_617 : vector<16xf32>
      %add3A_619 = arith.addf %broadcast_in_dim3A_616, %mul3A_618 : vector<16xf32>
      %mul3A_620 = vector.broadcast %squeeze3A_59 : f32 to vector<16xf32>
      %mul3A_621 = arith.mulf %scan3A_212#15, %mul3A_620 : vector<16xf32>
      %add3A_622 = arith.addf %add3A_619, %mul3A_621 : vector<16xf32>
      %mul3A_623 = vector.broadcast %squeeze3A_79 : f32 to vector<16xf32>
      %mul3A_624 = arith.mulf %scan3A_212#16, %mul3A_623 : vector<16xf32>
      %add3A_625 = arith.addf %add3A_622, %mul3A_624 : vector<16xf32>
      %mul3A_626 = vector.broadcast %squeeze3A_99 : f32 to vector<16xf32>
      %mul3A_627 = arith.mulf %scan3A_212#17, %mul3A_626 : vector<16xf32>
      %add3A_628 = arith.addf %add3A_625, %mul3A_627 : vector<16xf32>
      tpu.vector_store_idx %arg11[%add3A_615, %broadcast_in_dim3A_138], %add3A_628 : memref<512x10xf32, #tpu.memory_space<vmem>>[vector<16xi32>, vector<16xi32>], vector<16xf32>,
      %broadcast_in_dim3A_629 = vector.broadcast %squeeze3A_121 : f32 to vector<16xf32>
      %mul3A_630 = vector.broadcast %squeeze3A_41 : f32 to vector<16xf32>
      %mul3A_631 = arith.mulf %scan3A_212#14, %mul3A_630 : vector<16xf32>
      %add3A_632 = arith.addf %broadcast_in_dim3A_629, %mul3A_631 : vector<16xf32>
      %mul3A_633 = vector.broadcast %squeeze3A_61 : f32 to vector<16xf32>
      %mul3A_634 = arith.mulf %scan3A_212#15, %mul3A_633 : vector<16xf32>
      %add3A_635 = arith.addf %add3A_632, %mul3A_634 : vector<16xf32>
      %mul3A_636 = vector.broadcast %squeeze3A_81 : f32 to vector<16xf32>
      %mul3A_637 = arith.mulf %scan3A_212#16, %mul3A_636 : vector<16xf32>
      %add3A_638 = arith.addf %add3A_635, %mul3A_637 : vector<16xf32>
      %mul3A_639 = vector.broadcast %squeeze3A_101 : f32 to vector<16xf32>
      %mul3A_640 = arith.mulf %scan3A_212#17, %mul3A_639 : vector<16xf32>
      %add3A_641 = arith.addf %add3A_638, %mul3A_640 : vector<16xf32>
      tpu.vector_store_idx %arg11[%add3A_615, %broadcast_in_dim3A_140], %add3A_641 : memref<512x10xf32, #tpu.memory_space<vmem>>[vector<16xi32>, vector<16xi32>], vector<16xf32>,
      %broadcast_in_dim3A_642 = vector.broadcast %squeeze3A_123 : f32 to vector<16xf32>
      %mul3A_643 = vector.broadcast %squeeze3A_43 : f32 to vector<16xf32>
      %mul3A_644 = arith.mulf %scan3A_212#14, %mul3A_643 : vector<16xf32>
      %add3A_645 = arith.addf %broadcast_in_dim3A_642, %mul3A_644 : vector<16xf32>
      %mul3A_646 = vector.broadcast %squeeze3A_63 : f32 to vector<16xf32>
      %mul3A_647 = arith.mulf %scan3A_212#15, %mul3A_646 : vector<16xf32>
      %add3A_648 = arith.addf %add3A_645, %mul3A_647 : vector<16xf32>
      %mul3A_649 = vector.broadcast %squeeze3A_83 : f32 to vector<16xf32>
      %mul3A_650 = arith.mulf %scan3A_212#16, %mul3A_649 : vector<16xf32>
      %add3A_651 = arith.addf %add3A_648, %mul3A_650 : vector<16xf32>
      %mul3A_652 = vector.broadcast %squeeze3A_103 : f32 to vector<16xf32>
      %mul3A_653 = arith.mulf %scan3A_212#17, %mul3A_652 : vector<16xf32>
      %add3A_654 = arith.addf %add3A_651, %mul3A_653 : vector<16xf32>
      tpu.vector_store_idx %arg11[%add3A_615, %broadcast_in_dim3A_142], %add3A_654 : memref<512x10xf32, #tpu.memory_space<vmem>>[vector<16xi32>, vector<16xi32>], vector<16xf32>,
      %broadcast_in_dim3A_655 = vector.broadcast %squeeze3A_125 : f32 to vector<16xf32>
      %mul3A_656 = vector.broadcast %squeeze3A_45 : f32 to vector<16xf32>
      %mul3A_657 = arith.mulf %scan3A_212#14, %mul3A_656 : vector<16xf32>
      %add3A_658 = arith.addf %broadcast_in_dim3A_655, %mul3A_657 : vector<16xf32>
      %mul3A_659 = vector.broadcast %squeeze3A_65 : f32 to vector<16xf32>
      %mul3A_660 = arith.mulf %scan3A_212#15, %mul3A_659 : vector<16xf32>
      %add3A_661 = arith.addf %add3A_658, %mul3A_660 : vector<16xf32>
      %mul3A_662 = vector.broadcast %squeeze3A_85 : f32 to vector<16xf32>
      %mul3A_663 = arith.mulf %scan3A_212#16, %mul3A_662 : vector<16xf32>
      %add3A_664 = arith.addf %add3A_661, %mul3A_663 : vector<16xf32>
      %mul3A_665 = vector.broadcast %squeeze3A_105 : f32 to vector<16xf32>
      %mul3A_666 = arith.mulf %scan3A_212#17, %mul3A_665 : vector<16xf32>
      %add3A_667 = arith.addf %add3A_664, %mul3A_666 : vector<16xf32>
      tpu.vector_store_idx %arg11[%add3A_615, %broadcast_in_dim3A_144], %add3A_667 : memref<512x10xf32, #tpu.memory_space<vmem>>[vector<16xi32>, vector<16xi32>], vector<16xf32>,
      %broadcast_in_dim3A_668 = vector.broadcast %squeeze3A_127 : f32 to vector<16xf32>
      %mul3A_669 = vector.broadcast %squeeze3A_47 : f32 to vector<16xf32>
      %mul3A_670 = arith.mulf %scan3A_212#14, %mul3A_669 : vector<16xf32>
      %add3A_671 = arith.addf %broadcast_in_dim3A_668, %mul3A_670 : vector<16xf32>
      %mul3A_672 = vector.broadcast %squeeze3A_67 : f32 to vector<16xf32>
      %mul3A_673 = arith.mulf %scan3A_212#15, %mul3A_672 : vector<16xf32>
      %add3A_674 = arith.addf %add3A_671, %mul3A_673 : vector<16xf32>
      %mul3A_675 = vector.broadcast %squeeze3A_87 : f32 to vector<16xf32>
      %mul3A_676 = arith.mulf %scan3A_212#16, %mul3A_675 : vector<16xf32>
      %add3A_677 = arith.addf %add3A_674, %mul3A_676 : vector<16xf32>
      %mul3A_678 = vector.broadcast %squeeze3A_107 : f32 to vector<16xf32>
      %mul3A_679 = arith.mulf %scan3A_212#17, %mul3A_678 : vector<16xf32>
      %add3A_680 = arith.addf %add3A_677, %mul3A_679 : vector<16xf32>
      tpu.vector_store_idx %arg11[%add3A_615, %broadcast_in_dim3A_146], %add3A_680 : memref<512x10xf32, #tpu.memory_space<vmem>>[vector<16xi32>, vector<16xi32>], vector<16xf32>,
      %broadcast_in_dim3A_681 = vector.broadcast %squeeze3A_129 : f32 to vector<16xf32>
      %mul3A_682 = vector.broadcast %squeeze3A_49 : f32 to vector<16xf32>
      %mul3A_683 = arith.mulf %scan3A_212#14, %mul3A_682 : vector<16xf32>
      %add3A_684 = arith.addf %broadcast_in_dim3A_681, %mul3A_683 : vector<16xf32>
      %mul3A_685 = vector.broadcast %squeeze3A_69 : f32 to vector<16xf32>
      %mul3A_686 = arith.mulf %scan3A_212#15, %mul3A_685 : vector<16xf32>
      %add3A_687 = arith.addf %add3A_684, %mul3A_686 : vector<16xf32>
      %mul3A_688 = vector.broadcast %squeeze3A_89 : f32 to vector<16xf32>
      %mul3A_689 = arith.mulf %scan3A_212#16, %mul3A_688 : vector<16xf32>
      %add3A_690 = arith.addf %add3A_687, %mul3A_689 : vector<16xf32>
      %mul3A_691 = vector.broadcast %squeeze3A_109 : f32 to vector<16xf32>
      %mul3A_692 = arith.mulf %scan3A_212#17, %mul3A_691 : vector<16xf32>
      %add3A_693 = arith.addf %add3A_690, %mul3A_692 : vector<16xf32>
      tpu.vector_store_idx %arg11[%add3A_615, %broadcast_in_dim3A_148], %add3A_693 : memref<512x10xf32, #tpu.memory_space<vmem>>[vector<16xi32>, vector<16xi32>], vector<16xf32>,
      %broadcast_in_dim3A_694 = vector.broadcast %squeeze3A_131 : f32 to vector<16xf32>
      %mul3A_695 = vector.broadcast %squeeze3A_51 : f32 to vector<16xf32>
      %mul3A_696 = arith.mulf %scan3A_212#14, %mul3A_695 : vector<16xf32>
      %add3A_697 = arith.addf %broadcast_in_dim3A_694, %mul3A_696 : vector<16xf32>
      %mul3A_698 = vector.broadcast %squeeze3A_71 : f32 to vector<16xf32>
      %mul3A_699 = arith.mulf %scan3A_212#15, %mul3A_698 : vector<16xf32>
      %add3A_700 = arith.addf %add3A_697, %mul3A_699 : vector<16xf32>
      %mul3A_701 = vector.broadcast %squeeze3A_91 : f32 to vector<16xf32>
      %mul3A_702 = arith.mulf %scan3A_212#16, %mul3A_701 : vector<16xf32>
      %add3A_703 = arith.addf %add3A_700, %mul3A_702 : vector<16xf32>
      %mul3A_704 = vector.broadcast %squeeze3A_111 : f32 to vector<16xf32>
      %mul3A_705 = arith.mulf %scan3A_212#17, %mul3A_704 : vector<16xf32>
      %add3A_706 = arith.addf %add3A_703, %mul3A_705 : vector<16xf32>
      tpu.vector_store_idx %arg11[%add3A_615, %broadcast_in_dim3A_150], %add3A_706 : memref<512x10xf32, #tpu.memory_space<vmem>>[vector<16xi32>, vector<16xi32>], vector<16xf32>,
      %broadcast_in_dim3A_707 = vector.broadcast %squeeze3A_133 : f32 to vector<16xf32>
      %mul3A_708 = vector.broadcast %squeeze3A_53 : f32 to vector<16xf32>
      %mul3A_709 = arith.mulf %scan3A_212#14, %mul3A_708 : vector<16xf32>
      %add3A_710 = arith.addf %broadcast_in_dim3A_707, %mul3A_709 : vector<16xf32>
      %mul3A_711 = vector.broadcast %squeeze3A_73 : f32 to vector<16xf32>
      %mul3A_712 = arith.mulf %scan3A_212#15, %mul3A_711 : vector<16xf32>
      %add3A_713 = arith.addf %add3A_710, %mul3A_712 : vector<16xf32>
      %mul3A_714 = vector.broadcast %squeeze3A_93 : f32 to vector<16xf32>
      %mul3A_715 = arith.mulf %scan3A_212#16, %mul3A_714 : vector<16xf32>
      %add3A_716 = arith.addf %add3A_713, %mul3A_715 : vector<16xf32>
      %mul3A_717 = vector.broadcast %squeeze3A_113 : f32 to vector<16xf32>
      %mul3A_718 = arith.mulf %scan3A_212#17, %mul3A_717 : vector<16xf32>
      %add3A_719 = arith.addf %add3A_716, %mul3A_718 : vector<16xf32>
      tpu.vector_store_idx %arg11[%add3A_615, %broadcast_in_dim3A_152], %add3A_719 : memref<512x10xf32, #tpu.memory_space<vmem>>[vector<16xi32>, vector<16xi32>], vector<16xf32>,
      %broadcast_in_dim3A_720 = vector.broadcast %squeeze3A_135 : f32 to vector<16xf32>
      %mul3A_721 = vector.broadcast %squeeze3A_55 : f32 to vector<16xf32>
      %mul3A_722 = arith.mulf %scan3A_212#14, %mul3A_721 : vector<16xf32>
      %add3A_723 = arith.addf %broadcast_in_dim3A_720, %mul3A_722 : vector<16xf32>
      %mul3A_724 = vector.broadcast %squeeze3A_75 : f32 to vector<16xf32>
      %mul3A_725 = arith.mulf %scan3A_212#15, %mul3A_724 : vector<16xf32>
      %add3A_726 = arith.addf %add3A_723, %mul3A_725 : vector<16xf32>
      %mul3A_727 = vector.broadcast %squeeze3A_95 : f32 to vector<16xf32>
      %mul3A_728 = arith.mulf %scan3A_212#16, %mul3A_727 : vector<16xf32>
      %add3A_729 = arith.addf %add3A_726, %mul3A_728 : vector<16xf32>
      %mul3A_730 = vector.broadcast %squeeze3A_115 : f32 to vector<16xf32>
      %mul3A_731 = arith.mulf %scan3A_212#17, %mul3A_730 : vector<16xf32>
      %add3A_732 = arith.addf %add3A_729, %mul3A_731 : vector<16xf32>
      tpu.vector_store_idx %arg11[%add3A_615, %broadcast_in_dim3A_154], %add3A_732 : memref<512x10xf32, #tpu.memory_space<vmem>>[vector<16xi32>, vector<16xi32>], vector<16xf32>,
      %broadcast_in_dim3A_733 = vector.broadcast %squeeze3A_137 : f32 to vector<16xf32>
      %mul3A_734 = vector.broadcast %squeeze3A_57 : f32 to vector<16xf32>
      %mul3A_735 = arith.mulf %scan3A_212#14, %mul3A_734 : vector<16xf32>
      %add3A_736 = arith.addf %broadcast_in_dim3A_733, %mul3A_735 : vector<16xf32>
      %mul3A_737 = vector.broadcast %squeeze3A_77 : f32 to vector<16xf32>
      %mul3A_738 = arith.mulf %scan3A_212#15, %mul3A_737 : vector<16xf32>
      %add3A_739 = arith.addf %add3A_736, %mul3A_738 : vector<16xf32>
      %mul3A_740 = vector.broadcast %squeeze3A_97 : f32 to vector<16xf32>
      %mul3A_741 = arith.mulf %scan3A_212#16, %mul3A_740 : vector<16xf32>
      %add3A_742 = arith.addf %add3A_739, %mul3A_741 : vector<16xf32>
      %mul3A_743 = vector.broadcast %squeeze3A_117 : f32 to vector<16xf32>
      %mul3A_744 = arith.mulf %scan3A_212#17, %mul3A_743 : vector<16xf32>
      %add3A_745 = arith.addf %add3A_742, %mul3A_744 : vector<16xf32>
      tpu.vector_store_idx %arg11[%add3A_615, %broadcast_in_dim3A_156], %add3A_745 : memref<512x10xf32, #tpu.memory_space<vmem>>[vector<16xi32>, vector<16xi32>], vector<16xf32>,
      %scan3A_746 = arith.constant 0 : i32
      scf.yield %scan3A_746 : i32
    }
    %scan3A_168 = arith.constant 4 : i32
    %dma_wait3A_169 = arith.constant 16384 : i32
    %dma_wait3A_170 = tpu.memref_slice %arg7[%dma_wait3A_169] : memref<32768xi32, #tpu.memory_space<vmem>> -> memref<16384xi32, #tpu.memory_space<vmem>>
    %dma_wait3A_171 = tpu.memref_slice %arg2[%add3A_11] : memref<1048576xi32, #tpu.memory_space<hbm>> -> memref<16384xi32, #tpu.memory_space<hbm>>
    %dma_wait3A_172 = arith.constant 16384 : i32
    %dma_wait3A_173 = tpu.memref_slice %arg7[%dma_wait3A_172] : memref<32768xi32, #tpu.memory_space<vmem>> -> memref<16384xi32, #tpu.memory_space<vmem>>
    %dma_wait3A_174 = tpu.memref_slice %arg2[%add3A_11] : memref<1048576xi32, #tpu.memory_space<hbm>> -> memref<16384xi32, #tpu.memory_space<hbm>>
    tpu.wait_dma2 semaphore(%arg13 : memref<!tpu.dma_semaphore, #tpu.memory_space<semaphore_mem>>) src(%dma_wait3A_174 : memref<16384xi32, #tpu.memory_space<hbm>>) dst(%dma_wait3A_173 : memref<16384xi32, #tpu.memory_space<vmem>>)
    %scan3A_175 = arith.constant 0 : i32
    %scan3A_176 = arith.constant 4 : i32
    %scan3A_177 = arith.constant 4 : i32
    %scan3A_178 = arith.addi %scan3A_176, %scan3A_177 : i32
    %scan3A_179 = arith.constant 1 : i32
    %scan3A_180 = scf.for %scan3A_198 = %scan3A_176 to %scan3A_178 step %scan3A_179 iter_args(%scan3A_199 = %scan3A_175) -> (i32)  : i32 {
      %mul3A_200 = arith.constant 16 : i32
      %mul3A_201 = arith.muli %scan3A_198, %mul3A_200 : i32
      %add3A_202 = vector.broadcast %mul3A_201 : i32 to vector<16xi32>
      %add3A_203 = arith.addi %iota3A, %add3A_202 : vector<16xi32>
      %mul3A_204 = arith.constant 256 : i32
      %mul3A_205 = vector.broadcast %mul3A_204 : i32 to vector<16xi32>
      %mul3A_206 = arith.muli %add3A_203, %mul3A_205 : vector<16xi32>
      %add3A_207 = arith.addi %mul3A_206, %iota3A : vector<16xi32>
      %scan3A_208 = arith.constant 0 : i32
      %scan3A_209 = arith.constant 50 : i32
      %scan3A_210 = arith.addi %scan3A_208, %scan3A_209 : i32
      %scan3A_211 = arith.constant 1 : i32
      %scan3A_212:18 = scf.for %scan3A_747 = %scan3A_208 to %scan3A_210 step %scan3A_211 iter_args(%scan3A_748 = %add3A_207, %scan3A_749 = %iota3A, %scan3A_750 = %broadcast_in_dim3A_162, %scan3A_751 = %broadcast_in_dim3A_162, %scan3A_752 = %broadcast_in_dim3A_162, %scan3A_753 = %broadcast_in_dim3A_162, %scan3A_754 = %broadcast_in_dim3A_162, %scan3A_755 = %broadcast_in_dim3A_162, %scan3A_756 = %broadcast_in_dim3A_162, %scan3A_757 = %broadcast_in_dim3A_162, %scan3A_758 = %broadcast_in_dim3A_162, %scan3A_759 = %broadcast_in_dim3A_162, %scan3A_760 = %broadcast_in_dim3A_162, %scan3A_761 = %broadcast_in_dim3A_162, %scan3A_762 = %broadcast_in_dim3A_162, %scan3A_763 = %broadcast_in_dim3A_162, %scan3A_764 = %broadcast_in_dim3A_162, %scan3A_765 = %broadcast_in_dim3A_162) -> (vector<16xi32>, vector<16xi32>, vector<16xf32>, vector<16xf32>, vector<16xf32>, vector<16xf32>, vector<16xf32>, vector<16xf32>, vector<16xf32>, vector<16xf32>, vector<16xf32>, vector<16xf32>, vector<16xf32>, vector<16xf32>, vector<16xf32>, vector<16xf32>, vector<16xf32>, vector<16xf32>)  : i32 {
        %gather3A = tpu.vector_load_idx %arg7[%scan3A_748] : memref<32768xi32, #tpu.memory_space<vmem>>[vector<16xi32>], vector<16xi32>,
        %shift_left3A = arith.constant 6 : i32
        %shift_left3A_766 = vector.broadcast %shift_left3A : i32 to vector<16xi32>
        %shift_left3A_767 = arith.shli %gather3A, %shift_left3A_766 : vector<16xi32>
        %and3A = arith.andi %shift_left3A_767, %broadcast_in_dim3A_158 : vector<16xi32>
        %or3A = arith.ori %and3A, %iota3A : vector<16xi32>
        %gather3A_768 = arith.constant 0 : i32
        %gather3A_769 = tpu.memref_slice %arg8[%gather3A_768] : memref<10624xf32, #tpu.memory_space<vmem>> -> memref<10560xf32, #tpu.memory_space<vmem>>
        %gather3A_770 = tpu.vector_load_idx %gather3A_769[%or3A] : memref<10560xf32, #tpu.memory_space<vmem>>[vector<16xi32>], vector<16xf32>,
        %add3A_771 = arith.addf %scan3A_750, %gather3A_770 : vector<16xf32>
        %gather3A_772 = arith.constant 16 : i32
        %gather3A_773 = tpu.memref_slice %arg8[%gather3A_772] : memref<10624xf32, #tpu.memory_space<vmem>> -> memref<10560xf32, #tpu.memory_space<vmem>>
        %gather3A_774 = tpu.vector_load_idx %gather3A_773[%or3A] : memref<10560xf32, #tpu.memory_space<vmem>>[vector<16xi32>], vector<16xf32>,
        %add3A_775 = arith.addf %scan3A_751, %gather3A_774 : vector<16xf32>
        %gather3A_776 = arith.constant 32 : i32
        %gather3A_777 = tpu.memref_slice %arg8[%gather3A_776] : memref<10624xf32, #tpu.memory_space<vmem>> -> memref<10560xf32, #tpu.memory_space<vmem>>
        %gather3A_778 = tpu.vector_load_idx %gather3A_777[%or3A] : memref<10560xf32, #tpu.memory_space<vmem>>[vector<16xi32>], vector<16xf32>,
        %add3A_779 = arith.addf %scan3A_752, %gather3A_778 : vector<16xf32>
        %gather3A_780 = arith.constant 48 : i32
        %gather3A_781 = tpu.memref_slice %arg8[%gather3A_780] : memref<10624xf32, #tpu.memory_space<vmem>> -> memref<10560xf32, #tpu.memory_space<vmem>>
        %gather3A_782 = tpu.vector_load_idx %gather3A_781[%or3A] : memref<10560xf32, #tpu.memory_space<vmem>>[vector<16xi32>], vector<16xf32>,
        %add3A_783 = arith.addf %scan3A_753, %gather3A_782 : vector<16xf32>
        %shift_right_arithmetic3A = arith.constant 2 : i32
        %shift_right_arithmetic3A_784 = vector.broadcast %shift_right_arithmetic3A : i32 to vector<16xi32>
        %shift_right_arithmetic3A_785 = arith.shrsi %gather3A, %shift_right_arithmetic3A_784 : vector<16xi32>
        %and3A_786 = arith.andi %shift_right_arithmetic3A_785, %broadcast_in_dim3A_158 : vector<16xi32>
        %or3A_787 = arith.ori %and3A_786, %iota3A : vector<16xi32>
        %gather3A_788 = arith.constant 0 : i32
        %gather3A_789 = tpu.memref_slice %arg8[%gather3A_788] : memref<10624xf32, #tpu.memory_space<vmem>> -> memref<10560xf32, #tpu.memory_space<vmem>>
        %gather3A_790 = tpu.vector_load_idx %gather3A_789[%or3A_787] : memref<10560xf32, #tpu.memory_space<vmem>>[vector<16xi32>], vector<16xf32>,
        %add3A_791 = arith.addf %scan3A_754, %gather3A_790 : vector<16xf32>
        %gather3A_792 = arith.constant 16 : i32
        %gather3A_793 = tpu.memref_slice %arg8[%gather3A_792] : memref<10624xf32, #tpu.memory_space<vmem>> -> memref<10560xf32, #tpu.memory_space<vmem>>
        %gather3A_794 = tpu.vector_load_idx %gather3A_793[%or3A_787] : memref<10560xf32, #tpu.memory_space<vmem>>[vector<16xi32>], vector<16xf32>,
        %add3A_795 = arith.addf %scan3A_755, %gather3A_794 : vector<16xf32>
        %gather3A_796 = arith.constant 32 : i32
        %gather3A_797 = tpu.memref_slice %arg8[%gather3A_796] : memref<10624xf32, #tpu.memory_space<vmem>> -> memref<10560xf32, #tpu.memory_space<vmem>>
        %gather3A_798 = tpu.vector_load_idx %gather3A_797[%or3A_787] : memref<10560xf32, #tpu.memory_space<vmem>>[vector<16xi32>], vector<16xf32>,
        %add3A_799 = arith.addf %scan3A_756, %gather3A_798 : vector<16xf32>
        %gather3A_800 = arith.constant 48 : i32
        %gather3A_801 = tpu.memref_slice %arg8[%gather3A_800] : memref<10624xf32, #tpu.memory_space<vmem>> -> memref<10560xf32, #tpu.memory_space<vmem>>
        %gather3A_802 = tpu.vector_load_idx %gather3A_801[%or3A_787] : memref<10560xf32, #tpu.memory_space<vmem>>[vector<16xi32>], vector<16xf32>,
        %add3A_803 = arith.addf %scan3A_757, %gather3A_802 : vector<16xf32>
        %shift_right_arithmetic3A_804 = arith.constant 10 : i32
        %shift_right_arithmetic3A_805 = vector.broadcast %shift_right_arithmetic3A_804 : i32 to vector<16xi32>
        %shift_right_arithmetic3A_806 = arith.shrsi %gather3A, %shift_right_arithmetic3A_805 : vector<16xi32>
        %and3A_807 = arith.andi %shift_right_arithmetic3A_806, %broadcast_in_dim3A_158 : vector<16xi32>
        %or3A_808 = arith.ori %and3A_807, %iota3A : vector<16xi32>
        %gather3A_809 = arith.constant 0 : i32
        %gather3A_810 = tpu.memref_slice %arg8[%gather3A_809] : memref<10624xf32, #tpu.memory_space<vmem>> -> memref<10560xf32, #tpu.memory_space<vmem>>
        %gather3A_811 = tpu.vector_load_idx %gather3A_810[%or3A_808] : memref<10560xf32, #tpu.memory_space<vmem>>[vector<16xi32>], vector<16xf32>,
        %add3A_812 = arith.addf %scan3A_758, %gather3A_811 : vector<16xf32>
        %gather3A_813 = arith.constant 16 : i32
        %gather3A_814 = tpu.memref_slice %arg8[%gather3A_813] : memref<10624xf32, #tpu.memory_space<vmem>> -> memref<10560xf32, #tpu.memory_space<vmem>>
        %gather3A_815 = tpu.vector_load_idx %gather3A_814[%or3A_808] : memref<10560xf32, #tpu.memory_space<vmem>>[vector<16xi32>], vector<16xf32>,
        %add3A_816 = arith.addf %scan3A_759, %gather3A_815 : vector<16xf32>
        %gather3A_817 = arith.constant 32 : i32
        %gather3A_818 = tpu.memref_slice %arg8[%gather3A_817] : memref<10624xf32, #tpu.memory_space<vmem>> -> memref<10560xf32, #tpu.memory_space<vmem>>
        %gather3A_819 = tpu.vector_load_idx %gather3A_818[%or3A_808] : memref<10560xf32, #tpu.memory_space<vmem>>[vector<16xi32>], vector<16xf32>,
        %add3A_820 = arith.addf %scan3A_760, %gather3A_819 : vector<16xf32>
        %gather3A_821 = arith.constant 48 : i32
        %gather3A_822 = tpu.memref_slice %arg8[%gather3A_821] : memref<10624xf32, #tpu.memory_space<vmem>> -> memref<10560xf32, #tpu.memory_space<vmem>>
        %gather3A_823 = tpu.vector_load_idx %gather3A_822[%or3A_808] : memref<10560xf32, #tpu.memory_space<vmem>>[vector<16xi32>], vector<16xf32>,
        %add3A_824 = arith.addf %scan3A_761, %gather3A_823 : vector<16xf32>
        %shift_right_arithmetic3A_825 = arith.constant 18 : i32
        %shift_right_arithmetic3A_826 = vector.broadcast %shift_right_arithmetic3A_825 : i32 to vector<16xi32>
        %shift_right_arithmetic3A_827 = arith.shrsi %gather3A, %shift_right_arithmetic3A_826 : vector<16xi32>
        %and3A_828 = arith.andi %shift_right_arithmetic3A_827, %broadcast_in_dim3A_158 : vector<16xi32>
        %or3A_829 = arith.ori %and3A_828, %iota3A : vector<16xi32>
        %gather3A_830 = arith.constant 0 : i32
        %gather3A_831 = tpu.memref_slice %arg8[%gather3A_830] : memref<10624xf32, #tpu.memory_space<vmem>> -> memref<10560xf32, #tpu.memory_space<vmem>>
        %gather3A_832 = tpu.vector_load_idx %gather3A_831[%or3A_829] : memref<10560xf32, #tpu.memory_space<vmem>>[vector<16xi32>], vector<16xf32>,
        %add3A_833 = arith.addf %scan3A_762, %gather3A_832 : vector<16xf32>
        %gather3A_834 = arith.constant 16 : i32
        %gather3A_835 = tpu.memref_slice %arg8[%gather3A_834] : memref<10624xf32, #tpu.memory_space<vmem>> -> memref<10560xf32, #tpu.memory_space<vmem>>
        %gather3A_836 = tpu.vector_load_idx %gather3A_835[%or3A_829] : memref<10560xf32, #tpu.memory_space<vmem>>[vector<16xi32>], vector<16xf32>,
        %add3A_837 = arith.addf %scan3A_763, %gather3A_836 : vector<16xf32>
        %gather3A_838 = arith.constant 32 : i32
        %gather3A_839 = tpu.memref_slice %arg8[%gather3A_838] : memref<10624xf32, #tpu.memory_space<vmem>> -> memref<10560xf32, #tpu.memory_space<vmem>>
        %gather3A_840 = tpu.vector_load_idx %gather3A_839[%or3A_829] : memref<10560xf32, #tpu.memory_space<vmem>>[vector<16xi32>], vector<16xf32>,
        %add3A_841 = arith.addf %scan3A_764, %gather3A_840 : vector<16xf32>
        %gather3A_842 = arith.constant 48 : i32
        %gather3A_843 = tpu.memref_slice %arg8[%gather3A_842] : memref<10624xf32, #tpu.memory_space<vmem>> -> memref<10560xf32, #tpu.memory_space<vmem>>
        %gather3A_844 = tpu.vector_load_idx %gather3A_843[%or3A_829] : memref<10560xf32, #tpu.memory_space<vmem>>[vector<16xi32>], vector<16xf32>,
        %add3A_845 = arith.addf %scan3A_765, %gather3A_844 : vector<16xf32>
        %add3A_846 = arith.constant 1 : i32
        %add3A_847 = vector.broadcast %add3A_846 : i32 to vector<16xi32>
        %add3A_848 = arith.addi %scan3A_749, %add3A_847 : vector<16xi32>
        %add3A_849 = arith.constant 1 : i32
        %add3A_850 = vector.broadcast %add3A_849 : i32 to vector<16xi32>
        %add3A_851 = arith.addi %scan3A_748, %add3A_850 : vector<16xi32>
        %eq3A = arith.cmpi eq, %add3A_848, %broadcast_in_dim3A_160 : vector<16xi32>
        %sub3A = arith.constant 200 : i32
        %sub3A_852 = vector.broadcast %sub3A : i32 to vector<16xi32>
        %sub3A_853 = arith.subi %add3A_851, %sub3A_852 : vector<16xi32>
        %select_n3A = arith.select %eq3A, %sub3A_853, %add3A_851 : vector<16xi1>, vector<16xi32>
        %gather3A_854 = tpu.vector_load_idx %arg7[%select_n3A] : memref<32768xi32, #tpu.memory_space<vmem>>[vector<16xi32>], vector<16xi32>,
        %shift_left3A_855 = arith.constant 6 : i32
        %shift_left3A_856 = vector.broadcast %shift_left3A_855 : i32 to vector<16xi32>
        %shift_left3A_857 = arith.shli %gather3A_854, %shift_left3A_856 : vector<16xi32>
        %and3A_858 = arith.andi %shift_left3A_857, %broadcast_in_dim3A_158 : vector<16xi32>
        %or3A_859 = arith.ori %and3A_858, %iota3A : vector<16xi32>
        %gather3A_860 = arith.constant 0 : i32
        %gather3A_861 = tpu.memref_slice %arg8[%gather3A_860] : memref<10624xf32, #tpu.memory_space<vmem>> -> memref<10560xf32, #tpu.memory_space<vmem>>
        %gather3A_862 = tpu.vector_load_idx %gather3A_861[%or3A_859] : memref<10560xf32, #tpu.memory_space<vmem>>[vector<16xi32>], vector<16xf32>,
        %add3A_863 = arith.addf %add3A_771, %gather3A_862 : vector<16xf32>
        %gather3A_864 = arith.constant 16 : i32
        %gather3A_865 = tpu.memref_slice %arg8[%gather3A_864] : memref<10624xf32, #tpu.memory_space<vmem>> -> memref<10560xf32, #tpu.memory_space<vmem>>
        %gather3A_866 = tpu.vector_load_idx %gather3A_865[%or3A_859] : memref<10560xf32, #tpu.memory_space<vmem>>[vector<16xi32>], vector<16xf32>,
        %add3A_867 = arith.addf %add3A_775, %gather3A_866 : vector<16xf32>
        %gather3A_868 = arith.constant 32 : i32
        %gather3A_869 = tpu.memref_slice %arg8[%gather3A_868] : memref<10624xf32, #tpu.memory_space<vmem>> -> memref<10560xf32, #tpu.memory_space<vmem>>
        %gather3A_870 = tpu.vector_load_idx %gather3A_869[%or3A_859] : memref<10560xf32, #tpu.memory_space<vmem>>[vector<16xi32>], vector<16xf32>,
        %add3A_871 = arith.addf %add3A_779, %gather3A_870 : vector<16xf32>
        %gather3A_872 = arith.constant 48 : i32
        %gather3A_873 = tpu.memref_slice %arg8[%gather3A_872] : memref<10624xf32, #tpu.memory_space<vmem>> -> memref<10560xf32, #tpu.memory_space<vmem>>
        %gather3A_874 = tpu.vector_load_idx %gather3A_873[%or3A_859] : memref<10560xf32, #tpu.memory_space<vmem>>[vector<16xi32>], vector<16xf32>,
        %add3A_875 = arith.addf %add3A_783, %gather3A_874 : vector<16xf32>
        %shift_right_arithmetic3A_876 = arith.constant 2 : i32
        %shift_right_arithmetic3A_877 = vector.broadcast %shift_right_arithmetic3A_876 : i32 to vector<16xi32>
        %shift_right_arithmetic3A_878 = arith.shrsi %gather3A_854, %shift_right_arithmetic3A_877 : vector<16xi32>
        %and3A_879 = arith.andi %shift_right_arithmetic3A_878, %broadcast_in_dim3A_158 : vector<16xi32>
        %or3A_880 = arith.ori %and3A_879, %iota3A : vector<16xi32>
        %gather3A_881 = arith.constant 0 : i32
        %gather3A_882 = tpu.memref_slice %arg8[%gather3A_881] : memref<10624xf32, #tpu.memory_space<vmem>> -> memref<10560xf32, #tpu.memory_space<vmem>>
        %gather3A_883 = tpu.vector_load_idx %gather3A_882[%or3A_880] : memref<10560xf32, #tpu.memory_space<vmem>>[vector<16xi32>], vector<16xf32>,
        %add3A_884 = arith.addf %add3A_791, %gather3A_883 : vector<16xf32>
        %gather3A_885 = arith.constant 16 : i32
        %gather3A_886 = tpu.memref_slice %arg8[%gather3A_885] : memref<10624xf32, #tpu.memory_space<vmem>> -> memref<10560xf32, #tpu.memory_space<vmem>>
        %gather3A_887 = tpu.vector_load_idx %gather3A_886[%or3A_880] : memref<10560xf32, #tpu.memory_space<vmem>>[vector<16xi32>], vector<16xf32>,
        %add3A_888 = arith.addf %add3A_795, %gather3A_887 : vector<16xf32>
        %gather3A_889 = arith.constant 32 : i32
        %gather3A_890 = tpu.memref_slice %arg8[%gather3A_889] : memref<10624xf32, #tpu.memory_space<vmem>> -> memref<10560xf32, #tpu.memory_space<vmem>>
        %gather3A_891 = tpu.vector_load_idx %gather3A_890[%or3A_880] : memref<10560xf32, #tpu.memory_space<vmem>>[vector<16xi32>], vector<16xf32>,
        %add3A_892 = arith.addf %add3A_799, %gather3A_891 : vector<16xf32>
        %gather3A_893 = arith.constant 48 : i32
        %gather3A_894 = tpu.memref_slice %arg8[%gather3A_893] : memref<10624xf32, #tpu.memory_space<vmem>> -> memref<10560xf32, #tpu.memory_space<vmem>>
        %gather3A_895 = tpu.vector_load_idx %gather3A_894[%or3A_880] : memref<10560xf32, #tpu.memory_space<vmem>>[vector<16xi32>], vector<16xf32>,
        %add3A_896 = arith.addf %add3A_803, %gather3A_895 : vector<16xf32>
        %shift_right_arithmetic3A_897 = arith.constant 10 : i32
        %shift_right_arithmetic3A_898 = vector.broadcast %shift_right_arithmetic3A_897 : i32 to vector<16xi32>
        %shift_right_arithmetic3A_899 = arith.shrsi %gather3A_854, %shift_right_arithmetic3A_898 : vector<16xi32>
        %and3A_900 = arith.andi %shift_right_arithmetic3A_899, %broadcast_in_dim3A_158 : vector<16xi32>
        %or3A_901 = arith.ori %and3A_900, %iota3A : vector<16xi32>
        %gather3A_902 = arith.constant 0 : i32
        %gather3A_903 = tpu.memref_slice %arg8[%gather3A_902] : memref<10624xf32, #tpu.memory_space<vmem>> -> memref<10560xf32, #tpu.memory_space<vmem>>
        %gather3A_904 = tpu.vector_load_idx %gather3A_903[%or3A_901] : memref<10560xf32, #tpu.memory_space<vmem>>[vector<16xi32>], vector<16xf32>,
        %add3A_905 = arith.addf %add3A_812, %gather3A_904 : vector<16xf32>
        %gather3A_906 = arith.constant 16 : i32
        %gather3A_907 = tpu.memref_slice %arg8[%gather3A_906] : memref<10624xf32, #tpu.memory_space<vmem>> -> memref<10560xf32, #tpu.memory_space<vmem>>
        %gather3A_908 = tpu.vector_load_idx %gather3A_907[%or3A_901] : memref<10560xf32, #tpu.memory_space<vmem>>[vector<16xi32>], vector<16xf32>,
        %add3A_909 = arith.addf %add3A_816, %gather3A_908 : vector<16xf32>
        %gather3A_910 = arith.constant 32 : i32
        %gather3A_911 = tpu.memref_slice %arg8[%gather3A_910] : memref<10624xf32, #tpu.memory_space<vmem>> -> memref<10560xf32, #tpu.memory_space<vmem>>
        %gather3A_912 = tpu.vector_load_idx %gather3A_911[%or3A_901] : memref<10560xf32, #tpu.memory_space<vmem>>[vector<16xi32>], vector<16xf32>,
        %add3A_913 = arith.addf %add3A_820, %gather3A_912 : vector<16xf32>
        %gather3A_914 = arith.constant 48 : i32
        %gather3A_915 = tpu.memref_slice %arg8[%gather3A_914] : memref<10624xf32, #tpu.memory_space<vmem>> -> memref<10560xf32, #tpu.memory_space<vmem>>
        %gather3A_916 = tpu.vector_load_idx %gather3A_915[%or3A_901] : memref<10560xf32, #tpu.memory_space<vmem>>[vector<16xi32>], vector<16xf32>,
        %add3A_917 = arith.addf %add3A_824, %gather3A_916 : vector<16xf32>
        %shift_right_arithmetic3A_918 = arith.constant 18 : i32
        %shift_right_arithmetic3A_919 = vector.broadcast %shift_right_arithmetic3A_918 : i32 to vector<16xi32>
        %shift_right_arithmetic3A_920 = arith.shrsi %gather3A_854, %shift_right_arithmetic3A_919 : vector<16xi32>
        %and3A_921 = arith.andi %shift_right_arithmetic3A_920, %broadcast_in_dim3A_158 : vector<16xi32>
        %or3A_922 = arith.ori %and3A_921, %iota3A : vector<16xi32>
        %gather3A_923 = arith.constant 0 : i32
        %gather3A_924 = tpu.memref_slice %arg8[%gather3A_923] : memref<10624xf32, #tpu.memory_space<vmem>> -> memref<10560xf32, #tpu.memory_space<vmem>>
        %gather3A_925 = tpu.vector_load_idx %gather3A_924[%or3A_922] : memref<10560xf32, #tpu.memory_space<vmem>>[vector<16xi32>], vector<16xf32>,
        %add3A_926 = arith.addf %add3A_833, %gather3A_925 : vector<16xf32>
        %gather3A_927 = arith.constant 16 : i32
        %gather3A_928 = tpu.memref_slice %arg8[%gather3A_927] : memref<10624xf32, #tpu.memory_space<vmem>> -> memref<10560xf32, #tpu.memory_space<vmem>>
        %gather3A_929 = tpu.vector_load_idx %gather3A_928[%or3A_922] : memref<10560xf32, #tpu.memory_space<vmem>>[vector<16xi32>], vector<16xf32>,
        %add3A_930 = arith.addf %add3A_837, %gather3A_929 : vector<16xf32>
        %gather3A_931 = arith.constant 32 : i32
        %gather3A_932 = tpu.memref_slice %arg8[%gather3A_931] : memref<10624xf32, #tpu.memory_space<vmem>> -> memref<10560xf32, #tpu.memory_space<vmem>>
        %gather3A_933 = tpu.vector_load_idx %gather3A_932[%or3A_922] : memref<10560xf32, #tpu.memory_space<vmem>>[vector<16xi32>], vector<16xf32>,
        %add3A_934 = arith.addf %add3A_841, %gather3A_933 : vector<16xf32>
        %gather3A_935 = arith.constant 48 : i32
        %gather3A_936 = tpu.memref_slice %arg8[%gather3A_935] : memref<10624xf32, #tpu.memory_space<vmem>> -> memref<10560xf32, #tpu.memory_space<vmem>>
        %gather3A_937 = tpu.vector_load_idx %gather3A_936[%or3A_922] : memref<10560xf32, #tpu.memory_space<vmem>>[vector<16xi32>], vector<16xf32>,
        %add3A_938 = arith.addf %add3A_845, %gather3A_937 : vector<16xf32>
        %add3A_939 = arith.constant 1 : i32
        %add3A_940 = vector.broadcast %add3A_939 : i32 to vector<16xi32>
        %add3A_941 = arith.addi %add3A_848, %add3A_940 : vector<16xi32>
        %add3A_942 = arith.constant 1 : i32
        %add3A_943 = vector.broadcast %add3A_942 : i32 to vector<16xi32>
        %add3A_944 = arith.addi %select_n3A, %add3A_943 : vector<16xi32>
        %eq3A_945 = arith.cmpi eq, %add3A_941, %broadcast_in_dim3A_160 : vector<16xi32>
        %sub3A_946 = arith.constant 200 : i32
        %sub3A_947 = vector.broadcast %sub3A_946 : i32 to vector<16xi32>
        %sub3A_948 = arith.subi %add3A_944, %sub3A_947 : vector<16xi32>
        %select_n3A_949 = arith.select %eq3A_945, %sub3A_948, %add3A_944 : vector<16xi1>, vector<16xi32>
        %gather3A_950 = tpu.vector_load_idx %arg7[%select_n3A_949] : memref<32768xi32, #tpu.memory_space<vmem>>[vector<16xi32>], vector<16xi32>,
        %shift_left3A_951 = arith.constant 6 : i32
        %shift_left3A_952 = vector.broadcast %shift_left3A_951 : i32 to vector<16xi32>
        %shift_left3A_953 = arith.shli %gather3A_950, %shift_left3A_952 : vector<16xi32>
        %and3A_954 = arith.andi %shift_left3A_953, %broadcast_in_dim3A_158 : vector<16xi32>
        %or3A_955 = arith.ori %and3A_954, %iota3A : vector<16xi32>
        %gather3A_956 = arith.constant 0 : i32
        %gather3A_957 = tpu.memref_slice %arg8[%gather3A_956] : memref<10624xf32, #tpu.memory_space<vmem>> -> memref<10560xf32, #tpu.memory_space<vmem>>
        %gather3A_958 = tpu.vector_load_idx %gather3A_957[%or3A_955] : memref<10560xf32, #tpu.memory_space<vmem>>[vector<16xi32>], vector<16xf32>,
        %add3A_959 = arith.addf %add3A_863, %gather3A_958 : vector<16xf32>
        %gather3A_960 = arith.constant 16 : i32
        %gather3A_961 = tpu.memref_slice %arg8[%gather3A_960] : memref<10624xf32, #tpu.memory_space<vmem>> -> memref<10560xf32, #tpu.memory_space<vmem>>
        %gather3A_962 = tpu.vector_load_idx %gather3A_961[%or3A_955] : memref<10560xf32, #tpu.memory_space<vmem>>[vector<16xi32>], vector<16xf32>,
        %add3A_963 = arith.addf %add3A_867, %gather3A_962 : vector<16xf32>
        %gather3A_964 = arith.constant 32 : i32
        %gather3A_965 = tpu.memref_slice %arg8[%gather3A_964] : memref<10624xf32, #tpu.memory_space<vmem>> -> memref<10560xf32, #tpu.memory_space<vmem>>
        %gather3A_966 = tpu.vector_load_idx %gather3A_965[%or3A_955] : memref<10560xf32, #tpu.memory_space<vmem>>[vector<16xi32>], vector<16xf32>,
        %add3A_967 = arith.addf %add3A_871, %gather3A_966 : vector<16xf32>
        %gather3A_968 = arith.constant 48 : i32
        %gather3A_969 = tpu.memref_slice %arg8[%gather3A_968] : memref<10624xf32, #tpu.memory_space<vmem>> -> memref<10560xf32, #tpu.memory_space<vmem>>
        %gather3A_970 = tpu.vector_load_idx %gather3A_969[%or3A_955] : memref<10560xf32, #tpu.memory_space<vmem>>[vector<16xi32>], vector<16xf32>,
        %add3A_971 = arith.addf %add3A_875, %gather3A_970 : vector<16xf32>
        %shift_right_arithmetic3A_972 = arith.constant 2 : i32
        %shift_right_arithmetic3A_973 = vector.broadcast %shift_right_arithmetic3A_972 : i32 to vector<16xi32>
        %shift_right_arithmetic3A_974 = arith.shrsi %gather3A_950, %shift_right_arithmetic3A_973 : vector<16xi32>
        %and3A_975 = arith.andi %shift_right_arithmetic3A_974, %broadcast_in_dim3A_158 : vector<16xi32>
        %or3A_976 = arith.ori %and3A_975, %iota3A : vector<16xi32>
        %gather3A_977 = arith.constant 0 : i32
        %gather3A_978 = tpu.memref_slice %arg8[%gather3A_977] : memref<10624xf32, #tpu.memory_space<vmem>> -> memref<10560xf32, #tpu.memory_space<vmem>>
        %gather3A_979 = tpu.vector_load_idx %gather3A_978[%or3A_976] : memref<10560xf32, #tpu.memory_space<vmem>>[vector<16xi32>], vector<16xf32>,
        %add3A_980 = arith.addf %add3A_884, %gather3A_979 : vector<16xf32>
        %gather3A_981 = arith.constant 16 : i32
        %gather3A_982 = tpu.memref_slice %arg8[%gather3A_981] : memref<10624xf32, #tpu.memory_space<vmem>> -> memref<10560xf32, #tpu.memory_space<vmem>>
        %gather3A_983 = tpu.vector_load_idx %gather3A_982[%or3A_976] : memref<10560xf32, #tpu.memory_space<vmem>>[vector<16xi32>], vector<16xf32>,
        %add3A_984 = arith.addf %add3A_888, %gather3A_983 : vector<16xf32>
        %gather3A_985 = arith.constant 32 : i32
        %gather3A_986 = tpu.memref_slice %arg8[%gather3A_985] : memref<10624xf32, #tpu.memory_space<vmem>> -> memref<10560xf32, #tpu.memory_space<vmem>>
        %gather3A_987 = tpu.vector_load_idx %gather3A_986[%or3A_976] : memref<10560xf32, #tpu.memory_space<vmem>>[vector<16xi32>], vector<16xf32>,
        %add3A_988 = arith.addf %add3A_892, %gather3A_987 : vector<16xf32>
        %gather3A_989 = arith.constant 48 : i32
        %gather3A_990 = tpu.memref_slice %arg8[%gather3A_989] : memref<10624xf32, #tpu.memory_space<vmem>> -> memref<10560xf32, #tpu.memory_space<vmem>>
        %gather3A_991 = tpu.vector_load_idx %gather3A_990[%or3A_976] : memref<10560xf32, #tpu.memory_space<vmem>>[vector<16xi32>], vector<16xf32>,
        %add3A_992 = arith.addf %add3A_896, %gather3A_991 : vector<16xf32>
        %shift_right_arithmetic3A_993 = arith.constant 10 : i32
        %shift_right_arithmetic3A_994 = vector.broadcast %shift_right_arithmetic3A_993 : i32 to vector<16xi32>
        %shift_right_arithmetic3A_995 = arith.shrsi %gather3A_950, %shift_right_arithmetic3A_994 : vector<16xi32>
        %and3A_996 = arith.andi %shift_right_arithmetic3A_995, %broadcast_in_dim3A_158 : vector<16xi32>
        %or3A_997 = arith.ori %and3A_996, %iota3A : vector<16xi32>
        %gather3A_998 = arith.constant 0 : i32
        %gather3A_999 = tpu.memref_slice %arg8[%gather3A_998] : memref<10624xf32, #tpu.memory_space<vmem>> -> memref<10560xf32, #tpu.memory_space<vmem>>
        %gather3A_1000 = tpu.vector_load_idx %gather3A_999[%or3A_997] : memref<10560xf32, #tpu.memory_space<vmem>>[vector<16xi32>], vector<16xf32>,
        %add3A_1001 = arith.addf %add3A_905, %gather3A_1000 : vector<16xf32>
        %gather3A_1002 = arith.constant 16 : i32
        %gather3A_1003 = tpu.memref_slice %arg8[%gather3A_1002] : memref<10624xf32, #tpu.memory_space<vmem>> -> memref<10560xf32, #tpu.memory_space<vmem>>
        %gather3A_1004 = tpu.vector_load_idx %gather3A_1003[%or3A_997] : memref<10560xf32, #tpu.memory_space<vmem>>[vector<16xi32>], vector<16xf32>,
        %add3A_1005 = arith.addf %add3A_909, %gather3A_1004 : vector<16xf32>
        %gather3A_1006 = arith.constant 32 : i32
        %gather3A_1007 = tpu.memref_slice %arg8[%gather3A_1006] : memref<10624xf32, #tpu.memory_space<vmem>> -> memref<10560xf32, #tpu.memory_space<vmem>>
        %gather3A_1008 = tpu.vector_load_idx %gather3A_1007[%or3A_997] : memref<10560xf32, #tpu.memory_space<vmem>>[vector<16xi32>], vector<16xf32>,
        %add3A_1009 = arith.addf %add3A_913, %gather3A_1008 : vector<16xf32>
        %gather3A_1010 = arith.constant 48 : i32
        %gather3A_1011 = tpu.memref_slice %arg8[%gather3A_1010] : memref<10624xf32, #tpu.memory_space<vmem>> -> memref<10560xf32, #tpu.memory_space<vmem>>
        %gather3A_1012 = tpu.vector_load_idx %gather3A_1011[%or3A_997] : memref<10560xf32, #tpu.memory_space<vmem>>[vector<16xi32>], vector<16xf32>,
        %add3A_1013 = arith.addf %add3A_917, %gather3A_1012 : vector<16xf32>
        %shift_right_arithmetic3A_1014 = arith.constant 18 : i32
        %shift_right_arithmetic3A_1015 = vector.broadcast %shift_right_arithmetic3A_1014 : i32 to vector<16xi32>
        %shift_right_arithmetic3A_1016 = arith.shrsi %gather3A_950, %shift_right_arithmetic3A_1015 : vector<16xi32>
        %and3A_1017 = arith.andi %shift_right_arithmetic3A_1016, %broadcast_in_dim3A_158 : vector<16xi32>
        %or3A_1018 = arith.ori %and3A_1017, %iota3A : vector<16xi32>
        %gather3A_1019 = arith.constant 0 : i32
        %gather3A_1020 = tpu.memref_slice %arg8[%gather3A_1019] : memref<10624xf32, #tpu.memory_space<vmem>> -> memref<10560xf32, #tpu.memory_space<vmem>>
        %gather3A_1021 = tpu.vector_load_idx %gather3A_1020[%or3A_1018] : memref<10560xf32, #tpu.memory_space<vmem>>[vector<16xi32>], vector<16xf32>,
        %add3A_1022 = arith.addf %add3A_926, %gather3A_1021 : vector<16xf32>
        %gather3A_1023 = arith.constant 16 : i32
        %gather3A_1024 = tpu.memref_slice %arg8[%gather3A_1023] : memref<10624xf32, #tpu.memory_space<vmem>> -> memref<10560xf32, #tpu.memory_space<vmem>>
        %gather3A_1025 = tpu.vector_load_idx %gather3A_1024[%or3A_1018] : memref<10560xf32, #tpu.memory_space<vmem>>[vector<16xi32>], vector<16xf32>,
        %add3A_1026 = arith.addf %add3A_930, %gather3A_1025 : vector<16xf32>
        %gather3A_1027 = arith.constant 32 : i32
        %gather3A_1028 = tpu.memref_slice %arg8[%gather3A_1027] : memref<10624xf32, #tpu.memory_space<vmem>> -> memref<10560xf32, #tpu.memory_space<vmem>>
        %gather3A_1029 = tpu.vector_load_idx %gather3A_1028[%or3A_1018] : memref<10560xf32, #tpu.memory_space<vmem>>[vector<16xi32>], vector<16xf32>,
        %add3A_1030 = arith.addf %add3A_934, %gather3A_1029 : vector<16xf32>
        %gather3A_1031 = arith.constant 48 : i32
        %gather3A_1032 = tpu.memref_slice %arg8[%gather3A_1031] : memref<10624xf32, #tpu.memory_space<vmem>> -> memref<10560xf32, #tpu.memory_space<vmem>>
        %gather3A_1033 = tpu.vector_load_idx %gather3A_1032[%or3A_1018] : memref<10560xf32, #tpu.memory_space<vmem>>[vector<16xi32>], vector<16xf32>,
        %add3A_1034 = arith.addf %add3A_938, %gather3A_1033 : vector<16xf32>
        %add3A_1035 = arith.constant 1 : i32
        %add3A_1036 = vector.broadcast %add3A_1035 : i32 to vector<16xi32>
        %add3A_1037 = arith.addi %add3A_941, %add3A_1036 : vector<16xi32>
        %add3A_1038 = arith.constant 1 : i32
        %add3A_1039 = vector.broadcast %add3A_1038 : i32 to vector<16xi32>
        %add3A_1040 = arith.addi %select_n3A_949, %add3A_1039 : vector<16xi32>
        %eq3A_1041 = arith.cmpi eq, %add3A_1037, %broadcast_in_dim3A_160 : vector<16xi32>
        %sub3A_1042 = arith.constant 200 : i32
        %sub3A_1043 = vector.broadcast %sub3A_1042 : i32 to vector<16xi32>
        %sub3A_1044 = arith.subi %add3A_1040, %sub3A_1043 : vector<16xi32>
        %select_n3A_1045 = arith.select %eq3A_1041, %sub3A_1044, %add3A_1040 : vector<16xi1>, vector<16xi32>
        %gather3A_1046 = tpu.vector_load_idx %arg7[%select_n3A_1045] : memref<32768xi32, #tpu.memory_space<vmem>>[vector<16xi32>], vector<16xi32>,
        %shift_left3A_1047 = arith.constant 6 : i32
        %shift_left3A_1048 = vector.broadcast %shift_left3A_1047 : i32 to vector<16xi32>
        %shift_left3A_1049 = arith.shli %gather3A_1046, %shift_left3A_1048 : vector<16xi32>
        %and3A_1050 = arith.andi %shift_left3A_1049, %broadcast_in_dim3A_158 : vector<16xi32>
        %or3A_1051 = arith.ori %and3A_1050, %iota3A : vector<16xi32>
        %gather3A_1052 = arith.constant 0 : i32
        %gather3A_1053 = tpu.memref_slice %arg8[%gather3A_1052] : memref<10624xf32, #tpu.memory_space<vmem>> -> memref<10560xf32, #tpu.memory_space<vmem>>
        %gather3A_1054 = tpu.vector_load_idx %gather3A_1053[%or3A_1051] : memref<10560xf32, #tpu.memory_space<vmem>>[vector<16xi32>], vector<16xf32>,
        %add3A_1055 = arith.addf %add3A_959, %gather3A_1054 : vector<16xf32>
        %gather3A_1056 = arith.constant 16 : i32
        %gather3A_1057 = tpu.memref_slice %arg8[%gather3A_1056] : memref<10624xf32, #tpu.memory_space<vmem>> -> memref<10560xf32, #tpu.memory_space<vmem>>
        %gather3A_1058 = tpu.vector_load_idx %gather3A_1057[%or3A_1051] : memref<10560xf32, #tpu.memory_space<vmem>>[vector<16xi32>], vector<16xf32>,
        %add3A_1059 = arith.addf %add3A_963, %gather3A_1058 : vector<16xf32>
        %gather3A_1060 = arith.constant 32 : i32
        %gather3A_1061 = tpu.memref_slice %arg8[%gather3A_1060] : memref<10624xf32, #tpu.memory_space<vmem>> -> memref<10560xf32, #tpu.memory_space<vmem>>
        %gather3A_1062 = tpu.vector_load_idx %gather3A_1061[%or3A_1051] : memref<10560xf32, #tpu.memory_space<vmem>>[vector<16xi32>], vector<16xf32>,
        %add3A_1063 = arith.addf %add3A_967, %gather3A_1062 : vector<16xf32>
        %gather3A_1064 = arith.constant 48 : i32
        %gather3A_1065 = tpu.memref_slice %arg8[%gather3A_1064] : memref<10624xf32, #tpu.memory_space<vmem>> -> memref<10560xf32, #tpu.memory_space<vmem>>
        %gather3A_1066 = tpu.vector_load_idx %gather3A_1065[%or3A_1051] : memref<10560xf32, #tpu.memory_space<vmem>>[vector<16xi32>], vector<16xf32>,
        %add3A_1067 = arith.addf %add3A_971, %gather3A_1066 : vector<16xf32>
        %shift_right_arithmetic3A_1068 = arith.constant 2 : i32
        %shift_right_arithmetic3A_1069 = vector.broadcast %shift_right_arithmetic3A_1068 : i32 to vector<16xi32>
        %shift_right_arithmetic3A_1070 = arith.shrsi %gather3A_1046, %shift_right_arithmetic3A_1069 : vector<16xi32>
        %and3A_1071 = arith.andi %shift_right_arithmetic3A_1070, %broadcast_in_dim3A_158 : vector<16xi32>
        %or3A_1072 = arith.ori %and3A_1071, %iota3A : vector<16xi32>
        %gather3A_1073 = arith.constant 0 : i32
        %gather3A_1074 = tpu.memref_slice %arg8[%gather3A_1073] : memref<10624xf32, #tpu.memory_space<vmem>> -> memref<10560xf32, #tpu.memory_space<vmem>>
        %gather3A_1075 = tpu.vector_load_idx %gather3A_1074[%or3A_1072] : memref<10560xf32, #tpu.memory_space<vmem>>[vector<16xi32>], vector<16xf32>,
        %add3A_1076 = arith.addf %add3A_980, %gather3A_1075 : vector<16xf32>
        %gather3A_1077 = arith.constant 16 : i32
        %gather3A_1078 = tpu.memref_slice %arg8[%gather3A_1077] : memref<10624xf32, #tpu.memory_space<vmem>> -> memref<10560xf32, #tpu.memory_space<vmem>>
        %gather3A_1079 = tpu.vector_load_idx %gather3A_1078[%or3A_1072] : memref<10560xf32, #tpu.memory_space<vmem>>[vector<16xi32>], vector<16xf32>,
        %add3A_1080 = arith.addf %add3A_984, %gather3A_1079 : vector<16xf32>
        %gather3A_1081 = arith.constant 32 : i32
        %gather3A_1082 = tpu.memref_slice %arg8[%gather3A_1081] : memref<10624xf32, #tpu.memory_space<vmem>> -> memref<10560xf32, #tpu.memory_space<vmem>>
        %gather3A_1083 = tpu.vector_load_idx %gather3A_1082[%or3A_1072] : memref<10560xf32, #tpu.memory_space<vmem>>[vector<16xi32>], vector<16xf32>,
        %add3A_1084 = arith.addf %add3A_988, %gather3A_1083 : vector<16xf32>
        %gather3A_1085 = arith.constant 48 : i32
        %gather3A_1086 = tpu.memref_slice %arg8[%gather3A_1085] : memref<10624xf32, #tpu.memory_space<vmem>> -> memref<10560xf32, #tpu.memory_space<vmem>>
        %gather3A_1087 = tpu.vector_load_idx %gather3A_1086[%or3A_1072] : memref<10560xf32, #tpu.memory_space<vmem>>[vector<16xi32>], vector<16xf32>,
        %add3A_1088 = arith.addf %add3A_992, %gather3A_1087 : vector<16xf32>
        %shift_right_arithmetic3A_1089 = arith.constant 10 : i32
        %shift_right_arithmetic3A_1090 = vector.broadcast %shift_right_arithmetic3A_1089 : i32 to vector<16xi32>
        %shift_right_arithmetic3A_1091 = arith.shrsi %gather3A_1046, %shift_right_arithmetic3A_1090 : vector<16xi32>
        %and3A_1092 = arith.andi %shift_right_arithmetic3A_1091, %broadcast_in_dim3A_158 : vector<16xi32>
        %or3A_1093 = arith.ori %and3A_1092, %iota3A : vector<16xi32>
        %gather3A_1094 = arith.constant 0 : i32
        %gather3A_1095 = tpu.memref_slice %arg8[%gather3A_1094] : memref<10624xf32, #tpu.memory_space<vmem>> -> memref<10560xf32, #tpu.memory_space<vmem>>
        %gather3A_1096 = tpu.vector_load_idx %gather3A_1095[%or3A_1093] : memref<10560xf32, #tpu.memory_space<vmem>>[vector<16xi32>], vector<16xf32>,
        %add3A_1097 = arith.addf %add3A_1001, %gather3A_1096 : vector<16xf32>
        %gather3A_1098 = arith.constant 16 : i32
        %gather3A_1099 = tpu.memref_slice %arg8[%gather3A_1098] : memref<10624xf32, #tpu.memory_space<vmem>> -> memref<10560xf32, #tpu.memory_space<vmem>>
        %gather3A_1100 = tpu.vector_load_idx %gather3A_1099[%or3A_1093] : memref<10560xf32, #tpu.memory_space<vmem>>[vector<16xi32>], vector<16xf32>,
        %add3A_1101 = arith.addf %add3A_1005, %gather3A_1100 : vector<16xf32>
        %gather3A_1102 = arith.constant 32 : i32
        %gather3A_1103 = tpu.memref_slice %arg8[%gather3A_1102] : memref<10624xf32, #tpu.memory_space<vmem>> -> memref<10560xf32, #tpu.memory_space<vmem>>
        %gather3A_1104 = tpu.vector_load_idx %gather3A_1103[%or3A_1093] : memref<10560xf32, #tpu.memory_space<vmem>>[vector<16xi32>], vector<16xf32>,
        %add3A_1105 = arith.addf %add3A_1009, %gather3A_1104 : vector<16xf32>
        %gather3A_1106 = arith.constant 48 : i32
        %gather3A_1107 = tpu.memref_slice %arg8[%gather3A_1106] : memref<10624xf32, #tpu.memory_space<vmem>> -> memref<10560xf32, #tpu.memory_space<vmem>>
        %gather3A_1108 = tpu.vector_load_idx %gather3A_1107[%or3A_1093] : memref<10560xf32, #tpu.memory_space<vmem>>[vector<16xi32>], vector<16xf32>,
        %add3A_1109 = arith.addf %add3A_1013, %gather3A_1108 : vector<16xf32>
        %shift_right_arithmetic3A_1110 = arith.constant 18 : i32
        %shift_right_arithmetic3A_1111 = vector.broadcast %shift_right_arithmetic3A_1110 : i32 to vector<16xi32>
        %shift_right_arithmetic3A_1112 = arith.shrsi %gather3A_1046, %shift_right_arithmetic3A_1111 : vector<16xi32>
        %and3A_1113 = arith.andi %shift_right_arithmetic3A_1112, %broadcast_in_dim3A_158 : vector<16xi32>
        %or3A_1114 = arith.ori %and3A_1113, %iota3A : vector<16xi32>
        %gather3A_1115 = arith.constant 0 : i32
        %gather3A_1116 = tpu.memref_slice %arg8[%gather3A_1115] : memref<10624xf32, #tpu.memory_space<vmem>> -> memref<10560xf32, #tpu.memory_space<vmem>>
        %gather3A_1117 = tpu.vector_load_idx %gather3A_1116[%or3A_1114] : memref<10560xf32, #tpu.memory_space<vmem>>[vector<16xi32>], vector<16xf32>,
        %add3A_1118 = arith.addf %add3A_1022, %gather3A_1117 : vector<16xf32>
        %gather3A_1119 = arith.constant 16 : i32
        %gather3A_1120 = tpu.memref_slice %arg8[%gather3A_1119] : memref<10624xf32, #tpu.memory_space<vmem>> -> memref<10560xf32, #tpu.memory_space<vmem>>
        %gather3A_1121 = tpu.vector_load_idx %gather3A_1120[%or3A_1114] : memref<10560xf32, #tpu.memory_space<vmem>>[vector<16xi32>], vector<16xf32>,
        %add3A_1122 = arith.addf %add3A_1026, %gather3A_1121 : vector<16xf32>
        %gather3A_1123 = arith.constant 32 : i32
        %gather3A_1124 = tpu.memref_slice %arg8[%gather3A_1123] : memref<10624xf32, #tpu.memory_space<vmem>> -> memref<10560xf32, #tpu.memory_space<vmem>>
        %gather3A_1125 = tpu.vector_load_idx %gather3A_1124[%or3A_1114] : memref<10560xf32, #tpu.memory_space<vmem>>[vector<16xi32>], vector<16xf32>,
        %add3A_1126 = arith.addf %add3A_1030, %gather3A_1125 : vector<16xf32>
        %gather3A_1127 = arith.constant 48 : i32
        %gather3A_1128 = tpu.memref_slice %arg8[%gather3A_1127] : memref<10624xf32, #tpu.memory_space<vmem>> -> memref<10560xf32, #tpu.memory_space<vmem>>
        %gather3A_1129 = tpu.vector_load_idx %gather3A_1128[%or3A_1114] : memref<10560xf32, #tpu.memory_space<vmem>>[vector<16xi32>], vector<16xf32>,
        %add3A_1130 = arith.addf %add3A_1034, %gather3A_1129 : vector<16xf32>
        %add3A_1131 = arith.constant 1 : i32
        %add3A_1132 = vector.broadcast %add3A_1131 : i32 to vector<16xi32>
        %add3A_1133 = arith.addi %add3A_1037, %add3A_1132 : vector<16xi32>
        %add3A_1134 = arith.constant 1 : i32
        %add3A_1135 = vector.broadcast %add3A_1134 : i32 to vector<16xi32>
        %add3A_1136 = arith.addi %select_n3A_1045, %add3A_1135 : vector<16xi32>
        %eq3A_1137 = arith.cmpi eq, %add3A_1133, %broadcast_in_dim3A_160 : vector<16xi32>
        %sub3A_1138 = arith.constant 200 : i32
        %sub3A_1139 = vector.broadcast %sub3A_1138 : i32 to vector<16xi32>
        %sub3A_1140 = arith.subi %add3A_1136, %sub3A_1139 : vector<16xi32>
        %select_n3A_1141 = arith.select %eq3A_1137, %sub3A_1140, %add3A_1136 : vector<16xi1>, vector<16xi32>
        scf.yield %select_n3A_1141, %add3A_1133, %add3A_1055, %add3A_1059, %add3A_1063, %add3A_1067, %add3A_1076, %add3A_1080, %add3A_1084, %add3A_1088, %add3A_1097, %add3A_1101, %add3A_1105, %add3A_1109, %add3A_1118, %add3A_1122, %add3A_1126, %add3A_1130 : vector<16xi32>, vector<16xi32>, vector<16xf32>, vector<16xf32>, vector<16xf32>, vector<16xf32>, vector<16xf32>, vector<16xf32>, vector<16xf32>, vector<16xf32>, vector<16xf32>, vector<16xf32>, vector<16xf32>, vector<16xf32>, vector<16xf32>, vector<16xf32>, vector<16xf32>, vector<16xf32>
      }
      %scan3A_213 = arith.constant 50 : i32
      %add3A_214 = arith.constant 0 : i32
      %add3A_215 = vector.broadcast %add3A_214 : i32 to vector<16xi32>
      %add3A_216 = arith.addi %add3A_203, %add3A_215 : vector<16xi32>
      %broadcast_in_dim3A_217 = vector.broadcast %squeeze3A_119 : f32 to vector<16xf32>
      %mul3A_218 = vector.broadcast %squeeze3A : f32 to vector<16xf32>
      %mul3A_219 = arith.mulf %scan3A_212#2, %mul3A_218 : vector<16xf32>
      %add3A_220 = arith.addf %broadcast_in_dim3A_217, %mul3A_219 : vector<16xf32>
      %mul3A_221 = vector.broadcast %squeeze3A_59 : f32 to vector<16xf32>
      %mul3A_222 = arith.mulf %scan3A_212#3, %mul3A_221 : vector<16xf32>
      %add3A_223 = arith.addf %add3A_220, %mul3A_222 : vector<16xf32>
      %mul3A_224 = vector.broadcast %squeeze3A_79 : f32 to vector<16xf32>
      %mul3A_225 = arith.mulf %scan3A_212#4, %mul3A_224 : vector<16xf32>
      %add3A_226 = arith.addf %add3A_223, %mul3A_225 : vector<16xf32>
      %mul3A_227 = vector.broadcast %squeeze3A_99 : f32 to vector<16xf32>
      %mul3A_228 = arith.mulf %scan3A_212#5, %mul3A_227 : vector<16xf32>
      %add3A_229 = arith.addf %add3A_226, %mul3A_228 : vector<16xf32>
      tpu.vector_store_idx %arg11[%add3A_216, %broadcast_in_dim3A_138], %add3A_229 : memref<512x10xf32, #tpu.memory_space<vmem>>[vector<16xi32>, vector<16xi32>], vector<16xf32>,
      %broadcast_in_dim3A_230 = vector.broadcast %squeeze3A_121 : f32 to vector<16xf32>
      %mul3A_231 = vector.broadcast %squeeze3A_41 : f32 to vector<16xf32>
      %mul3A_232 = arith.mulf %scan3A_212#2, %mul3A_231 : vector<16xf32>
      %add3A_233 = arith.addf %broadcast_in_dim3A_230, %mul3A_232 : vector<16xf32>
      %mul3A_234 = vector.broadcast %squeeze3A_61 : f32 to vector<16xf32>
      %mul3A_235 = arith.mulf %scan3A_212#3, %mul3A_234 : vector<16xf32>
      %add3A_236 = arith.addf %add3A_233, %mul3A_235 : vector<16xf32>
      %mul3A_237 = vector.broadcast %squeeze3A_81 : f32 to vector<16xf32>
      %mul3A_238 = arith.mulf %scan3A_212#4, %mul3A_237 : vector<16xf32>
      %add3A_239 = arith.addf %add3A_236, %mul3A_238 : vector<16xf32>
      %mul3A_240 = vector.broadcast %squeeze3A_101 : f32 to vector<16xf32>
      %mul3A_241 = arith.mulf %scan3A_212#5, %mul3A_240 : vector<16xf32>
      %add3A_242 = arith.addf %add3A_239, %mul3A_241 : vector<16xf32>
      tpu.vector_store_idx %arg11[%add3A_216, %broadcast_in_dim3A_140], %add3A_242 : memref<512x10xf32, #tpu.memory_space<vmem>>[vector<16xi32>, vector<16xi32>], vector<16xf32>,
      %broadcast_in_dim3A_243 = vector.broadcast %squeeze3A_123 : f32 to vector<16xf32>
      %mul3A_244 = vector.broadcast %squeeze3A_43 : f32 to vector<16xf32>
      %mul3A_245 = arith.mulf %scan3A_212#2, %mul3A_244 : vector<16xf32>
      %add3A_246 = arith.addf %broadcast_in_dim3A_243, %mul3A_245 : vector<16xf32>
      %mul3A_247 = vector.broadcast %squeeze3A_63 : f32 to vector<16xf32>
      %mul3A_248 = arith.mulf %scan3A_212#3, %mul3A_247 : vector<16xf32>
      %add3A_249 = arith.addf %add3A_246, %mul3A_248 : vector<16xf32>
      %mul3A_250 = vector.broadcast %squeeze3A_83 : f32 to vector<16xf32>
      %mul3A_251 = arith.mulf %scan3A_212#4, %mul3A_250 : vector<16xf32>
      %add3A_252 = arith.addf %add3A_249, %mul3A_251 : vector<16xf32>
      %mul3A_253 = vector.broadcast %squeeze3A_103 : f32 to vector<16xf32>
      %mul3A_254 = arith.mulf %scan3A_212#5, %mul3A_253 : vector<16xf32>
      %add3A_255 = arith.addf %add3A_252, %mul3A_254 : vector<16xf32>
      tpu.vector_store_idx %arg11[%add3A_216, %broadcast_in_dim3A_142], %add3A_255 : memref<512x10xf32, #tpu.memory_space<vmem>>[vector<16xi32>, vector<16xi32>], vector<16xf32>,
      %broadcast_in_dim3A_256 = vector.broadcast %squeeze3A_125 : f32 to vector<16xf32>
      %mul3A_257 = vector.broadcast %squeeze3A_45 : f32 to vector<16xf32>
      %mul3A_258 = arith.mulf %scan3A_212#2, %mul3A_257 : vector<16xf32>
      %add3A_259 = arith.addf %broadcast_in_dim3A_256, %mul3A_258 : vector<16xf32>
      %mul3A_260 = vector.broadcast %squeeze3A_65 : f32 to vector<16xf32>
      %mul3A_261 = arith.mulf %scan3A_212#3, %mul3A_260 : vector<16xf32>
      %add3A_262 = arith.addf %add3A_259, %mul3A_261 : vector<16xf32>
      %mul3A_263 = vector.broadcast %squeeze3A_85 : f32 to vector<16xf32>
      %mul3A_264 = arith.mulf %scan3A_212#4, %mul3A_263 : vector<16xf32>
      %add3A_265 = arith.addf %add3A_262, %mul3A_264 : vector<16xf32>
      %mul3A_266 = vector.broadcast %squeeze3A_105 : f32 to vector<16xf32>
      %mul3A_267 = arith.mulf %scan3A_212#5, %mul3A_266 : vector<16xf32>
      %add3A_268 = arith.addf %add3A_265, %mul3A_267 : vector<16xf32>
      tpu.vector_store_idx %arg11[%add3A_216, %broadcast_in_dim3A_144], %add3A_268 : memref<512x10xf32, #tpu.memory_space<vmem>>[vector<16xi32>, vector<16xi32>], vector<16xf32>,
      %broadcast_in_dim3A_269 = vector.broadcast %squeeze3A_127 : f32 to vector<16xf32>
      %mul3A_270 = vector.broadcast %squeeze3A_47 : f32 to vector<16xf32>
      %mul3A_271 = arith.mulf %scan3A_212#2, %mul3A_270 : vector<16xf32>
      %add3A_272 = arith.addf %broadcast_in_dim3A_269, %mul3A_271 : vector<16xf32>
      %mul3A_273 = vector.broadcast %squeeze3A_67 : f32 to vector<16xf32>
      %mul3A_274 = arith.mulf %scan3A_212#3, %mul3A_273 : vector<16xf32>
      %add3A_275 = arith.addf %add3A_272, %mul3A_274 : vector<16xf32>
      %mul3A_276 = vector.broadcast %squeeze3A_87 : f32 to vector<16xf32>
      %mul3A_277 = arith.mulf %scan3A_212#4, %mul3A_276 : vector<16xf32>
      %add3A_278 = arith.addf %add3A_275, %mul3A_277 : vector<16xf32>
      %mul3A_279 = vector.broadcast %squeeze3A_107 : f32 to vector<16xf32>
      %mul3A_280 = arith.mulf %scan3A_212#5, %mul3A_279 : vector<16xf32>
      %add3A_281 = arith.addf %add3A_278, %mul3A_280 : vector<16xf32>
      tpu.vector_store_idx %arg11[%add3A_216, %broadcast_in_dim3A_146], %add3A_281 : memref<512x10xf32, #tpu.memory_space<vmem>>[vector<16xi32>, vector<16xi32>], vector<16xf32>,
      %broadcast_in_dim3A_282 = vector.broadcast %squeeze3A_129 : f32 to vector<16xf32>
      %mul3A_283 = vector.broadcast %squeeze3A_49 : f32 to vector<16xf32>
      %mul3A_284 = arith.mulf %scan3A_212#2, %mul3A_283 : vector<16xf32>
      %add3A_285 = arith.addf %broadcast_in_dim3A_282, %mul3A_284 : vector<16xf32>
      %mul3A_286 = vector.broadcast %squeeze3A_69 : f32 to vector<16xf32>
      %mul3A_287 = arith.mulf %scan3A_212#3, %mul3A_286 : vector<16xf32>
      %add3A_288 = arith.addf %add3A_285, %mul3A_287 : vector<16xf32>
      %mul3A_289 = vector.broadcast %squeeze3A_89 : f32 to vector<16xf32>
      %mul3A_290 = arith.mulf %scan3A_212#4, %mul3A_289 : vector<16xf32>
      %add3A_291 = arith.addf %add3A_288, %mul3A_290 : vector<16xf32>
      %mul3A_292 = vector.broadcast %squeeze3A_109 : f32 to vector<16xf32>
      %mul3A_293 = arith.mulf %scan3A_212#5, %mul3A_292 : vector<16xf32>
      %add3A_294 = arith.addf %add3A_291, %mul3A_293 : vector<16xf32>
      tpu.vector_store_idx %arg11[%add3A_216, %broadcast_in_dim3A_148], %add3A_294 : memref<512x10xf32, #tpu.memory_space<vmem>>[vector<16xi32>, vector<16xi32>], vector<16xf32>,
      %broadcast_in_dim3A_295 = vector.broadcast %squeeze3A_131 : f32 to vector<16xf32>
      %mul3A_296 = vector.broadcast %squeeze3A_51 : f32 to vector<16xf32>
      %mul3A_297 = arith.mulf %scan3A_212#2, %mul3A_296 : vector<16xf32>
      %add3A_298 = arith.addf %broadcast_in_dim3A_295, %mul3A_297 : vector<16xf32>
      %mul3A_299 = vector.broadcast %squeeze3A_71 : f32 to vector<16xf32>
      %mul3A_300 = arith.mulf %scan3A_212#3, %mul3A_299 : vector<16xf32>
      %add3A_301 = arith.addf %add3A_298, %mul3A_300 : vector<16xf32>
      %mul3A_302 = vector.broadcast %squeeze3A_91 : f32 to vector<16xf32>
      %mul3A_303 = arith.mulf %scan3A_212#4, %mul3A_302 : vector<16xf32>
      %add3A_304 = arith.addf %add3A_301, %mul3A_303 : vector<16xf32>
      %mul3A_305 = vector.broadcast %squeeze3A_111 : f32 to vector<16xf32>
      %mul3A_306 = arith.mulf %scan3A_212#5, %mul3A_305 : vector<16xf32>
      %add3A_307 = arith.addf %add3A_304, %mul3A_306 : vector<16xf32>
      tpu.vector_store_idx %arg11[%add3A_216, %broadcast_in_dim3A_150], %add3A_307 : memref<512x10xf32, #tpu.memory_space<vmem>>[vector<16xi32>, vector<16xi32>], vector<16xf32>,
      %broadcast_in_dim3A_308 = vector.broadcast %squeeze3A_133 : f32 to vector<16xf32>
      %mul3A_309 = vector.broadcast %squeeze3A_53 : f32 to vector<16xf32>
      %mul3A_310 = arith.mulf %scan3A_212#2, %mul3A_309 : vector<16xf32>
      %add3A_311 = arith.addf %broadcast_in_dim3A_308, %mul3A_310 : vector<16xf32>
      %mul3A_312 = vector.broadcast %squeeze3A_73 : f32 to vector<16xf32>
      %mul3A_313 = arith.mulf %scan3A_212#3, %mul3A_312 : vector<16xf32>
      %add3A_314 = arith.addf %add3A_311, %mul3A_313 : vector<16xf32>
      %mul3A_315 = vector.broadcast %squeeze3A_93 : f32 to vector<16xf32>
      %mul3A_316 = arith.mulf %scan3A_212#4, %mul3A_315 : vector<16xf32>
      %add3A_317 = arith.addf %add3A_314, %mul3A_316 : vector<16xf32>
      %mul3A_318 = vector.broadcast %squeeze3A_113 : f32 to vector<16xf32>
      %mul3A_319 = arith.mulf %scan3A_212#5, %mul3A_318 : vector<16xf32>
      %add3A_320 = arith.addf %add3A_317, %mul3A_319 : vector<16xf32>
      tpu.vector_store_idx %arg11[%add3A_216, %broadcast_in_dim3A_152], %add3A_320 : memref<512x10xf32, #tpu.memory_space<vmem>>[vector<16xi32>, vector<16xi32>], vector<16xf32>,
      %broadcast_in_dim3A_321 = vector.broadcast %squeeze3A_135 : f32 to vector<16xf32>
      %mul3A_322 = vector.broadcast %squeeze3A_55 : f32 to vector<16xf32>
      %mul3A_323 = arith.mulf %scan3A_212#2, %mul3A_322 : vector<16xf32>
      %add3A_324 = arith.addf %broadcast_in_dim3A_321, %mul3A_323 : vector<16xf32>
      %mul3A_325 = vector.broadcast %squeeze3A_75 : f32 to vector<16xf32>
      %mul3A_326 = arith.mulf %scan3A_212#3, %mul3A_325 : vector<16xf32>
      %add3A_327 = arith.addf %add3A_324, %mul3A_326 : vector<16xf32>
      %mul3A_328 = vector.broadcast %squeeze3A_95 : f32 to vector<16xf32>
      %mul3A_329 = arith.mulf %scan3A_212#4, %mul3A_328 : vector<16xf32>
      %add3A_330 = arith.addf %add3A_327, %mul3A_329 : vector<16xf32>
      %mul3A_331 = vector.broadcast %squeeze3A_115 : f32 to vector<16xf32>
      %mul3A_332 = arith.mulf %scan3A_212#5, %mul3A_331 : vector<16xf32>
      %add3A_333 = arith.addf %add3A_330, %mul3A_332 : vector<16xf32>
      tpu.vector_store_idx %arg11[%add3A_216, %broadcast_in_dim3A_154], %add3A_333 : memref<512x10xf32, #tpu.memory_space<vmem>>[vector<16xi32>, vector<16xi32>], vector<16xf32>,
      %broadcast_in_dim3A_334 = vector.broadcast %squeeze3A_137 : f32 to vector<16xf32>
      %mul3A_335 = vector.broadcast %squeeze3A_57 : f32 to vector<16xf32>
      %mul3A_336 = arith.mulf %scan3A_212#2, %mul3A_335 : vector<16xf32>
      %add3A_337 = arith.addf %broadcast_in_dim3A_334, %mul3A_336 : vector<16xf32>
      %mul3A_338 = vector.broadcast %squeeze3A_77 : f32 to vector<16xf32>
      %mul3A_339 = arith.mulf %scan3A_212#3, %mul3A_338 : vector<16xf32>
      %add3A_340 = arith.addf %add3A_337, %mul3A_339 : vector<16xf32>
      %mul3A_341 = vector.broadcast %squeeze3A_97 : f32 to vector<16xf32>
      %mul3A_342 = arith.mulf %scan3A_212#4, %mul3A_341 : vector<16xf32>
      %add3A_343 = arith.addf %add3A_340, %mul3A_342 : vector<16xf32>
      %mul3A_344 = vector.broadcast %squeeze3A_117 : f32 to vector<16xf32>
      %mul3A_345 = arith.mulf %scan3A_212#5, %mul3A_344 : vector<16xf32>
      %add3A_346 = arith.addf %add3A_343, %mul3A_345 : vector<16xf32>
      tpu.vector_store_idx %arg11[%add3A_216, %broadcast_in_dim3A_156], %add3A_346 : memref<512x10xf32, #tpu.memory_space<vmem>>[vector<16xi32>, vector<16xi32>], vector<16xf32>,
      %add3A_347 = arith.constant 128 : i32
      %add3A_348 = vector.broadcast %add3A_347 : i32 to vector<16xi32>
      %add3A_349 = arith.addi %add3A_203, %add3A_348 : vector<16xi32>
      %broadcast_in_dim3A_350 = vector.broadcast %squeeze3A_119 : f32 to vector<16xf32>
      %mul3A_351 = vector.broadcast %squeeze3A : f32 to vector<16xf32>
      %mul3A_352 = arith.mulf %scan3A_212#6, %mul3A_351 : vector<16xf32>
      %add3A_353 = arith.addf %broadcast_in_dim3A_350, %mul3A_352 : vector<16xf32>
      %mul3A_354 = vector.broadcast %squeeze3A_59 : f32 to vector<16xf32>
      %mul3A_355 = arith.mulf %scan3A_212#7, %mul3A_354 : vector<16xf32>
      %add3A_356 = arith.addf %add3A_353, %mul3A_355 : vector<16xf32>
      %mul3A_357 = vector.broadcast %squeeze3A_79 : f32 to vector<16xf32>
      %mul3A_358 = arith.mulf %scan3A_212#8, %mul3A_357 : vector<16xf32>
      %add3A_359 = arith.addf %add3A_356, %mul3A_358 : vector<16xf32>
      %mul3A_360 = vector.broadcast %squeeze3A_99 : f32 to vector<16xf32>
      %mul3A_361 = arith.mulf %scan3A_212#9, %mul3A_360 : vector<16xf32>
      %add3A_362 = arith.addf %add3A_359, %mul3A_361 : vector<16xf32>
      tpu.vector_store_idx %arg11[%add3A_349, %broadcast_in_dim3A_138], %add3A_362 : memref<512x10xf32, #tpu.memory_space<vmem>>[vector<16xi32>, vector<16xi32>], vector<16xf32>,
      %broadcast_in_dim3A_363 = vector.broadcast %squeeze3A_121 : f32 to vector<16xf32>
      %mul3A_364 = vector.broadcast %squeeze3A_41 : f32 to vector<16xf32>
      %mul3A_365 = arith.mulf %scan3A_212#6, %mul3A_364 : vector<16xf32>
      %add3A_366 = arith.addf %broadcast_in_dim3A_363, %mul3A_365 : vector<16xf32>
      %mul3A_367 = vector.broadcast %squeeze3A_61 : f32 to vector<16xf32>
      %mul3A_368 = arith.mulf %scan3A_212#7, %mul3A_367 : vector<16xf32>
      %add3A_369 = arith.addf %add3A_366, %mul3A_368 : vector<16xf32>
      %mul3A_370 = vector.broadcast %squeeze3A_81 : f32 to vector<16xf32>
      %mul3A_371 = arith.mulf %scan3A_212#8, %mul3A_370 : vector<16xf32>
      %add3A_372 = arith.addf %add3A_369, %mul3A_371 : vector<16xf32>
      %mul3A_373 = vector.broadcast %squeeze3A_101 : f32 to vector<16xf32>
      %mul3A_374 = arith.mulf %scan3A_212#9, %mul3A_373 : vector<16xf32>
      %add3A_375 = arith.addf %add3A_372, %mul3A_374 : vector<16xf32>
      tpu.vector_store_idx %arg11[%add3A_349, %broadcast_in_dim3A_140], %add3A_375 : memref<512x10xf32, #tpu.memory_space<vmem>>[vector<16xi32>, vector<16xi32>], vector<16xf32>,
      %broadcast_in_dim3A_376 = vector.broadcast %squeeze3A_123 : f32 to vector<16xf32>
      %mul3A_377 = vector.broadcast %squeeze3A_43 : f32 to vector<16xf32>
      %mul3A_378 = arith.mulf %scan3A_212#6, %mul3A_377 : vector<16xf32>
      %add3A_379 = arith.addf %broadcast_in_dim3A_376, %mul3A_378 : vector<16xf32>
      %mul3A_380 = vector.broadcast %squeeze3A_63 : f32 to vector<16xf32>
      %mul3A_381 = arith.mulf %scan3A_212#7, %mul3A_380 : vector<16xf32>
      %add3A_382 = arith.addf %add3A_379, %mul3A_381 : vector<16xf32>
      %mul3A_383 = vector.broadcast %squeeze3A_83 : f32 to vector<16xf32>
      %mul3A_384 = arith.mulf %scan3A_212#8, %mul3A_383 : vector<16xf32>
      %add3A_385 = arith.addf %add3A_382, %mul3A_384 : vector<16xf32>
      %mul3A_386 = vector.broadcast %squeeze3A_103 : f32 to vector<16xf32>
      %mul3A_387 = arith.mulf %scan3A_212#9, %mul3A_386 : vector<16xf32>
      %add3A_388 = arith.addf %add3A_385, %mul3A_387 : vector<16xf32>
      tpu.vector_store_idx %arg11[%add3A_349, %broadcast_in_dim3A_142], %add3A_388 : memref<512x10xf32, #tpu.memory_space<vmem>>[vector<16xi32>, vector<16xi32>], vector<16xf32>,
      %broadcast_in_dim3A_389 = vector.broadcast %squeeze3A_125 : f32 to vector<16xf32>
      %mul3A_390 = vector.broadcast %squeeze3A_45 : f32 to vector<16xf32>
      %mul3A_391 = arith.mulf %scan3A_212#6, %mul3A_390 : vector<16xf32>
      %add3A_392 = arith.addf %broadcast_in_dim3A_389, %mul3A_391 : vector<16xf32>
      %mul3A_393 = vector.broadcast %squeeze3A_65 : f32 to vector<16xf32>
      %mul3A_394 = arith.mulf %scan3A_212#7, %mul3A_393 : vector<16xf32>
      %add3A_395 = arith.addf %add3A_392, %mul3A_394 : vector<16xf32>
      %mul3A_396 = vector.broadcast %squeeze3A_85 : f32 to vector<16xf32>
      %mul3A_397 = arith.mulf %scan3A_212#8, %mul3A_396 : vector<16xf32>
      %add3A_398 = arith.addf %add3A_395, %mul3A_397 : vector<16xf32>
      %mul3A_399 = vector.broadcast %squeeze3A_105 : f32 to vector<16xf32>
      %mul3A_400 = arith.mulf %scan3A_212#9, %mul3A_399 : vector<16xf32>
      %add3A_401 = arith.addf %add3A_398, %mul3A_400 : vector<16xf32>
      tpu.vector_store_idx %arg11[%add3A_349, %broadcast_in_dim3A_144], %add3A_401 : memref<512x10xf32, #tpu.memory_space<vmem>>[vector<16xi32>, vector<16xi32>], vector<16xf32>,
      %broadcast_in_dim3A_402 = vector.broadcast %squeeze3A_127 : f32 to vector<16xf32>
      %mul3A_403 = vector.broadcast %squeeze3A_47 : f32 to vector<16xf32>
      %mul3A_404 = arith.mulf %scan3A_212#6, %mul3A_403 : vector<16xf32>
      %add3A_405 = arith.addf %broadcast_in_dim3A_402, %mul3A_404 : vector<16xf32>
      %mul3A_406 = vector.broadcast %squeeze3A_67 : f32 to vector<16xf32>
      %mul3A_407 = arith.mulf %scan3A_212#7, %mul3A_406 : vector<16xf32>
      %add3A_408 = arith.addf %add3A_405, %mul3A_407 : vector<16xf32>
      %mul3A_409 = vector.broadcast %squeeze3A_87 : f32 to vector<16xf32>
      %mul3A_410 = arith.mulf %scan3A_212#8, %mul3A_409 : vector<16xf32>
      %add3A_411 = arith.addf %add3A_408, %mul3A_410 : vector<16xf32>
      %mul3A_412 = vector.broadcast %squeeze3A_107 : f32 to vector<16xf32>
      %mul3A_413 = arith.mulf %scan3A_212#9, %mul3A_412 : vector<16xf32>
      %add3A_414 = arith.addf %add3A_411, %mul3A_413 : vector<16xf32>
      tpu.vector_store_idx %arg11[%add3A_349, %broadcast_in_dim3A_146], %add3A_414 : memref<512x10xf32, #tpu.memory_space<vmem>>[vector<16xi32>, vector<16xi32>], vector<16xf32>,
      %broadcast_in_dim3A_415 = vector.broadcast %squeeze3A_129 : f32 to vector<16xf32>
      %mul3A_416 = vector.broadcast %squeeze3A_49 : f32 to vector<16xf32>
      %mul3A_417 = arith.mulf %scan3A_212#6, %mul3A_416 : vector<16xf32>
      %add3A_418 = arith.addf %broadcast_in_dim3A_415, %mul3A_417 : vector<16xf32>
      %mul3A_419 = vector.broadcast %squeeze3A_69 : f32 to vector<16xf32>
      %mul3A_420 = arith.mulf %scan3A_212#7, %mul3A_419 : vector<16xf32>
      %add3A_421 = arith.addf %add3A_418, %mul3A_420 : vector<16xf32>
      %mul3A_422 = vector.broadcast %squeeze3A_89 : f32 to vector<16xf32>
      %mul3A_423 = arith.mulf %scan3A_212#8, %mul3A_422 : vector<16xf32>
      %add3A_424 = arith.addf %add3A_421, %mul3A_423 : vector<16xf32>
      %mul3A_425 = vector.broadcast %squeeze3A_109 : f32 to vector<16xf32>
      %mul3A_426 = arith.mulf %scan3A_212#9, %mul3A_425 : vector<16xf32>
      %add3A_427 = arith.addf %add3A_424, %mul3A_426 : vector<16xf32>
      tpu.vector_store_idx %arg11[%add3A_349, %broadcast_in_dim3A_148], %add3A_427 : memref<512x10xf32, #tpu.memory_space<vmem>>[vector<16xi32>, vector<16xi32>], vector<16xf32>,
      %broadcast_in_dim3A_428 = vector.broadcast %squeeze3A_131 : f32 to vector<16xf32>
      %mul3A_429 = vector.broadcast %squeeze3A_51 : f32 to vector<16xf32>
      %mul3A_430 = arith.mulf %scan3A_212#6, %mul3A_429 : vector<16xf32>
      %add3A_431 = arith.addf %broadcast_in_dim3A_428, %mul3A_430 : vector<16xf32>
      %mul3A_432 = vector.broadcast %squeeze3A_71 : f32 to vector<16xf32>
      %mul3A_433 = arith.mulf %scan3A_212#7, %mul3A_432 : vector<16xf32>
      %add3A_434 = arith.addf %add3A_431, %mul3A_433 : vector<16xf32>
      %mul3A_435 = vector.broadcast %squeeze3A_91 : f32 to vector<16xf32>
      %mul3A_436 = arith.mulf %scan3A_212#8, %mul3A_435 : vector<16xf32>
      %add3A_437 = arith.addf %add3A_434, %mul3A_436 : vector<16xf32>
      %mul3A_438 = vector.broadcast %squeeze3A_111 : f32 to vector<16xf32>
      %mul3A_439 = arith.mulf %scan3A_212#9, %mul3A_438 : vector<16xf32>
      %add3A_440 = arith.addf %add3A_437, %mul3A_439 : vector<16xf32>
      tpu.vector_store_idx %arg11[%add3A_349, %broadcast_in_dim3A_150], %add3A_440 : memref<512x10xf32, #tpu.memory_space<vmem>>[vector<16xi32>, vector<16xi32>], vector<16xf32>,
      %broadcast_in_dim3A_441 = vector.broadcast %squeeze3A_133 : f32 to vector<16xf32>
      %mul3A_442 = vector.broadcast %squeeze3A_53 : f32 to vector<16xf32>
      %mul3A_443 = arith.mulf %scan3A_212#6, %mul3A_442 : vector<16xf32>
      %add3A_444 = arith.addf %broadcast_in_dim3A_441, %mul3A_443 : vector<16xf32>
      %mul3A_445 = vector.broadcast %squeeze3A_73 : f32 to vector<16xf32>
      %mul3A_446 = arith.mulf %scan3A_212#7, %mul3A_445 : vector<16xf32>
      %add3A_447 = arith.addf %add3A_444, %mul3A_446 : vector<16xf32>
      %mul3A_448 = vector.broadcast %squeeze3A_93 : f32 to vector<16xf32>
      %mul3A_449 = arith.mulf %scan3A_212#8, %mul3A_448 : vector<16xf32>
      %add3A_450 = arith.addf %add3A_447, %mul3A_449 : vector<16xf32>
      %mul3A_451 = vector.broadcast %squeeze3A_113 : f32 to vector<16xf32>
      %mul3A_452 = arith.mulf %scan3A_212#9, %mul3A_451 : vector<16xf32>
      %add3A_453 = arith.addf %add3A_450, %mul3A_452 : vector<16xf32>
      tpu.vector_store_idx %arg11[%add3A_349, %broadcast_in_dim3A_152], %add3A_453 : memref<512x10xf32, #tpu.memory_space<vmem>>[vector<16xi32>, vector<16xi32>], vector<16xf32>,
      %broadcast_in_dim3A_454 = vector.broadcast %squeeze3A_135 : f32 to vector<16xf32>
      %mul3A_455 = vector.broadcast %squeeze3A_55 : f32 to vector<16xf32>
      %mul3A_456 = arith.mulf %scan3A_212#6, %mul3A_455 : vector<16xf32>
      %add3A_457 = arith.addf %broadcast_in_dim3A_454, %mul3A_456 : vector<16xf32>
      %mul3A_458 = vector.broadcast %squeeze3A_75 : f32 to vector<16xf32>
      %mul3A_459 = arith.mulf %scan3A_212#7, %mul3A_458 : vector<16xf32>
      %add3A_460 = arith.addf %add3A_457, %mul3A_459 : vector<16xf32>
      %mul3A_461 = vector.broadcast %squeeze3A_95 : f32 to vector<16xf32>
      %mul3A_462 = arith.mulf %scan3A_212#8, %mul3A_461 : vector<16xf32>
      %add3A_463 = arith.addf %add3A_460, %mul3A_462 : vector<16xf32>
      %mul3A_464 = vector.broadcast %squeeze3A_115 : f32 to vector<16xf32>
      %mul3A_465 = arith.mulf %scan3A_212#9, %mul3A_464 : vector<16xf32>
      %add3A_466 = arith.addf %add3A_463, %mul3A_465 : vector<16xf32>
      tpu.vector_store_idx %arg11[%add3A_349, %broadcast_in_dim3A_154], %add3A_466 : memref<512x10xf32, #tpu.memory_space<vmem>>[vector<16xi32>, vector<16xi32>], vector<16xf32>,
      %broadcast_in_dim3A_467 = vector.broadcast %squeeze3A_137 : f32 to vector<16xf32>
      %mul3A_468 = vector.broadcast %squeeze3A_57 : f32 to vector<16xf32>
      %mul3A_469 = arith.mulf %scan3A_212#6, %mul3A_468 : vector<16xf32>
      %add3A_470 = arith.addf %broadcast_in_dim3A_467, %mul3A_469 : vector<16xf32>
      %mul3A_471 = vector.broadcast %squeeze3A_77 : f32 to vector<16xf32>
      %mul3A_472 = arith.mulf %scan3A_212#7, %mul3A_471 : vector<16xf32>
      %add3A_473 = arith.addf %add3A_470, %mul3A_472 : vector<16xf32>
      %mul3A_474 = vector.broadcast %squeeze3A_97 : f32 to vector<16xf32>
      %mul3A_475 = arith.mulf %scan3A_212#8, %mul3A_474 : vector<16xf32>
      %add3A_476 = arith.addf %add3A_473, %mul3A_475 : vector<16xf32>
      %mul3A_477 = vector.broadcast %squeeze3A_117 : f32 to vector<16xf32>
      %mul3A_478 = arith.mulf %scan3A_212#9, %mul3A_477 : vector<16xf32>
      %add3A_479 = arith.addf %add3A_476, %mul3A_478 : vector<16xf32>
      tpu.vector_store_idx %arg11[%add3A_349, %broadcast_in_dim3A_156], %add3A_479 : memref<512x10xf32, #tpu.memory_space<vmem>>[vector<16xi32>, vector<16xi32>], vector<16xf32>,
      %add3A_480 = arith.constant 256 : i32
      %add3A_481 = vector.broadcast %add3A_480 : i32 to vector<16xi32>
      %add3A_482 = arith.addi %add3A_203, %add3A_481 : vector<16xi32>
      %broadcast_in_dim3A_483 = vector.broadcast %squeeze3A_119 : f32 to vector<16xf32>
      %mul3A_484 = vector.broadcast %squeeze3A : f32 to vector<16xf32>
      %mul3A_485 = arith.mulf %scan3A_212#10, %mul3A_484 : vector<16xf32>
      %add3A_486 = arith.addf %broadcast_in_dim3A_483, %mul3A_485 : vector<16xf32>
      %mul3A_487 = vector.broadcast %squeeze3A_59 : f32 to vector<16xf32>
      %mul3A_488 = arith.mulf %scan3A_212#11, %mul3A_487 : vector<16xf32>
      %add3A_489 = arith.addf %add3A_486, %mul3A_488 : vector<16xf32>
      %mul3A_490 = vector.broadcast %squeeze3A_79 : f32 to vector<16xf32>
      %mul3A_491 = arith.mulf %scan3A_212#12, %mul3A_490 : vector<16xf32>
      %add3A_492 = arith.addf %add3A_489, %mul3A_491 : vector<16xf32>
      %mul3A_493 = vector.broadcast %squeeze3A_99 : f32 to vector<16xf32>
      %mul3A_494 = arith.mulf %scan3A_212#13, %mul3A_493 : vector<16xf32>
      %add3A_495 = arith.addf %add3A_492, %mul3A_494 : vector<16xf32>
      tpu.vector_store_idx %arg11[%add3A_482, %broadcast_in_dim3A_138], %add3A_495 : memref<512x10xf32, #tpu.memory_space<vmem>>[vector<16xi32>, vector<16xi32>], vector<16xf32>,
      %broadcast_in_dim3A_496 = vector.broadcast %squeeze3A_121 : f32 to vector<16xf32>
      %mul3A_497 = vector.broadcast %squeeze3A_41 : f32 to vector<16xf32>
      %mul3A_498 = arith.mulf %scan3A_212#10, %mul3A_497 : vector<16xf32>
      %add3A_499 = arith.addf %broadcast_in_dim3A_496, %mul3A_498 : vector<16xf32>
      %mul3A_500 = vector.broadcast %squeeze3A_61 : f32 to vector<16xf32>
      %mul3A_501 = arith.mulf %scan3A_212#11, %mul3A_500 : vector<16xf32>
      %add3A_502 = arith.addf %add3A_499, %mul3A_501 : vector<16xf32>
      %mul3A_503 = vector.broadcast %squeeze3A_81 : f32 to vector<16xf32>
      %mul3A_504 = arith.mulf %scan3A_212#12, %mul3A_503 : vector<16xf32>
      %add3A_505 = arith.addf %add3A_502, %mul3A_504 : vector<16xf32>
      %mul3A_506 = vector.broadcast %squeeze3A_101 : f32 to vector<16xf32>
      %mul3A_507 = arith.mulf %scan3A_212#13, %mul3A_506 : vector<16xf32>
      %add3A_508 = arith.addf %add3A_505, %mul3A_507 : vector<16xf32>
      tpu.vector_store_idx %arg11[%add3A_482, %broadcast_in_dim3A_140], %add3A_508 : memref<512x10xf32, #tpu.memory_space<vmem>>[vector<16xi32>, vector<16xi32>], vector<16xf32>,
      %broadcast_in_dim3A_509 = vector.broadcast %squeeze3A_123 : f32 to vector<16xf32>
      %mul3A_510 = vector.broadcast %squeeze3A_43 : f32 to vector<16xf32>
      %mul3A_511 = arith.mulf %scan3A_212#10, %mul3A_510 : vector<16xf32>
      %add3A_512 = arith.addf %broadcast_in_dim3A_509, %mul3A_511 : vector<16xf32>
      %mul3A_513 = vector.broadcast %squeeze3A_63 : f32 to vector<16xf32>
      %mul3A_514 = arith.mulf %scan3A_212#11, %mul3A_513 : vector<16xf32>
      %add3A_515 = arith.addf %add3A_512, %mul3A_514 : vector<16xf32>
      %mul3A_516 = vector.broadcast %squeeze3A_83 : f32 to vector<16xf32>
      %mul3A_517 = arith.mulf %scan3A_212#12, %mul3A_516 : vector<16xf32>
      %add3A_518 = arith.addf %add3A_515, %mul3A_517 : vector<16xf32>
      %mul3A_519 = vector.broadcast %squeeze3A_103 : f32 to vector<16xf32>
      %mul3A_520 = arith.mulf %scan3A_212#13, %mul3A_519 : vector<16xf32>
      %add3A_521 = arith.addf %add3A_518, %mul3A_520 : vector<16xf32>
      tpu.vector_store_idx %arg11[%add3A_482, %broadcast_in_dim3A_142], %add3A_521 : memref<512x10xf32, #tpu.memory_space<vmem>>[vector<16xi32>, vector<16xi32>], vector<16xf32>,
      %broadcast_in_dim3A_522 = vector.broadcast %squeeze3A_125 : f32 to vector<16xf32>
      %mul3A_523 = vector.broadcast %squeeze3A_45 : f32 to vector<16xf32>
      %mul3A_524 = arith.mulf %scan3A_212#10, %mul3A_523 : vector<16xf32>
      %add3A_525 = arith.addf %broadcast_in_dim3A_522, %mul3A_524 : vector<16xf32>
      %mul3A_526 = vector.broadcast %squeeze3A_65 : f32 to vector<16xf32>
      %mul3A_527 = arith.mulf %scan3A_212#11, %mul3A_526 : vector<16xf32>
      %add3A_528 = arith.addf %add3A_525, %mul3A_527 : vector<16xf32>
      %mul3A_529 = vector.broadcast %squeeze3A_85 : f32 to vector<16xf32>
      %mul3A_530 = arith.mulf %scan3A_212#12, %mul3A_529 : vector<16xf32>
      %add3A_531 = arith.addf %add3A_528, %mul3A_530 : vector<16xf32>
      %mul3A_532 = vector.broadcast %squeeze3A_105 : f32 to vector<16xf32>
      %mul3A_533 = arith.mulf %scan3A_212#13, %mul3A_532 : vector<16xf32>
      %add3A_534 = arith.addf %add3A_531, %mul3A_533 : vector<16xf32>
      tpu.vector_store_idx %arg11[%add3A_482, %broadcast_in_dim3A_144], %add3A_534 : memref<512x10xf32, #tpu.memory_space<vmem>>[vector<16xi32>, vector<16xi32>], vector<16xf32>,
      %broadcast_in_dim3A_535 = vector.broadcast %squeeze3A_127 : f32 to vector<16xf32>
      %mul3A_536 = vector.broadcast %squeeze3A_47 : f32 to vector<16xf32>
      %mul3A_537 = arith.mulf %scan3A_212#10, %mul3A_536 : vector<16xf32>
      %add3A_538 = arith.addf %broadcast_in_dim3A_535, %mul3A_537 : vector<16xf32>
      %mul3A_539 = vector.broadcast %squeeze3A_67 : f32 to vector<16xf32>
      %mul3A_540 = arith.mulf %scan3A_212#11, %mul3A_539 : vector<16xf32>
      %add3A_541 = arith.addf %add3A_538, %mul3A_540 : vector<16xf32>
      %mul3A_542 = vector.broadcast %squeeze3A_87 : f32 to vector<16xf32>
      %mul3A_543 = arith.mulf %scan3A_212#12, %mul3A_542 : vector<16xf32>
      %add3A_544 = arith.addf %add3A_541, %mul3A_543 : vector<16xf32>
      %mul3A_545 = vector.broadcast %squeeze3A_107 : f32 to vector<16xf32>
      %mul3A_546 = arith.mulf %scan3A_212#13, %mul3A_545 : vector<16xf32>
      %add3A_547 = arith.addf %add3A_544, %mul3A_546 : vector<16xf32>
      tpu.vector_store_idx %arg11[%add3A_482, %broadcast_in_dim3A_146], %add3A_547 : memref<512x10xf32, #tpu.memory_space<vmem>>[vector<16xi32>, vector<16xi32>], vector<16xf32>,
      %broadcast_in_dim3A_548 = vector.broadcast %squeeze3A_129 : f32 to vector<16xf32>
      %mul3A_549 = vector.broadcast %squeeze3A_49 : f32 to vector<16xf32>
      %mul3A_550 = arith.mulf %scan3A_212#10, %mul3A_549 : vector<16xf32>
      %add3A_551 = arith.addf %broadcast_in_dim3A_548, %mul3A_550 : vector<16xf32>
      %mul3A_552 = vector.broadcast %squeeze3A_69 : f32 to vector<16xf32>
      %mul3A_553 = arith.mulf %scan3A_212#11, %mul3A_552 : vector<16xf32>
      %add3A_554 = arith.addf %add3A_551, %mul3A_553 : vector<16xf32>
      %mul3A_555 = vector.broadcast %squeeze3A_89 : f32 to vector<16xf32>
      %mul3A_556 = arith.mulf %scan3A_212#12, %mul3A_555 : vector<16xf32>
      %add3A_557 = arith.addf %add3A_554, %mul3A_556 : vector<16xf32>
      %mul3A_558 = vector.broadcast %squeeze3A_109 : f32 to vector<16xf32>
      %mul3A_559 = arith.mulf %scan3A_212#13, %mul3A_558 : vector<16xf32>
      %add3A_560 = arith.addf %add3A_557, %mul3A_559 : vector<16xf32>
      tpu.vector_store_idx %arg11[%add3A_482, %broadcast_in_dim3A_148], %add3A_560 : memref<512x10xf32, #tpu.memory_space<vmem>>[vector<16xi32>, vector<16xi32>], vector<16xf32>,
      %broadcast_in_dim3A_561 = vector.broadcast %squeeze3A_131 : f32 to vector<16xf32>
      %mul3A_562 = vector.broadcast %squeeze3A_51 : f32 to vector<16xf32>
      %mul3A_563 = arith.mulf %scan3A_212#10, %mul3A_562 : vector<16xf32>
      %add3A_564 = arith.addf %broadcast_in_dim3A_561, %mul3A_563 : vector<16xf32>
      %mul3A_565 = vector.broadcast %squeeze3A_71 : f32 to vector<16xf32>
      %mul3A_566 = arith.mulf %scan3A_212#11, %mul3A_565 : vector<16xf32>
      %add3A_567 = arith.addf %add3A_564, %mul3A_566 : vector<16xf32>
      %mul3A_568 = vector.broadcast %squeeze3A_91 : f32 to vector<16xf32>
      %mul3A_569 = arith.mulf %scan3A_212#12, %mul3A_568 : vector<16xf32>
      %add3A_570 = arith.addf %add3A_567, %mul3A_569 : vector<16xf32>
      %mul3A_571 = vector.broadcast %squeeze3A_111 : f32 to vector<16xf32>
      %mul3A_572 = arith.mulf %scan3A_212#13, %mul3A_571 : vector<16xf32>
      %add3A_573 = arith.addf %add3A_570, %mul3A_572 : vector<16xf32>
      tpu.vector_store_idx %arg11[%add3A_482, %broadcast_in_dim3A_150], %add3A_573 : memref<512x10xf32, #tpu.memory_space<vmem>>[vector<16xi32>, vector<16xi32>], vector<16xf32>,
      %broadcast_in_dim3A_574 = vector.broadcast %squeeze3A_133 : f32 to vector<16xf32>
      %mul3A_575 = vector.broadcast %squeeze3A_53 : f32 to vector<16xf32>
      %mul3A_576 = arith.mulf %scan3A_212#10, %mul3A_575 : vector<16xf32>
      %add3A_577 = arith.addf %broadcast_in_dim3A_574, %mul3A_576 : vector<16xf32>
      %mul3A_578 = vector.broadcast %squeeze3A_73 : f32 to vector<16xf32>
      %mul3A_579 = arith.mulf %scan3A_212#11, %mul3A_578 : vector<16xf32>
      %add3A_580 = arith.addf %add3A_577, %mul3A_579 : vector<16xf32>
      %mul3A_581 = vector.broadcast %squeeze3A_93 : f32 to vector<16xf32>
      %mul3A_582 = arith.mulf %scan3A_212#12, %mul3A_581 : vector<16xf32>
      %add3A_583 = arith.addf %add3A_580, %mul3A_582 : vector<16xf32>
      %mul3A_584 = vector.broadcast %squeeze3A_113 : f32 to vector<16xf32>
      %mul3A_585 = arith.mulf %scan3A_212#13, %mul3A_584 : vector<16xf32>
      %add3A_586 = arith.addf %add3A_583, %mul3A_585 : vector<16xf32>
      tpu.vector_store_idx %arg11[%add3A_482, %broadcast_in_dim3A_152], %add3A_586 : memref<512x10xf32, #tpu.memory_space<vmem>>[vector<16xi32>, vector<16xi32>], vector<16xf32>,
      %broadcast_in_dim3A_587 = vector.broadcast %squeeze3A_135 : f32 to vector<16xf32>
      %mul3A_588 = vector.broadcast %squeeze3A_55 : f32 to vector<16xf32>
      %mul3A_589 = arith.mulf %scan3A_212#10, %mul3A_588 : vector<16xf32>
      %add3A_590 = arith.addf %broadcast_in_dim3A_587, %mul3A_589 : vector<16xf32>
      %mul3A_591 = vector.broadcast %squeeze3A_75 : f32 to vector<16xf32>
      %mul3A_592 = arith.mulf %scan3A_212#11, %mul3A_591 : vector<16xf32>
      %add3A_593 = arith.addf %add3A_590, %mul3A_592 : vector<16xf32>
      %mul3A_594 = vector.broadcast %squeeze3A_95 : f32 to vector<16xf32>
      %mul3A_595 = arith.mulf %scan3A_212#12, %mul3A_594 : vector<16xf32>
      %add3A_596 = arith.addf %add3A_593, %mul3A_595 : vector<16xf32>
      %mul3A_597 = vector.broadcast %squeeze3A_115 : f32 to vector<16xf32>
      %mul3A_598 = arith.mulf %scan3A_212#13, %mul3A_597 : vector<16xf32>
      %add3A_599 = arith.addf %add3A_596, %mul3A_598 : vector<16xf32>
      tpu.vector_store_idx %arg11[%add3A_482, %broadcast_in_dim3A_154], %add3A_599 : memref<512x10xf32, #tpu.memory_space<vmem>>[vector<16xi32>, vector<16xi32>], vector<16xf32>,
      %broadcast_in_dim3A_600 = vector.broadcast %squeeze3A_137 : f32 to vector<16xf32>
      %mul3A_601 = vector.broadcast %squeeze3A_57 : f32 to vector<16xf32>
      %mul3A_602 = arith.mulf %scan3A_212#10, %mul3A_601 : vector<16xf32>
      %add3A_603 = arith.addf %broadcast_in_dim3A_600, %mul3A_602 : vector<16xf32>
      %mul3A_604 = vector.broadcast %squeeze3A_77 : f32 to vector<16xf32>
      %mul3A_605 = arith.mulf %scan3A_212#11, %mul3A_604 : vector<16xf32>
      %add3A_606 = arith.addf %add3A_603, %mul3A_605 : vector<16xf32>
      %mul3A_607 = vector.broadcast %squeeze3A_97 : f32 to vector<16xf32>
      %mul3A_608 = arith.mulf %scan3A_212#12, %mul3A_607 : vector<16xf32>
      %add3A_609 = arith.addf %add3A_606, %mul3A_608 : vector<16xf32>
      %mul3A_610 = vector.broadcast %squeeze3A_117 : f32 to vector<16xf32>
      %mul3A_611 = arith.mulf %scan3A_212#13, %mul3A_610 : vector<16xf32>
      %add3A_612 = arith.addf %add3A_609, %mul3A_611 : vector<16xf32>
      tpu.vector_store_idx %arg11[%add3A_482, %broadcast_in_dim3A_156], %add3A_612 : memref<512x10xf32, #tpu.memory_space<vmem>>[vector<16xi32>, vector<16xi32>], vector<16xf32>,
      %add3A_613 = arith.constant 384 : i32
      %add3A_614 = vector.broadcast %add3A_613 : i32 to vector<16xi32>
      %add3A_615 = arith.addi %add3A_203, %add3A_614 : vector<16xi32>
      %broadcast_in_dim3A_616 = vector.broadcast %squeeze3A_119 : f32 to vector<16xf32>
      %mul3A_617 = vector.broadcast %squeeze3A : f32 to vector<16xf32>
      %mul3A_618 = arith.mulf %scan3A_212#14, %mul3A_617 : vector<16xf32>
      %add3A_619 = arith.addf %broadcast_in_dim3A_616, %mul3A_618 : vector<16xf32>
      %mul3A_620 = vector.broadcast %squeeze3A_59 : f32 to vector<16xf32>
      %mul3A_621 = arith.mulf %scan3A_212#15, %mul3A_620 : vector<16xf32>
      %add3A_622 = arith.addf %add3A_619, %mul3A_621 : vector<16xf32>
      %mul3A_623 = vector.broadcast %squeeze3A_79 : f32 to vector<16xf32>
      %mul3A_624 = arith.mulf %scan3A_212#16, %mul3A_623 : vector<16xf32>
      %add3A_625 = arith.addf %add3A_622, %mul3A_624 : vector<16xf32>
      %mul3A_626 = vector.broadcast %squeeze3A_99 : f32 to vector<16xf32>
      %mul3A_627 = arith.mulf %scan3A_212#17, %mul3A_626 : vector<16xf32>
      %add3A_628 = arith.addf %add3A_625, %mul3A_627 : vector<16xf32>
      tpu.vector_store_idx %arg11[%add3A_615, %broadcast_in_dim3A_138], %add3A_628 : memref<512x10xf32, #tpu.memory_space<vmem>>[vector<16xi32>, vector<16xi32>], vector<16xf32>,
      %broadcast_in_dim3A_629 = vector.broadcast %squeeze3A_121 : f32 to vector<16xf32>
      %mul3A_630 = vector.broadcast %squeeze3A_41 : f32 to vector<16xf32>
      %mul3A_631 = arith.mulf %scan3A_212#14, %mul3A_630 : vector<16xf32>
      %add3A_632 = arith.addf %broadcast_in_dim3A_629, %mul3A_631 : vector<16xf32>
      %mul3A_633 = vector.broadcast %squeeze3A_61 : f32 to vector<16xf32>
      %mul3A_634 = arith.mulf %scan3A_212#15, %mul3A_633 : vector<16xf32>
      %add3A_635 = arith.addf %add3A_632, %mul3A_634 : vector<16xf32>
      %mul3A_636 = vector.broadcast %squeeze3A_81 : f32 to vector<16xf32>
      %mul3A_637 = arith.mulf %scan3A_212#16, %mul3A_636 : vector<16xf32>
      %add3A_638 = arith.addf %add3A_635, %mul3A_637 : vector<16xf32>
      %mul3A_639 = vector.broadcast %squeeze3A_101 : f32 to vector<16xf32>
      %mul3A_640 = arith.mulf %scan3A_212#17, %mul3A_639 : vector<16xf32>
      %add3A_641 = arith.addf %add3A_638, %mul3A_640 : vector<16xf32>
      tpu.vector_store_idx %arg11[%add3A_615, %broadcast_in_dim3A_140], %add3A_641 : memref<512x10xf32, #tpu.memory_space<vmem>>[vector<16xi32>, vector<16xi32>], vector<16xf32>,
      %broadcast_in_dim3A_642 = vector.broadcast %squeeze3A_123 : f32 to vector<16xf32>
      %mul3A_643 = vector.broadcast %squeeze3A_43 : f32 to vector<16xf32>
      %mul3A_644 = arith.mulf %scan3A_212#14, %mul3A_643 : vector<16xf32>
      %add3A_645 = arith.addf %broadcast_in_dim3A_642, %mul3A_644 : vector<16xf32>
      %mul3A_646 = vector.broadcast %squeeze3A_63 : f32 to vector<16xf32>
      %mul3A_647 = arith.mulf %scan3A_212#15, %mul3A_646 : vector<16xf32>
      %add3A_648 = arith.addf %add3A_645, %mul3A_647 : vector<16xf32>
      %mul3A_649 = vector.broadcast %squeeze3A_83 : f32 to vector<16xf32>
      %mul3A_650 = arith.mulf %scan3A_212#16, %mul3A_649 : vector<16xf32>
      %add3A_651 = arith.addf %add3A_648, %mul3A_650 : vector<16xf32>
      %mul3A_652 = vector.broadcast %squeeze3A_103 : f32 to vector<16xf32>
      %mul3A_653 = arith.mulf %scan3A_212#17, %mul3A_652 : vector<16xf32>
      %add3A_654 = arith.addf %add3A_651, %mul3A_653 : vector<16xf32>
      tpu.vector_store_idx %arg11[%add3A_615, %broadcast_in_dim3A_142], %add3A_654 : memref<512x10xf32, #tpu.memory_space<vmem>>[vector<16xi32>, vector<16xi32>], vector<16xf32>,
      %broadcast_in_dim3A_655 = vector.broadcast %squeeze3A_125 : f32 to vector<16xf32>
      %mul3A_656 = vector.broadcast %squeeze3A_45 : f32 to vector<16xf32>
      %mul3A_657 = arith.mulf %scan3A_212#14, %mul3A_656 : vector<16xf32>
      %add3A_658 = arith.addf %broadcast_in_dim3A_655, %mul3A_657 : vector<16xf32>
      %mul3A_659 = vector.broadcast %squeeze3A_65 : f32 to vector<16xf32>
      %mul3A_660 = arith.mulf %scan3A_212#15, %mul3A_659 : vector<16xf32>
      %add3A_661 = arith.addf %add3A_658, %mul3A_660 : vector<16xf32>
      %mul3A_662 = vector.broadcast %squeeze3A_85 : f32 to vector<16xf32>
      %mul3A_663 = arith.mulf %scan3A_212#16, %mul3A_662 : vector<16xf32>
      %add3A_664 = arith.addf %add3A_661, %mul3A_663 : vector<16xf32>
      %mul3A_665 = vector.broadcast %squeeze3A_105 : f32 to vector<16xf32>
      %mul3A_666 = arith.mulf %scan3A_212#17, %mul3A_665 : vector<16xf32>
      %add3A_667 = arith.addf %add3A_664, %mul3A_666 : vector<16xf32>
      tpu.vector_store_idx %arg11[%add3A_615, %broadcast_in_dim3A_144], %add3A_667 : memref<512x10xf32, #tpu.memory_space<vmem>>[vector<16xi32>, vector<16xi32>], vector<16xf32>,
      %broadcast_in_dim3A_668 = vector.broadcast %squeeze3A_127 : f32 to vector<16xf32>
      %mul3A_669 = vector.broadcast %squeeze3A_47 : f32 to vector<16xf32>
      %mul3A_670 = arith.mulf %scan3A_212#14, %mul3A_669 : vector<16xf32>
      %add3A_671 = arith.addf %broadcast_in_dim3A_668, %mul3A_670 : vector<16xf32>
      %mul3A_672 = vector.broadcast %squeeze3A_67 : f32 to vector<16xf32>
      %mul3A_673 = arith.mulf %scan3A_212#15, %mul3A_672 : vector<16xf32>
      %add3A_674 = arith.addf %add3A_671, %mul3A_673 : vector<16xf32>
      %mul3A_675 = vector.broadcast %squeeze3A_87 : f32 to vector<16xf32>
      %mul3A_676 = arith.mulf %scan3A_212#16, %mul3A_675 : vector<16xf32>
      %add3A_677 = arith.addf %add3A_674, %mul3A_676 : vector<16xf32>
      %mul3A_678 = vector.broadcast %squeeze3A_107 : f32 to vector<16xf32>
      %mul3A_679 = arith.mulf %scan3A_212#17, %mul3A_678 : vector<16xf32>
      %add3A_680 = arith.addf %add3A_677, %mul3A_679 : vector<16xf32>
      tpu.vector_store_idx %arg11[%add3A_615, %broadcast_in_dim3A_146], %add3A_680 : memref<512x10xf32, #tpu.memory_space<vmem>>[vector<16xi32>, vector<16xi32>], vector<16xf32>,
      %broadcast_in_dim3A_681 = vector.broadcast %squeeze3A_129 : f32 to vector<16xf32>
      %mul3A_682 = vector.broadcast %squeeze3A_49 : f32 to vector<16xf32>
      %mul3A_683 = arith.mulf %scan3A_212#14, %mul3A_682 : vector<16xf32>
      %add3A_684 = arith.addf %broadcast_in_dim3A_681, %mul3A_683 : vector<16xf32>
      %mul3A_685 = vector.broadcast %squeeze3A_69 : f32 to vector<16xf32>
      %mul3A_686 = arith.mulf %scan3A_212#15, %mul3A_685 : vector<16xf32>
      %add3A_687 = arith.addf %add3A_684, %mul3A_686 : vector<16xf32>
      %mul3A_688 = vector.broadcast %squeeze3A_89 : f32 to vector<16xf32>
      %mul3A_689 = arith.mulf %scan3A_212#16, %mul3A_688 : vector<16xf32>
      %add3A_690 = arith.addf %add3A_687, %mul3A_689 : vector<16xf32>
      %mul3A_691 = vector.broadcast %squeeze3A_109 : f32 to vector<16xf32>
      %mul3A_692 = arith.mulf %scan3A_212#17, %mul3A_691 : vector<16xf32>
      %add3A_693 = arith.addf %add3A_690, %mul3A_692 : vector<16xf32>
      tpu.vector_store_idx %arg11[%add3A_615, %broadcast_in_dim3A_148], %add3A_693 : memref<512x10xf32, #tpu.memory_space<vmem>>[vector<16xi32>, vector<16xi32>], vector<16xf32>,
      %broadcast_in_dim3A_694 = vector.broadcast %squeeze3A_131 : f32 to vector<16xf32>
      %mul3A_695 = vector.broadcast %squeeze3A_51 : f32 to vector<16xf32>
      %mul3A_696 = arith.mulf %scan3A_212#14, %mul3A_695 : vector<16xf32>
      %add3A_697 = arith.addf %broadcast_in_dim3A_694, %mul3A_696 : vector<16xf32>
      %mul3A_698 = vector.broadcast %squeeze3A_71 : f32 to vector<16xf32>
      %mul3A_699 = arith.mulf %scan3A_212#15, %mul3A_698 : vector<16xf32>
      %add3A_700 = arith.addf %add3A_697, %mul3A_699 : vector<16xf32>
      %mul3A_701 = vector.broadcast %squeeze3A_91 : f32 to vector<16xf32>
      %mul3A_702 = arith.mulf %scan3A_212#16, %mul3A_701 : vector<16xf32>
      %add3A_703 = arith.addf %add3A_700, %mul3A_702 : vector<16xf32>
      %mul3A_704 = vector.broadcast %squeeze3A_111 : f32 to vector<16xf32>
      %mul3A_705 = arith.mulf %scan3A_212#17, %mul3A_704 : vector<16xf32>
      %add3A_706 = arith.addf %add3A_703, %mul3A_705 : vector<16xf32>
      tpu.vector_store_idx %arg11[%add3A_615, %broadcast_in_dim3A_150], %add3A_706 : memref<512x10xf32, #tpu.memory_space<vmem>>[vector<16xi32>, vector<16xi32>], vector<16xf32>,
      %broadcast_in_dim3A_707 = vector.broadcast %squeeze3A_133 : f32 to vector<16xf32>
      %mul3A_708 = vector.broadcast %squeeze3A_53 : f32 to vector<16xf32>
      %mul3A_709 = arith.mulf %scan3A_212#14, %mul3A_708 : vector<16xf32>
      %add3A_710 = arith.addf %broadcast_in_dim3A_707, %mul3A_709 : vector<16xf32>
      %mul3A_711 = vector.broadcast %squeeze3A_73 : f32 to vector<16xf32>
      %mul3A_712 = arith.mulf %scan3A_212#15, %mul3A_711 : vector<16xf32>
      %add3A_713 = arith.addf %add3A_710, %mul3A_712 : vector<16xf32>
      %mul3A_714 = vector.broadcast %squeeze3A_93 : f32 to vector<16xf32>
      %mul3A_715 = arith.mulf %scan3A_212#16, %mul3A_714 : vector<16xf32>
      %add3A_716 = arith.addf %add3A_713, %mul3A_715 : vector<16xf32>
      %mul3A_717 = vector.broadcast %squeeze3A_113 : f32 to vector<16xf32>
      %mul3A_718 = arith.mulf %scan3A_212#17, %mul3A_717 : vector<16xf32>
      %add3A_719 = arith.addf %add3A_716, %mul3A_718 : vector<16xf32>
      tpu.vector_store_idx %arg11[%add3A_615, %broadcast_in_dim3A_152], %add3A_719 : memref<512x10xf32, #tpu.memory_space<vmem>>[vector<16xi32>, vector<16xi32>], vector<16xf32>,
      %broadcast_in_dim3A_720 = vector.broadcast %squeeze3A_135 : f32 to vector<16xf32>
      %mul3A_721 = vector.broadcast %squeeze3A_55 : f32 to vector<16xf32>
      %mul3A_722 = arith.mulf %scan3A_212#14, %mul3A_721 : vector<16xf32>
      %add3A_723 = arith.addf %broadcast_in_dim3A_720, %mul3A_722 : vector<16xf32>
      %mul3A_724 = vector.broadcast %squeeze3A_75 : f32 to vector<16xf32>
      %mul3A_725 = arith.mulf %scan3A_212#15, %mul3A_724 : vector<16xf32>
      %add3A_726 = arith.addf %add3A_723, %mul3A_725 : vector<16xf32>
      %mul3A_727 = vector.broadcast %squeeze3A_95 : f32 to vector<16xf32>
      %mul3A_728 = arith.mulf %scan3A_212#16, %mul3A_727 : vector<16xf32>
      %add3A_729 = arith.addf %add3A_726, %mul3A_728 : vector<16xf32>
      %mul3A_730 = vector.broadcast %squeeze3A_115 : f32 to vector<16xf32>
      %mul3A_731 = arith.mulf %scan3A_212#17, %mul3A_730 : vector<16xf32>
      %add3A_732 = arith.addf %add3A_729, %mul3A_731 : vector<16xf32>
      tpu.vector_store_idx %arg11[%add3A_615, %broadcast_in_dim3A_154], %add3A_732 : memref<512x10xf32, #tpu.memory_space<vmem>>[vector<16xi32>, vector<16xi32>], vector<16xf32>,
      %broadcast_in_dim3A_733 = vector.broadcast %squeeze3A_137 : f32 to vector<16xf32>
      %mul3A_734 = vector.broadcast %squeeze3A_57 : f32 to vector<16xf32>
      %mul3A_735 = arith.mulf %scan3A_212#14, %mul3A_734 : vector<16xf32>
      %add3A_736 = arith.addf %broadcast_in_dim3A_733, %mul3A_735 : vector<16xf32>
      %mul3A_737 = vector.broadcast %squeeze3A_77 : f32 to vector<16xf32>
      %mul3A_738 = arith.mulf %scan3A_212#15, %mul3A_737 : vector<16xf32>
      %add3A_739 = arith.addf %add3A_736, %mul3A_738 : vector<16xf32>
      %mul3A_740 = vector.broadcast %squeeze3A_97 : f32 to vector<16xf32>
      %mul3A_741 = arith.mulf %scan3A_212#16, %mul3A_740 : vector<16xf32>
      %add3A_742 = arith.addf %add3A_739, %mul3A_741 : vector<16xf32>
      %mul3A_743 = vector.broadcast %squeeze3A_117 : f32 to vector<16xf32>
      %mul3A_744 = arith.mulf %scan3A_212#17, %mul3A_743 : vector<16xf32>
      %add3A_745 = arith.addf %add3A_742, %mul3A_744 : vector<16xf32>
      tpu.vector_store_idx %arg11[%add3A_615, %broadcast_in_dim3A_156], %add3A_745 : memref<512x10xf32, #tpu.memory_space<vmem>>[vector<16xi32>, vector<16xi32>], vector<16xf32>,
      %scan3A_746 = arith.constant 0 : i32
      scf.yield %scan3A_746 : i32
    }
    %scan3A_181 = arith.constant 4 : i32
    %mul3A_182 = arith.constant 128 : i32
    %mul3A_183 = arith.muli %add3A, %mul3A_182 : i32
    %add3A_184 = arith.constant 0 : i32
    %add3A_185 = arith.addi %mul3A_183, %add3A_184 : i32
    "tpu.region"() ({
      %run_scoped3A = tpu.sem_alloc : memref<!tpu.dma_semaphore, #tpu.memory_space<semaphore_mem>>
      %dma_start3A_198 = arith.constant 0 : i32
      %dma_start3A_199 = arith.constant 0 : i32
      %dma_start3A_200 = tpu.memref_slice %arg11[%dma_start3A_198, %dma_start3A_199] : memref<512x10xf32, #tpu.memory_space<vmem>> -> memref<128x10xf32, #tpu.memory_space<vmem>>
      %dma_start3A_201 = arith.constant 0 : i32
      %dma_start3A_202 = tpu.memref_slice %arg6[%add3A_185, %dma_start3A_201] : memref<16384x10xf32, #tpu.memory_space<hbm>> -> memref<128x10xf32, #tpu.memory_space<hbm>>
      %dma_start3A_203 = arith.constant 0 : i32
      %dma_start3A_204 = tpu.memref_slice %arg6[%add3A_185, %dma_start3A_203] : memref<16384x10xf32, #tpu.memory_space<hbm>> -> memref<128x10xf32, #tpu.memory_space<hbm>>
      %dma_start3A_205 = arith.constant 0 : i32
      %dma_start3A_206 = arith.constant 0 : i32
      %dma_start3A_207 = tpu.memref_slice %arg11[%dma_start3A_205, %dma_start3A_206] : memref<512x10xf32, #tpu.memory_space<vmem>> -> memref<128x10xf32, #tpu.memory_space<vmem>>
      tpu.enqueue_dma source(%dma_start3A_207 : memref<128x10xf32, #tpu.memory_space<vmem>>) target(%dma_start3A_204 : memref<128x10xf32, #tpu.memory_space<hbm>>) target_semaphore(%run_scoped3A : memref<!tpu.dma_semaphore, #tpu.memory_space<semaphore_mem>>)
      %dma_wait3A_208 = arith.constant 0 : i32
      %dma_wait3A_209 = arith.constant 0 : i32
      %dma_wait3A_210 = tpu.memref_slice %arg11[%dma_wait3A_208, %dma_wait3A_209] : memref<512x10xf32, #tpu.memory_space<vmem>> -> memref<128x10xf32, #tpu.memory_space<vmem>>
      %dma_wait3A_211 = arith.constant 0 : i32
      %dma_wait3A_212 = tpu.memref_slice %arg6[%add3A_185, %dma_wait3A_211] : memref<16384x10xf32, #tpu.memory_space<hbm>> -> memref<128x10xf32, #tpu.memory_space<hbm>>
      %dma_wait3A_213 = arith.constant 0 : i32
      %dma_wait3A_214 = tpu.memref_slice %arg6[%add3A_185, %dma_wait3A_213] : memref<16384x10xf32, #tpu.memory_space<hbm>> -> memref<128x10xf32, #tpu.memory_space<hbm>>
      %dma_wait3A_215 = arith.constant 0 : i32
      %dma_wait3A_216 = arith.constant 0 : i32
      %dma_wait3A_217 = tpu.memref_slice %arg11[%dma_wait3A_215, %dma_wait3A_216] : memref<512x10xf32, #tpu.memory_space<vmem>> -> memref<128x10xf32, #tpu.memory_space<vmem>>
      tpu.wait_dma2 semaphore(%run_scoped3A : memref<!tpu.dma_semaphore, #tpu.memory_space<semaphore_mem>>) src(%dma_wait3A_217 : memref<128x10xf32, #tpu.memory_space<vmem>>) dst(%dma_wait3A_214 : memref<128x10xf32, #tpu.memory_space<hbm>>)
      tpu.yield
    }) : () -> ()
    %mul3A_186 = arith.constant 128 : i32
    %mul3A_187 = arith.muli %add3A, %mul3A_186 : i32
    %add3A_188 = arith.constant 4096 : i32
    %add3A_189 = arith.addi %mul3A_187, %add3A_188 : i32
    "tpu.region"() ({
      %run_scoped3A = tpu.sem_alloc : memref<!tpu.dma_semaphore, #tpu.memory_space<semaphore_mem>>
      %dma_start3A_198 = arith.constant 128 : i32
      %dma_start3A_199 = arith.constant 0 : i32
      %dma_start3A_200 = tpu.memref_slice %arg11[%dma_start3A_198, %dma_start3A_199] : memref<512x10xf32, #tpu.memory_space<vmem>> -> memref<128x10xf32, #tpu.memory_space<vmem>>
      %dma_start3A_201 = arith.constant 0 : i32
      %dma_start3A_202 = tpu.memref_slice %arg6[%add3A_189, %dma_start3A_201] : memref<16384x10xf32, #tpu.memory_space<hbm>> -> memref<128x10xf32, #tpu.memory_space<hbm>>
      %dma_start3A_203 = arith.constant 0 : i32
      %dma_start3A_204 = tpu.memref_slice %arg6[%add3A_189, %dma_start3A_203] : memref<16384x10xf32, #tpu.memory_space<hbm>> -> memref<128x10xf32, #tpu.memory_space<hbm>>
      %dma_start3A_205 = arith.constant 128 : i32
      %dma_start3A_206 = arith.constant 0 : i32
      %dma_start3A_207 = tpu.memref_slice %arg11[%dma_start3A_205, %dma_start3A_206] : memref<512x10xf32, #tpu.memory_space<vmem>> -> memref<128x10xf32, #tpu.memory_space<vmem>>
      tpu.enqueue_dma source(%dma_start3A_207 : memref<128x10xf32, #tpu.memory_space<vmem>>) target(%dma_start3A_204 : memref<128x10xf32, #tpu.memory_space<hbm>>) target_semaphore(%run_scoped3A : memref<!tpu.dma_semaphore, #tpu.memory_space<semaphore_mem>>)
      %dma_wait3A_208 = arith.constant 128 : i32
      %dma_wait3A_209 = arith.constant 0 : i32
      %dma_wait3A_210 = tpu.memref_slice %arg11[%dma_wait3A_208, %dma_wait3A_209] : memref<512x10xf32, #tpu.memory_space<vmem>> -> memref<128x10xf32, #tpu.memory_space<vmem>>
      %dma_wait3A_211 = arith.constant 0 : i32
      %dma_wait3A_212 = tpu.memref_slice %arg6[%add3A_189, %dma_wait3A_211] : memref<16384x10xf32, #tpu.memory_space<hbm>> -> memref<128x10xf32, #tpu.memory_space<hbm>>
      %dma_wait3A_213 = arith.constant 0 : i32
      %dma_wait3A_214 = tpu.memref_slice %arg6[%add3A_189, %dma_wait3A_213] : memref<16384x10xf32, #tpu.memory_space<hbm>> -> memref<128x10xf32, #tpu.memory_space<hbm>>
      %dma_wait3A_215 = arith.constant 128 : i32
      %dma_wait3A_216 = arith.constant 0 : i32
      %dma_wait3A_217 = tpu.memref_slice %arg11[%dma_wait3A_215, %dma_wait3A_216] : memref<512x10xf32, #tpu.memory_space<vmem>> -> memref<128x10xf32, #tpu.memory_space<vmem>>
      tpu.wait_dma2 semaphore(%run_scoped3A : memref<!tpu.dma_semaphore, #tpu.memory_space<semaphore_mem>>) src(%dma_wait3A_217 : memref<128x10xf32, #tpu.memory_space<vmem>>) dst(%dma_wait3A_214 : memref<128x10xf32, #tpu.memory_space<hbm>>)
      tpu.yield
    }) : () -> ()
    %mul3A_190 = arith.constant 128 : i32
    %mul3A_191 = arith.muli %add3A, %mul3A_190 : i32
    %add3A_192 = arith.constant 8192 : i32
    %add3A_193 = arith.addi %mul3A_191, %add3A_192 : i32
    "tpu.region"() ({
      %run_scoped3A = tpu.sem_alloc : memref<!tpu.dma_semaphore, #tpu.memory_space<semaphore_mem>>
      %dma_start3A_198 = arith.constant 256 : i32
      %dma_start3A_199 = arith.constant 0 : i32
      %dma_start3A_200 = tpu.memref_slice %arg11[%dma_start3A_198, %dma_start3A_199] : memref<512x10xf32, #tpu.memory_space<vmem>> -> memref<128x10xf32, #tpu.memory_space<vmem>>
      %dma_start3A_201 = arith.constant 0 : i32
      %dma_start3A_202 = tpu.memref_slice %arg6[%add3A_193, %dma_start3A_201] : memref<16384x10xf32, #tpu.memory_space<hbm>> -> memref<128x10xf32, #tpu.memory_space<hbm>>
      %dma_start3A_203 = arith.constant 0 : i32
      %dma_start3A_204 = tpu.memref_slice %arg6[%add3A_193, %dma_start3A_203] : memref<16384x10xf32, #tpu.memory_space<hbm>> -> memref<128x10xf32, #tpu.memory_space<hbm>>
      %dma_start3A_205 = arith.constant 256 : i32
      %dma_start3A_206 = arith.constant 0 : i32
      %dma_start3A_207 = tpu.memref_slice %arg11[%dma_start3A_205, %dma_start3A_206] : memref<512x10xf32, #tpu.memory_space<vmem>> -> memref<128x10xf32, #tpu.memory_space<vmem>>
      tpu.enqueue_dma source(%dma_start3A_207 : memref<128x10xf32, #tpu.memory_space<vmem>>) target(%dma_start3A_204 : memref<128x10xf32, #tpu.memory_space<hbm>>) target_semaphore(%run_scoped3A : memref<!tpu.dma_semaphore, #tpu.memory_space<semaphore_mem>>)
      %dma_wait3A_208 = arith.constant 256 : i32
      %dma_wait3A_209 = arith.constant 0 : i32
      %dma_wait3A_210 = tpu.memref_slice %arg11[%dma_wait3A_208, %dma_wait3A_209] : memref<512x10xf32, #tpu.memory_space<vmem>> -> memref<128x10xf32, #tpu.memory_space<vmem>>
      %dma_wait3A_211 = arith.constant 0 : i32
      %dma_wait3A_212 = tpu.memref_slice %arg6[%add3A_193, %dma_wait3A_211] : memref<16384x10xf32, #tpu.memory_space<hbm>> -> memref<128x10xf32, #tpu.memory_space<hbm>>
      %dma_wait3A_213 = arith.constant 0 : i32
      %dma_wait3A_214 = tpu.memref_slice %arg6[%add3A_193, %dma_wait3A_213] : memref<16384x10xf32, #tpu.memory_space<hbm>> -> memref<128x10xf32, #tpu.memory_space<hbm>>
      %dma_wait3A_215 = arith.constant 256 : i32
      %dma_wait3A_216 = arith.constant 0 : i32
      %dma_wait3A_217 = tpu.memref_slice %arg11[%dma_wait3A_215, %dma_wait3A_216] : memref<512x10xf32, #tpu.memory_space<vmem>> -> memref<128x10xf32, #tpu.memory_space<vmem>>
      tpu.wait_dma2 semaphore(%run_scoped3A : memref<!tpu.dma_semaphore, #tpu.memory_space<semaphore_mem>>) src(%dma_wait3A_217 : memref<128x10xf32, #tpu.memory_space<vmem>>) dst(%dma_wait3A_214 : memref<128x10xf32, #tpu.memory_space<hbm>>)
      tpu.yield
    }) : () -> ()
    %mul3A_194 = arith.constant 128 : i32
    %mul3A_195 = arith.muli %add3A, %mul3A_194 : i32
    %add3A_196 = arith.constant 12288 : i32
    %add3A_197 = arith.addi %mul3A_195, %add3A_196 : i32
    "tpu.region"() ({
      %run_scoped3A = tpu.sem_alloc : memref<!tpu.dma_semaphore, #tpu.memory_space<semaphore_mem>>
      %dma_start3A_198 = arith.constant 384 : i32
      %dma_start3A_199 = arith.constant 0 : i32
      %dma_start3A_200 = tpu.memref_slice %arg11[%dma_start3A_198, %dma_start3A_199] : memref<512x10xf32, #tpu.memory_space<vmem>> -> memref<128x10xf32, #tpu.memory_space<vmem>>
      %dma_start3A_201 = arith.constant 0 : i32
      %dma_start3A_202 = tpu.memref_slice %arg6[%add3A_197, %dma_start3A_201] : memref<16384x10xf32, #tpu.memory_space<hbm>> -> memref<128x10xf32, #tpu.memory_space<hbm>>
      %dma_start3A_203 = arith.constant 0 : i32
      %dma_start3A_204 = tpu.memref_slice %arg6[%add3A_197, %dma_start3A_203] : memref<16384x10xf32, #tpu.memory_space<hbm>> -> memref<128x10xf32, #tpu.memory_space<hbm>>
      %dma_start3A_205 = arith.constant 384 : i32
      %dma_start3A_206 = arith.constant 0 : i32
      %dma_start3A_207 = tpu.memref_slice %arg11[%dma_start3A_205, %dma_start3A_206] : memref<512x10xf32, #tpu.memory_space<vmem>> -> memref<128x10xf32, #tpu.memory_space<vmem>>
      tpu.enqueue_dma source(%dma_start3A_207 : memref<128x10xf32, #tpu.memory_space<vmem>>) target(%dma_start3A_204 : memref<128x10xf32, #tpu.memory_space<hbm>>) target_semaphore(%run_scoped3A : memref<!tpu.dma_semaphore, #tpu.memory_space<semaphore_mem>>)
      %dma_wait3A_208 = arith.constant 384 : i32
      %dma_wait3A_209 = arith.constant 0 : i32
      %dma_wait3A_210 = tpu.memref_slice %arg11[%dma_wait3A_208, %dma_wait3A_209] : memref<512x10xf32, #tpu.memory_space<vmem>> -> memref<128x10xf32, #tpu.memory_space<vmem>>
      %dma_wait3A_211 = arith.constant 0 : i32
      %dma_wait3A_212 = tpu.memref_slice %arg6[%add3A_197, %dma_wait3A_211] : memref<16384x10xf32, #tpu.memory_space<hbm>> -> memref<128x10xf32, #tpu.memory_space<hbm>>
      %dma_wait3A_213 = arith.constant 0 : i32
      %dma_wait3A_214 = tpu.memref_slice %arg6[%add3A_197, %dma_wait3A_213] : memref<16384x10xf32, #tpu.memory_space<hbm>> -> memref<128x10xf32, #tpu.memory_space<hbm>>
      %dma_wait3A_215 = arith.constant 384 : i32
      %dma_wait3A_216 = arith.constant 0 : i32
      %dma_wait3A_217 = tpu.memref_slice %arg11[%dma_wait3A_215, %dma_wait3A_216] : memref<512x10xf32, #tpu.memory_space<vmem>> -> memref<128x10xf32, #tpu.memory_space<vmem>>
      tpu.wait_dma2 semaphore(%run_scoped3A : memref<!tpu.dma_semaphore, #tpu.memory_space<semaphore_mem>>) src(%dma_wait3A_217 : memref<128x10xf32, #tpu.memory_space<vmem>>) dst(%dma_wait3A_214 : memref<128x10xf32, #tpu.memory_space<hbm>>)
      tpu.yield
    }) : () -> ()
    return
  }
}

</mosaic_0001>

<sc_bundles>
// kernel: kernel.3.cloned.1.call-start
scs
__scs_entry_jumppad:
0x0: {  	(pc) =	sbr.rel $0x88, $3  }
0x1: {  	(tag) =	ssettag $0x0;
	lr =	simm.s32 $0x1  }
0x2: {  	[smem:$0x3F9D] =	sst lr;
	_ =	strace $0xD0000000  }
0x3: {  	_ = 	snop  }
0x4: {  	_ = 	snop  }
0x5: {  	_ = 	snop  }
0x6: {  	_ = 	snop  }
0x7: {  	_ = 	snop  }
__scs_overlays_trampoline_lowered:
0x8: {  	[smem:$0x3FAC] =	sst s0  }
0x9: {  	[smem:$0x3FAD] =	sst s1  }
0xa: {  	[smem:$0x3FAE] =	sst s2  }
0xb: {  	[smem:$0x3FAF] =	sst s3  }
0xc: {  	[smem:$0x3FB0] =	sst s4  }
0xd: {  	[smem:$0x3FB1] =	sst s5  }
0xe: {  	[smem:$0x3FB2] =	sst s6  }
0xf: {  	[smem:$0x3FB3] =	sst s7  }
0x10: {  	[smem:$0x3FB4] =	sst s8  }
0x11: {  	[smem:$0x3FB5] =	sst s9;
	s0 =	simm.s32 @!p0 $0x0  }
0x12: {  	s1 =	sld [smem:$0x3F9B];
	s0 =	simm.s32 @p0 $0x1  }
0x13: {  	[smem:$0x3FB6] =	sst s0;
	s0 =	simm.s32 @!p1 $0x0  }
0x14: {  	s2 =	sld [smem:$0x3F9A];
	s0 =	simm.s32 @p1 $0x1  }
0x15: {  	[smem:$0x3FB7] =	sst s0;
	s0 =	simm.s32 @!p2 $0x0  }
0x16: {  	s3 =	sld [smem:$0x3FDB];
	s0 =	simm.s32 @p2 $0x1  }
0x17: {  	s4 =	simm.s32 $0x1BF5;
	[smem:$0x3FB9] =	sst s0  }
0x18: {  	s0 =	sld [smem:$0x3F9C];
	_ =	swait.ge [sflag:s4], $0x0  }
0x19: {  	s7 =	sld [smem:$0x3F9D]  }
0x1a: {  	s8 =	sadd.s32 $0xFFFFE003, lr  }
0x1b: {  	s9 =	sadd.s32 $0xFFFFFEF7, lr;
	s5 =	simm.s32 $0xFFFFFFFF;
	p2 =	slt.u32 s8, $0xFFFFF086  }
0x1c: {  	p1 =	slt.u32 s9, $0xF7A;
	s5 =	simm.s32 @!p2 $0x0  }
0x1d: {  	s5 =	simm.s32 @p1 $0x1;
	p0 =	seq.s32 s7, s2  }
0x1e: {  	s7 =	smul.u32 @!p0 $0xF7A, s2;
	p2 =	seq.s32 @!p0 s5, $0x0  }
0x1f: {  	s9 =	smul.u32 $0xF7A, s1;
	s8 =	simm.s32 @!p0 $0x1BF5;
	p2 =	por !p2, p0  }
0x20: {  	[sflag:s8] =	ssyncset.s32 @!p0 $0xFFFFF086;
	s6 =	sadd.s32 @!p0 s3, s7;
	s7 =	simm.s32 @!p0 $0x108  }
0x21: {  	s3 =	sadd.s32 s3, s9;
	s6 =	sadd.s32 @!p0 $0x88, s6;
	s7 =	simm.s32 @p2 $0x1082  }
0x22: {  	[simem:s7], [sflag:s8] =	dma.local @!p0 [hbm:s6], $0xF7A  }
0x23: {  	s9 =	sor.u32 $0xD0000000, s2;
	s6 =	simm.s32 $0x108;
	_ =	swait.ge @!p0 [sflag:s8], $0x0  }
0x24: {  	s3 =	sadd.s32 $0x88, s3;
	s6 =	simm.s32 @!p1 $0x1082;
	[sflag:s4] =	ssyncset.s32 $0xFFFFF086  }
0x25: {  	[simem:s6], [sflag:s4] =	dma.local [hbm:s3], $0xF7A  }
0x26: {  	[smem:$0x3F9D] =	sst s1;
	(tag) =	ssettag s2;
	_ =	strace s9  }
0x27: {  	s1 =	sld [smem:$0x3FAD]  }
0x28: {  	s2 =	sld [smem:$0x3FAE]  }
0x29: {  	s4 =	sld [smem:$0x3FB0]  }
0x2a: {  	p0 =	seq.s32 s5, $0x0;
	s5 =	sld [smem:$0x3FB1]  }
0x2b: {  	s6 =	sld [smem:$0x3FB2]  }
0x2c: {  	s7 =	sld [smem:$0x3FB3]  }
0x2d: {  	s3 =	simm.s32 $0x108;
	s8 =	sld [smem:$0x3FB4]  }
0x2e: {  	s3 =	simm.s32 @!p0 $0x1082;
	s9 =	sld [smem:$0x3FB5]  }
0x2f: {  	lr =	sadd.s32 s0, s3;
	s0 =	sld [smem:$0x3FAC]  }
0x30: {  	s3 =	sld [smem:$0x3FAF]  }
0x31: {  	[smem:$0x3FB8] =	sst s10  }
0x32: {  	s10 =	sld [smem:$0x3FB6];
	_ =	sdelay $0x3  }
0x33: {  	p0 =	seq.s32 s10, $0x1;
	s10 =	sld [smem:$0x3FB8];
	_ =	sdelay $0x3  }
0x34: {  	[smem:$0x3FB8] =	sst s10  }
0x35: {  	s10 =	sld [smem:$0x3FB7];
	_ =	sdelay $0x3  }
0x36: {  	p1 =	seq.s32 s10, $0x1;
	s10 =	sld [smem:$0x3FB8];
	_ =	sdelay $0x3  }
0x37: {  	[smem:$0x3FB8] =	sst s10  }
0x38: {  	s10 =	sld [smem:$0x3FB9]  }
0x39: {  	_ = 	snop;
	(pc) =	sbr.ind lr, $3  }
0x3a: {  	_ = 	snop  }
0x3b: {  	_ = 	snop  }
0x3c: {  	p2 =	seq.s32 s10, $0x1;
	s10 =	sld [smem:$0x3FB8]  }
0x3d: {  	_ =	shalt  }
0x3e: {  	_ =	shalt  }
0x3f: {  	_ =	shalt  }
0x40: {  	_ =	shalt  }
0x41: {  	_ =	shalt  }
0x42: {  	_ =	shalt  }
0x43: {  	_ =	shalt  }
0x44: {  	_ =	shalt  }
0x45: {  	_ =	shalt  }
0x46: {  	_ =	shalt  }
0x47: {  	_ =	shalt  }
0x48: {  	_ =	shalt  }
0x49: {  	_ =	shalt  }
0x4a: {  	_ =	shalt  }
0x4b: {  	_ =	shalt  }
0x4c: {  	_ =	shalt  }
0x4d: {  	_ =	shalt  }
0x4e: {  	_ =	shalt  }
0x4f: {  	_ =	shalt  }
0x50: {  	_ =	shalt  }
0x51: {  	_ =	shalt  }
0x52: {  	_ =	shalt  }
0x53: {  	_ =	shalt  }
0x54: {  	_ =	shalt  }
0x55: {  	_ =	shalt  }
0x56: {  	_ =	shalt  }
0x57: {  	_ =	shalt  }
0x58: {  	_ =	shalt  }
0x59: {  	_ =	shalt  }
0x5a: {  	_ =	shalt  }
0x5b: {  	_ =	shalt  }
0x5c: {  	_ =	shalt  }
0x5d: {  	_ =	shalt  }
0x5e: {  	_ =	shalt  }
0x5f: {  	_ =	shalt  }
0x60: {  	_ =	shalt  }
0x61: {  	_ =	shalt  }
0x62: {  	_ =	shalt  }
0x63: {  	_ =	shalt  }
0x64: {  	_ =	shalt  }
0x65: {  	_ =	shalt  }
0x66: {  	_ =	shalt  }
0x67: {  	_ =	shalt  }
0x68: {  	_ =	shalt  }
0x69: {  	_ =	shalt  }
0x6a: {  	_ =	shalt  }
0x6b: {  	_ =	shalt  }
0x6c: {  	_ =	shalt  }
0x6d: {  	_ =	shalt  }
0x6e: {  	_ =	shalt  }
0x6f: {  	_ =	shalt  }
0x70: {  	_ =	shalt  }
0x71: {  	_ =	shalt  }
0x72: {  	_ =	shalt  }
0x73: {  	_ =	shalt  }
0x74: {  	_ =	shalt  }
0x75: {  	_ =	shalt  }
0x76: {  	_ =	shalt  }
0x77: {  	_ =	shalt  }
0x78: {  	_ =	shalt  }
0x79: {  	_ =	shalt  }
0x7a: {  	_ =	shalt  }
0x7b: {  	_ =	shalt  }
0x7c: {  	_ =	shalt  }
0x7d: {  	_ =	shalt  }
0x7e: {  	_ =	shalt  }
0x7f: {  	_ =	shalt  }
0x80: {  	_ =	shalt  }
0x81: {  	_ =	shalt  }
0x82: {  	_ =	shalt  }
0x83: {  	_ =	shalt  }
0x84: {  	_ =	shalt  }
0x85: {  	_ =	shalt  }
0x86: {  	_ =	shalt  }
0x87: {  	_ =	shalt  }
.Lfunc_end0:
.L_simem_size_0:
called_computation_lowered:
.L_overlay_start_0:
0x88: {  	s2 =	sld [smem:$0x3FD9]  }
0x89: {  	s3 =	sld [smem:$0x3FFE];
	_ =	sdelay $0x1  }
0x8a: {  	s1 =	srdreg.scid  }
0x8b: {  	s0 =	sand.u32 $0x1, s1  }
0x8c: {  	s17 =	sshll.u32 s0, $0xA;
	s2 =	sadd.s32 s3, s2  }
0x8d: {  	s2 =	sadd.s32 s2, s17  }
0x8e: {  	[smem:$0x3FC4] =	sst s2  }
0x8f: {  	_ = 	snop  }
0x90: {  	s2 =	sld [smem:$0x3FD0];
	(tm) =	ssettm $0x1  }
0x91: {  	s18 =	sld [smem:$0x3FFB];
	_ =	sdelay $0x3  }
0x92: {  	_ =	strace s18  }
0x93: {  	s3 =	sld [smem:$0x3FFC];
	_ =	sdelay $0x3  }
0x94: {  	_ =	strace s3  }
0x95: {  	s3 =	sld [smem:$0x3FFD];
	_ =	sdelay $0x3  }
0x96: {  	_ =	strace s3  }
0x97: {  	_ =	strace $0x8FFFFFFF  }
0x98: {  	s19 =	sld [smem:$0x3FDB];
	_ =	sdelay $0x1  }
0x99: {  	s4 =	simm.s32 $_scs_section_size  }
0x9a: {  	s5 =	simm.s32 $_size__tile_overlayer_lowered;
	s6 =	simm.s32 $_tile_overlayer_lowered  }
0x9b: {  	s22 =	simm.s32 $0x1BFF;
	s21 =	sshll.u32 s6, $0x1;
	s3 =	sadd.s32 s4, s19  }
0x9c: {  	s7 =	simm.s32 $0x0;
	s20 =	sshll.u32 s5, $0x1;
	s5 =	sadd.s32 s21, s3  }
0x9d: {  	[timem:s7], [sflag:s22] =	dma.local [hbm:s5], s20  }
0x9e: {  	_ =	swait.ge [sflag:s22], s20  }
0x9f: {  	s4 =	ssub.s32 $0x0, s20;
	[sflag:s22] =	ssyncset.done $0x0  }
0xa0: {  	[sflag:s22] =	ssyncadd.s32 s4;
	_ =	sdelay $0x1  }
0xa1: {  	s23 =	simm.s32 $0x1B8B  }
0xa2: {  	_ =	swait.ge [sflag:s23], $0x1  }
0xa3: {  	[sflag:s23] =	ssyncset.done $0x0  }
0xa4: {  	s25 =	simm.s32 $0x1B8E;
	s24 =	sld [smem:$0x3FFE];
	[sflag:s23] =	ssyncadd.s32 $0xFFFFFFFF  }
0xa5: {  	s26 =	simm.s32 $execute0_lowered;
	[smem:$0x3FD2] =	sst s25  }
0xa6: {  	s5 =	sshll.u32 s26, $0x1;
	_ =	strace $0x80000046;
	[dreg:$0x1] =	wrdreg $0xFFFFFFFF  }
0xa7: {  	s28 =	simm.s32 $_size_execute0_lowered;
	s3 =	sadd.s32 s3, s5;
	[dreg:$0x0] =	wrdreg $0x0  }
0xa8: {  	s5 =	sshll.u32 s28, $0x1;
	[dreg:$0x2] =	wrdreg s3  }
0xa9: {  	[dreg:$0x3] =	wrdreg s5  }
0xaa: {  	[dreg:$0x4] =	wrdreg $0xC0  }
0xab: {  	_ =	task [dreg:s7], $0x5FFFF  }
0xac: {  	[dreg:$0x1] =	wrdreg $0xFFFFFFFF  }
0xad: {  	[dreg:$0x0] =	wrdreg $0x60  }
0xae: {  	[dreg:$0x2] =	wrdreg s24  }
0xaf: {  	[dreg:$0x3] =	wrdreg s2  }
0xb0: {  	[dreg:$0x4] =	wrdreg $0x9  }
0xb1: {  	_ =	task.clear_ibuf [dreg:s7], $0x5FFFF;
	_ =	strace $0x90000046  }
0xb2: {  	s29 =	simm.s32 $0x9;
	_ =	strace $0x80000048  }
0xb3: {  	_ =	swait.ge [sflag:s29], $0x1  }
0xb4: {  	[sflag:s29] =	ssyncadd.s32 $0xFFFFFFFF  }
0xb5: {  	_ =	strace $0x90000048  }
0xb6: {  	_ =	sfence  }
0xb7: {  	s30 =	sld [smem:$0x0];
	_ =	sdelay $0x2  }
0xb8: {  	s31 =	sshll.u32 s1, $0xD;
	s1 =	sshrl.u32 s1, $0x2  }
0xb9: {  	s3 =	sand.u32 $0x4000, s31;
	s1 =	sadd.s32 s1, s30  }
0xba: {  	s0 =	sor.u32 s3, s0;
	s1 =	sshll.u32 s1, $0x11  }
0xbb: {  	s0 =	sor.u32 s1, s0  }
0xbc: {  	s0 =	sadd.s32 $0x8F2B, s0  }
0xbd: {  	[sflag:s0] =	ssyncadd.remote.s32 $0x1  }
0xbe: {  	_ =	sfence.sel $0xFFFF  }
0xbf: {  	[dreg:$0x0] =	wrdreg $0xFFFFFFFF;
	(pc) =	sbr.abs _section_cstart, $3  }
0xc0: {  	[dreg:$0x1] =	wrdreg $0xFFFFFFFF  }
0xc1: {  	_ =	task.clear_ibuf [dreg:s7], $0x2FFFF;
	_ =	strace $0x9FFFFFFF  }
0xc2: {  	(tm) =	ssettm $0x7FFFFFFF  }
0xc3: {  	_ =	shalt  }
tec
execute0_lowered:
.L_overlay_start_1:
0x0: {  	(tag) =	ssettag $0x1  }
0x1: {  	s5 =	rddreg [dreg:$0x0]  }
0x2: {  	s6 =	rddreg [dreg:$0x1]  }
0x3: {  	s0 =	rddreg [dreg:$0x2]  }
0x4: {  	s3 =	srdreg.scid;
	s1 =	stileid.u32;
	s2 =	simm.s32 $0x0  }
0x5: {  	s13 =	simm.s32 $0x4000;
	s14 =	simm.s32 $0x8000;
	s15 =	simm.s32 $0x3  }
0x6: {  	s16 =	simm.s32 $0xA980;
	s17 =	simm.s32 $0xA9C0;
	s18 =	simm.s32 $0x1  }
0x7: {  	s19 =	simm.s32 $0x8010;
	s20 =	simm.s32 $0x8020;
	s21 =	simm.s32 $0x8030  }
0x8: {  	s22 =	simm.s32 $0xA9D0;
	s23 =	simm.s32 $0x2;
	s24 =	simm.s32 $0xB1D0  }
0x9: {  	s25 =	simm.s32 $0xB9D0;
	s26 =	simm.s32 $0xC1D0;
	s28 =	simm.s32 $0x0  }
0xa: {  	s4 =	sand.u32 $0x1, s3;
	s31 =	sshll.u32 s1, $0x1;
	[smem:$0x7FF] =	sst s2  }
0xb: {  	s7 =	sor.u32 s4, s31;
	_ =	strace $0x80000047;
	s9 =	ssub.s32 $0x2, s4  }
0xc: {  	s4 =	sadd.s32 $0x21200, s5;
	s3 =	sshll.u32 s7, $0xC;
	s10 =	sshrl.u32 s9, $0x1  }
0xd: {  	s7 =	sshll.u32 s7, $0x8;
	s8 =	sadd.s32 s3, s5;
	s3 =	sadd.s32 $0x20C00, s5  }
0xe: {  	v56 =	vlaneseq.u32;
	s5 =	sadd.s32 $0x21400, s5;
	s12 =	ssub.s32 s9, s10;
	s6 =	sadd.s32 s6, s7  }
0xf: {  	v59 =	vor.u32 $0x3FC8, v56;
	s7 =	sadd.s32 $0xC00, s8;
	s8 =	sadd.s32 $0x1400, s8;
	s9 =	sadd.s32 $0x2000, s6  }
0x10: {  	v50 =	vimm.s32 $0x1;
	[tilespmem:$0x1FFF0] =	vst v59;
	s10 =	sadd.s32 $0x4000, s6;
	s11 =	sadd.s32 $0x6000, s6;
	s12 =	smax.u32 s12, $0x1  }
.LBB2_1:
0x11: {  	[tilespmem:s2], [sflag:$0x1] =	stream.linear.gather [hbm4b:s7+s2], $0x4000, $0x38;
	[tilespmem:$0xC9D0] =	vst v63  }
0x12: {  	_ = 	snop  }
0x13: {  	[tilespmem:s13], [sflag:$0x2] =	stream.linear.gather [hbm4b:s8+s2], $0x4000, $0x38;
	[tilespmem:$0xC9D0] =	vst v63  }
0x14: {  	_ = 	snop  }
0x15: {  	[tilespmem:s14], [sflag:$0x3] =	stream.linear.gather [hbm4b:s3+s2], $0x2940, $0x38;
	[tilespmem:$0xC9D0] =	vst v63  }
0x16: {  	_ =	swait.ge [sflag:s15], $0x2940  }
0x17: {  	[sflag:s15] =	ssyncset.done $0x0  }
0x18: {  	[sflag:s15] =	ssyncadd.s32 $0xFFFFD6C0  }
0x19: {  	[tilespmem:s16], [sflag:$0x3] =	stream.linear.gather [hbm4b:s4+s2], $0x40, $0x38;
	[tilespmem:$0xC9D0] =	vst v63  }
0x1a: {  	_ =	swait.ge [sflag:s15], $0x40  }
0x1b: {  	[sflag:s15] =	ssyncset.done $0x0  }
0x1c: {  	[sflag:s15] =	ssyncadd.s32 $0xFFFFFFC0  }
0x1d: {  	[tilespmem:s17], [sflag:$0x3] =	stream.linear.gather [hbm4b:s5+s2], $0x10, $0x38;
	[tilespmem:$0xC9D0] =	vst v63  }
0x1e: {  	_ =	swait.ge [sflag:s15], $0x10  }
0x1f: {  	[sflag:s15] =	ssyncset.done $0x0  }
0x20: {  	[sflag:s15] =	ssyncadd.s32 $0xFFFFFFF0  }
0x21: {  	_ =	swait.ge [sflag:s18], $0x4000  }
0x22: {  	[sflag:s18] =	ssyncset.done $0x0  }
0x23: {  	[sflag:s18] =	ssyncadd.s32 $0xFFFFC000  }
0x24: {  	v5 =	vld [tilespmem:$0xA9C0]  }
0x25: {  	v3 =	vld [tilespmem:$0xA980]  }
0x26: {  	v4 =	vld [tilespmem:$0xA990]  }
0x27: {  	v6 =	vld [tilespmem:$0xA9A0]  }
0x28: {  	v7 =	vld [tilespmem:$0xA9B0]  }
0x29: {  	v0 =	vbroadcast v5, $0x0  }
0x2a: {  	v12 =	vbroadcast v3, $0x0  }
0x2b: {  	v13 =	vbroadcast v4, $0x0;
	[tilespmem:$0x1FCD0] =	vst v0  }
0x2c: {  	v14 =	vbroadcast v6, $0x0;
	[tilespmem:$0x1FCE0] =	vst v12  }
0x2d: {  	v15 =	vbroadcast v7, $0x0;
	[tilespmem:$0x1FCF0] =	vst v13  }
0x2e: {  	v16 =	vbroadcast v5, $0x1;
	[tilespmem:$0x1FD00] =	vst v14  }
0x2f: {  	v17 =	vbroadcast v3, $0x1;
	[tilespmem:$0x1FD10] =	vst v15  }
0x30: {  	v18 =	vbroadcast v4, $0x1;
	[tilespmem:$0x1FD20] =	vst v16  }
0x31: {  	v19 =	vbroadcast v6, $0x1;
	[tilespmem:$0x1FD30] =	vst v17  }
0x32: {  	v20 =	vbroadcast v7, $0x1;
	[tilespmem:$0x1FD40] =	vst v18  }
0x33: {  	v21 =	vbroadcast v5, $0x2;
	[tilespmem:$0x1FD50] =	vst v19  }
0x34: {  	v22 =	vbroadcast v3, $0x2;
	[tilespmem:$0x1FD60] =	vst v20  }
0x35: {  	v23 =	vbroadcast v4, $0x2;
	[tilespmem:$0x1FD70] =	vst v21  }
0x36: {  	v24 =	vbroadcast v6, $0x2;
	[tilespmem:$0x1FD80] =	vst v22  }
0x37: {  	v25 =	vbroadcast v7, $0x2;
	[tilespmem:$0x1FD90] =	vst v23  }
0x38: {  	v26 =	vbroadcast v5, $0x3;
	[tilespmem:$0x1FDA0] =	vst v24  }
0x39: {  	v27 =	vbroadcast v3, $0x3;
	[tilespmem:$0x1FDB0] =	vst v25  }
0x3a: {  	v28 =	vbroadcast v4, $0x3;
	[tilespmem:$0x1FDC0] =	vst v26  }
0x3b: {  	v29 =	vbroadcast v6, $0x3;
	[tilespmem:$0x1FDD0] =	vst v27  }
0x3c: {  	v30 =	vbroadcast v7, $0x3;
	[tilespmem:$0x1FDE0] =	vst v28  }
0x3d: {  	v31 =	vbroadcast v5, $0x4;
	[tilespmem:$0x1FDF0] =	vst v29  }
0x3e: {  	v32 =	vbroadcast v3, $0x4;
	[tilespmem:$0x1FE00] =	vst v30  }
0x3f: {  	v33 =	vbroadcast v4, $0x4;
	[tilespmem:$0x1FE10] =	vst v31  }
0x40: {  	v34 =	vbroadcast v6, $0x4;
	[tilespmem:$0x1FE20] =	vst v32  }
0x41: {  	v35 =	vbroadcast v7, $0x4;
	[tilespmem:$0x1FE30] =	vst v33  }
0x42: {  	v36 =	vbroadcast v5, $0x5;
	[tilespmem:$0x1FE40] =	vst v34  }
0x43: {  	v37 =	vbroadcast v3, $0x5;
	[tilespmem:$0x1FE50] =	vst v35  }
0x44: {  	v38 =	vbroadcast v4, $0x5;
	[tilespmem:$0x1FE60] =	vst v36  }
0x45: {  	v39 =	vbroadcast v6, $0x5;
	[tilespmem:$0x1FE70] =	vst v37  }
0x46: {  	v40 =	vbroadcast v7, $0x5;
	[tilespmem:$0x1FE80] =	vst v38  }
0x47: {  	v41 =	vbroadcast v5, $0x6;
	[tilespmem:$0x1FE90] =	vst v39  }
0x48: {  	v42 =	vbroadcast v3, $0x6;
	[tilespmem:$0x1FEA0] =	vst v40  }
0x49: {  	v43 =	vbroadcast v4, $0x6;
	[tilespmem:$0x1FEB0] =	vst v41  }
0x4a: {  	v44 =	vbroadcast v6, $0x6;
	[tilespmem:$0x1FEC0] =	vst v42  }
0x4b: {  	v45 =	vbroadcast v7, $0x6;
	[tilespmem:$0x1FED0] =	vst v43  }
0x4c: {  	v46 =	vbroadcast v5, $0x7;
	[tilespmem:$0x1FEE0] =	vst v44  }
0x4d: {  	v47 =	vbroadcast v3, $0x7;
	[tilespmem:$0x1FEF0] =	vst v45  }
0x4e: {  	v48 =	vbroadcast v4, $0x7;
	[tilespmem:$0x1FF00] =	vst v46  }
0x4f: {  	v49 =	vbroadcast v6, $0x7;
	[tilespmem:$0x1FF10] =	vst v47  }
0x50: {  	v51 =	vbroadcast v7, $0x7;
	[tilespmem:$0x1FF20] =	vst v48  }
0x51: {  	v52 =	vbroadcast v5, $0x8;
	[tilespmem:$0x1FF30] =	vst v49  }
0x52: {  	v53 =	vbroadcast v3, $0x8;
	[tilespmem:$0x1FF40] =	vst v51  }
0x53: {  	v54 =	vbroadcast v4, $0x8;
	[tilespmem:$0x1FF50] =	vst v52  }
0x54: {  	v55 =	vbroadcast v6, $0x8;
	[tilespmem:$0x1FF60] =	vst v53  }
0x55: {  	v57 =	vbroadcast v7, $0x8;
	[tilespmem:$0x1FF70] =	vst v54  }
0x56: {  	v58 =	vbroadcast v5, $0x9;
	[tilespmem:$0x1FF80] =	vst v55  }
0x57: {  	v60 =	vbroadcast v3, $0x9;
	[tilespmem:$0x1FF90] =	vst v57  }
0x58: {  	v61 =	vbroadcast v4, $0x9;
	[tilespmem:$0x1FFA0] =	vst v58  }
0x59: {  	v62 =	vbroadcast v6, $0x9;
	[tilespmem:$0x1FFB0] =	vst v60  }
0x5a: {  	v63 =	vbroadcast v7, $0x9;
	[tilespmem:$0x1FFC0] =	vst v61  }
0x5b: {  	[tilespmem:$0x1FFD0] =	vst v62  }
0x5c: {  	s29 =	simm.s32 $0x0;
	[tilespmem:$0x1FFE0] =	vst v63  }
.LBB2_2:
0x5d: {  	s30 =	sshll.u32 s29, $0x4;
	v4 =	vlaneseq.u32  }
0x5e: {  	v0 =	vor.u32 s30, v4  }
0x5f: {  	vm0 =	veq.s32 v4, $0xC7;
	v3 =	vshll.u32 v0, $0x8  }
0x60: {  	v5 =	vsel vm0, $0xFFFFFF39, v50;
	v3 =	vor.u32 v4, v3  }
0x61: {  	v5 =	vadd.s32 v3, v5;
	_ =	sdelay $0x4  }
0x62: {  	v8 =	vld.idx.msk [tilespmem:v5+s2+$0x0], $0xffff  }
0x63: {  	vm13 =	veq.s32 v4, $0xC6  }
0x64: {  	v6 =	vsel vm13, $0xFFFFFF39, v50  }
0x65: {  	vm14 =	veq.s32 v4, $0xC5;
	v6 =	vadd.s32 v6, v5  }
0x66: {  	v7 =	vsel vm14, $0xFFFFFF39, v50  }
0x67: {  	v15 =	vadd.s32 v7, v6;
	v5 =	vshll.u32 v8, $0x6  }
0x68: {  	v5 =	vor.u32 v56, v5  }
0x69: {  	v5 =	vand.u32 v59, v5  }
0x6a: {  	v10 =	vld.idx.msk [tilespmem:v6+s2+$0x0], $0xffff  }
0x6b: {  	v9 =	vshrl.u32 v8, $0x2  }
0x6c: {  	v7 =	vld.idx.msk [tilespmem:v15+s2+$0x0], $0xffff;
	v9 =	vand.u32 $0x3FC0, v9  }
0x6d: {  	v11 =	vld.idx.msk [tilespmem:v3+s2+$0x0], $0xffff;
	v12 =	vor.u32 v56, v9  }
0x6e: {  	v19 =	vld.idx.msk [tilespmem:v5+s20+$0x0], $0xffff  }
0x6f: {  	v3 =	vshrl.u32 v10, $0x12;
	v22 =	vld.idx.msk [tilespmem:v5+s21+$0x0], $0xffff  }
0x70: {  	v3 =	vand.u32 $0x3FC0, v3;
	v26 =	vld.idx.msk [tilespmem:v5+s19+$0x0], $0xffff  }
0x71: {  	v6 =	vshll.u32 v7, $0x6;
	v63 =	vor.u32 v56, v3;
	v27 =	vld.idx.msk [tilespmem:v5+s14+$0x0], $0xffff  }
0x72: {  	v6 =	vor.u32 v56, v6;
	v60 =	vld.idx.msk [tilespmem:v12+s20+$0x0], $0xffff  }
0x73: {  	v18 =	vand.u32 v59, v6;
	v29 =	vld.idx.msk [tilespmem:v12+s21+$0x0], $0xffff  }
0x74: {  	v61 =	vlaneseq.u32;
	v21 =	vshll.u32 v10, $0x6;
	v51 =	vld.idx.msk [tilespmem:v12+s19+$0x0], $0xffff  }
0x75: {  	v5 =	vshrl.u32 v7, $0xA;
	v24 =	vld.idx.msk [tilespmem:v12+s14+$0x0], $0xffff;
	v12 =	vor.u32 v61, v21  }
0x76: {  	v3 =	vand.u32 $0x3FC0, v5;
	v62 =	vld.idx.msk [tilespmem:v63+s20+$0x0], $0xffff;
	v25 =	vand.u32 v59, v12  }
0x77: {  	v36 =	vld.idx.msk [tilespmem:v63+s21+$0x0], $0xffff;
	v13 =	vor.u32 v56, v3  }
0x78: {  	v5 =	vshrl.u32 v11, $0xA;
	v6 =	vld.idx.msk [tilespmem:v18+s20+$0x0], $0xffff  }
0x79: {  	[tilespmem:$0x1FCA0] =	vst v0;
	v3 =	vand.u32 $0x3FC0, v5;
	v5 =	vshrl.u32 v7, $0x12;
	v0 =	vld.idx.msk [tilespmem:v18+s19+$0x0], $0xffff  }
0x7a: {  	v32 =	vld.idx.msk [tilespmem:v18+s21+$0x0], $0xffff;
	v28 =	vor.u32 v56, v3;
	v3 =	vand.u32 $0x3FC0, v5;
	v5 =	vshrl.u32 v11, $0x2  }
0x7b: {  	v54 =	vor.u32 v56, v3;
	v3 =	vand.u32 $0x3FC0, v5;
	v5 =	vshrl.u32 v8, $0xA;
	v41 =	vld.idx.msk [tilespmem:v25+s21+$0x0], $0xffff  }
0x7c: {  	v9 =	vor.u32 v56, v3;
	v3 =	vand.u32 $0x3FC0, v5;
	v20 =	vld.idx.msk [tilespmem:v13+s20+$0x0], $0xffff  }
0x7d: {  	v5 =	vshrl.u32 v11, $0x12;
	v57 =	vor.u32 v61, v3;
	v3 =	vld.idx.msk [tilespmem:v13+s19+$0x0], $0xffff  }
0x7e: {  	[tilespmem:$0x1FCB0] =	vst v0;
	v0 =	vand.u32 $0x3FC0, v5;
	v5 =	vld.idx.msk [tilespmem:v13+s21+$0x0], $0xffff  }
0x7f: {  	v52 =	vld.idx.msk [tilespmem:v13+s14+$0x0], $0xffff  }
0x80: {  	v17 =	vld.idx.msk [tilespmem:v28+s19+$0x0], $0xffff  }
0x81: {  	v8 =	vshrl.u32 v8, $0x12;
	v55 =	vld.idx.msk [tilespmem:v28+s21+$0x0], $0xffff  }
0x82: {  	v11 =	vshll.u32 v11, $0x6;
	v8 =	vand.u32 $0x3FC0, v8;
	v48 =	vld.idx.msk [tilespmem:v28+s14+$0x0], $0xffff  }
0x83: {  	v11 =	vor.u32 v61, v11;
	v43 =	vor.u32 v61, v8;
	v53 =	vld.idx.msk [tilespmem:v54+s20+$0x0], $0xffff  }
0x84: {  	v11 =	vand.u32 v59, v11;
	v35 =	vld.idx.msk [tilespmem:v9+s14+$0x0], $0xffff  }
0x85: {  	v12 =	vld.idx.msk [tilespmem:v9+s21+$0x0], $0xffff  }
0x86: {  	v38 =	vld.idx.msk [tilespmem:v57+s21+$0x0], $0xffff  }
0x87: {  	v39 =	vld.idx.msk [tilespmem:v57+s20+$0x0], $0xffff  }
0x88: {  	v7 =	vshrl.u32 v7, $0x2;
	v14 =	vor.u32 v61, v0;
	v46 =	vld.idx.msk [tilespmem:v43+s14+$0x0], $0xffff  }
0x89: {  	v13 =	vand.u32 $0x3FC0, v7;
	v0 =	vshrl.u32 v10, $0xA;
	v34 =	vld.idx.msk [tilespmem:v11+s21+$0x0], $0xffff  }
0x8a: {  	v13 =	vor.u32 v61, v13;
	v0 =	vand.u32 $0x3FC0, v0;
	v37 =	vld.idx.msk [tilespmem:v11+s20+$0x0], $0xffff  }
0x8b: {  	v23 =	vor.u32 v61, v0;
	v44 =	vld.idx.msk [tilespmem:v11+s19+$0x0], $0xffff  }
0x8c: {  	v10 =	vshrl.u32 v10, $0x2;
	v58 =	vld.idx.msk [tilespmem:v11+s14+$0x0], $0xffff  }
0x8d: {  	v10 =	vand.u32 $0x3FC0, v10;
	v40 =	vld.idx.msk [tilespmem:v14+s21+$0x0], $0xffff  }
0x8e: {  	v10 =	vor.u32 v61, v10;
	v33 =	vld.idx.msk [tilespmem:v14+s14+$0x0], $0xffff  }
0x8f: {  	v21 =	vimm.f32 $0.0e+00;
	v8 =	vld.idx.msk [tilespmem:v13+s20+$0x0], $0xffff  }
0x90: {  	v45 =	vld.idx.msk [tilespmem:v23+s21+$0x0], $0xffff;
	v11 =	vadd.f32 v12, v21  }
0x91: {  	v42 =	vld.idx.msk [tilespmem:v23+s20+$0x0], $0xffff  }
0x92: {  	v12 =	vld.idx.msk [tilespmem:v28+s20+$0x0], $0xffff;
	v31 =	vadd.f32 v29, v11;
	v11 =	vadd.f32 v34, v21  }
0x93: {  	v7 =	vld.idx.msk [tilespmem:v10+s19+$0x0], $0xffff;
	v29 =	vadd.f32 v37, v21;
	v56 =	vadd.f32 v44, v21  }
0x94: {  	v30 =	vld.idx.msk [tilespmem:v10+s14+$0x0], $0xffff;
	v58 =	vadd.f32 v58, v21;
	v47 =	vadd.f32 v33, v21  }
0x95: {  	v28 =	vld.idx.msk [tilespmem:v43+s20+$0x0], $0xffff;
	v22 =	vadd.f32 v22, v11;
	v37 =	vadd.f32 v26, v56  }
0x96: {  	v34 =	vld.idx.msk [tilespmem:v63+s14+$0x0], $0xffff;
	v29 =	vadd.f32 v19, v29;
	v19 =	vadd.f32 v55, v21  }
0x97: {  	v4 =	vadd.s32 $0x4, v4;
	v11 =	vld.idx.msk [tilespmem:v43+s19+$0x0], $0xffff;
	v33 =	vadd.f32 v27, v58;
	v12 =	vadd.f32 v12, v21  }
0x98: {  	vm15 =	veq.s32 v4, $0xC8;
	v43 =	vld.idx.msk [tilespmem:v43+s21+$0x0], $0xffff;
	v44 =	vadd.f32 v46, v47;
	v22 =	vadd.f32 v41, v22  }
0x99: {  	v0 =	vmov s30;
	v19 =	vadd.f32 v38, v19;
	v41 =	vld.idx.msk [tilespmem:v25+s14+$0x0], $0xffff;
	v38 =	vadd.f32 v48, v21  }
0x9a: {  	v26 =	vadd.f32 v39, v12;
	v39 =	vld.idx.msk [tilespmem:v18+s14+$0x0], $0xffff;
	v18 =	vimm.f32 $0.0e+00;
	v58 =	vadd.f32 v32, v22  }
0x9b: {  	v12 =	vld.idx.msk [tilespmem:v13+s19+$0x0], $0xffff;
	v22 =	vsel vm15, $0xFFFFFF39, v50;
	v32 =	vadd.f32 v45, v19;
	v19 =	vimm.f32 $0.0e+00  }
0x9c: {  	v27 =	vadd.f32 v42, v26;
	v59 =	vadd.s32 v22, v15;
	v42 =	vld.idx.msk [tilespmem:v25+s20+$0x0], $0xffff;
	v26 =	vadd.f32 v40, v21  }
0x9d: {  	s30 =	simm.s32 $0x31;
	[tilespmem:$0x1FCC0] =	vst v0;
	v40 =	vadd.f32 v35, v21;
	v22 =	vimm.f32 $0.0e+00;
	v35 =	vld.idx.msk [tilespmem:v10+s21+$0x0], $0xffff;
	v15 =	vimm.f32 $0.0e+00  }
.LBB2_3:
0x9e: {  	v46 =	vld.idx.msk [tilespmem:v54+s21+$0x0], $0xffff  }
0x9f: {  	vm0 =	veq.s32 v4, $0xC7;
	v49 =	vld.idx.msk [tilespmem:v57+s14+$0x0], $0xffff  }
0xa0: {  	v56 =	vmovc v4;
	v4 =	vadd.s32 $0x4, v4;
	v47 =	vmovc v59;
	v0 =	vadd.f32 v20, v27;
	v55 =	vld.idx.msk [tilespmem:v57+s19+$0x0], $0xffff;
	v45 =	vsel vm0, $0xFFFFFF39, v50  }
0xa1: {  	vm13 =	veq.s32 v56, $0xC6;
	v45 =	vadd.s32 v59, v45;
	v26 =	vadd.f32 v43, v26;
	v43 =	vld.idx.msk [tilespmem:v54+s14+$0x0], $0xffff  }
0xa2: {  	vm14 =	veq.s32 v56, $0xC5;
	vm15 =	veq.s32 v4, $0xC8;
	v34 =	vadd.f32 v34, v44;
	v44 =	vld.idx.msk [tilespmem:v23+s14+$0x0], $0xffff  }
0xa3: {  	v48 =	vsel vm13, $0xFFFFFF39, v50;
	v17 =	vadd.f32 v17, v21;
	v21 =	vld.idx.msk [tilespmem:v25+s19+$0x0], $0xffff;
	v26 =	vadd.f32 v36, v26  }
0xa4: {  	v20 =	vsel vm14, $0xFFFFFF39, v50;
	v42 =	vadd.f32 v42, v29;
	v23 =	vld.idx.msk [tilespmem:v23+s19+$0x0], $0xffff;
	v36 =	vadd.s32 v48, v45  }
0xa5: {  	[tilespmem:$0x1FC80] =	vst v0;
	v29 =	vsel vm15, $0xFFFFFF39, v50;
	v20 =	vadd.s32 v20, v36;
	v0 =	vadd.f32 v46, v26;
	v46 =	vld.idx.msk [tilespmem:v47+s2+$0x0], $0xffff  }
0xa6: {  	v25 =	vadd.f32 v41, v33;
	v59 =	vadd.s32 v29, v20;
	v29 =	vadd.f32 v43, v34;
	v43 =	vld.idx.msk [tilespmem:v45+s2+$0x0], $0xffff  }
0xa7: {  	v34 =	vadd.f32 v6, v42;
	v6 =	vadd.f32 v24, v40;
	v24 =	vld.idx.msk [tilespmem:v13+s21+$0x0], $0xffff  }
0xa8: {  	[tilespmem:$0x1FC90] =	vst v0;
	v0 =	vld [tilespmem:$0x1FFF0]  }
0xa9: {  	v32 =	vadd.f32 v5, v32;
	v33 =	vadd.f32 v39, v25;
	v36 =	vld.idx.msk [tilespmem:v36+s2+$0x0], $0xffff  }
0xaa: {  	v17 =	vadd.f32 v55, v17;
	v25 =	vadd.f32 v30, v6;
	v6 =	vld.idx.msk [tilespmem:v14+s19+$0x0], $0xffff  }
0xab: {  	v16 =	vadd.f32 v49, v38;
	v42 =	vadd.f32 v21, v37;
	v14 =	vld.idx.msk [tilespmem:v14+s20+$0x0], $0xffff  }
0xac: {  	v17 =	vadd.f32 v23, v17;
	v30 =	vadd.f32 v35, v31;
	v31 =	vld.idx.msk [tilespmem:v9+s19+$0x0], $0xffff  }
0xad: {  	v16 =	vadd.f32 v44, v16;
	v9 =	vld.idx.msk [tilespmem:v9+s20+$0x0], $0xffff;
	v21 =	vshll.u32 v43, $0x6;
	v23 =	vshrl.u32 v43, $0x2  }
0xae: {  	v13 =	vld.idx.msk [tilespmem:v13+s14+$0x0], $0xffff;
	v40 =	vshrl.u32 v43, $0x12;
	v30 =	vadd.f32 v24, v30;
	v21 =	vor.u32 v61, v21  }
0xaf: {  	v20 =	vld.idx.msk [tilespmem:v20+s2+$0x0], $0xffff;
	v23 =	vand.u32 $0x3FC0, v23;
	v21 =	vand.u32 v0, v21;
	v24 =	vshll.u32 v36, $0x6  }
0xb0: {  	v50 =	vshrl.u32 v36, $0x2;
	v47 =	vor.u32 v61, v23;
	v23 =	vshrl.u32 v36, $0x12  }
0xb1: {  	v10 =	vld.idx.msk [tilespmem:v10+s20+$0x0], $0xffff;
	v22 =	vadd.f32 v6, v22;
	v6 =	vshrl.u32 v43, $0xA;
	v18 =	vadd.f32 v31, v18  }
0xb2: {  	v1 =	vld [tilespmem:$0x1FCB0];
	v14 =	vadd.f32 v14, v19;
	v9 =	vadd.f32 v9, v15;
	v15 =	vand.u32 $0x3FC0, v40  }
0xb3: {  	v44 =	vld.idx.msk [tilespmem:v54+s19+$0x0], $0xffff;
	v19 =	vshrl.u32 v46, $0x2;
	v40 =	vadd.f32 v13, v25;
	v13 =	vshll.u32 v46, $0x6  }
0xb4: {  	v45 =	vld.idx.msk [tilespmem:v63+s19+$0x0], $0xffff;
	v55 =	vshll.u32 v20, $0x6;
	v56 =	vshrl.u32 v20, $0x12;
	v57 =	vshrl.u32 v20, $0xA  }
0xb5: {  	v48 =	vand.u32 $0x3FC0, v50;
	v24 =	vor.u32 v61, v24;
	v20 =	vshrl.u32 v20, $0x2;
	v27 =	vld.idx.msk [tilespmem:v21+s20+$0x0], $0xffff  }
0xb6: {  	v6 =	vand.u32 $0x3FC0, v6;
	v23 =	vand.u32 $0x3FC0, v23;
	v37 =	vand.u32 $0x3FC0, v56;
	v41 =	vld.idx.msk [tilespmem:v21+s21+$0x0], $0xffff  }
0xb7: {  	v35 =	vor.u32 v61, v55;
	v55 =	vand.u32 $0x3FC0, v57;
	v54 =	vor.u32 v61, v37;
	v37 =	vld.idx.msk [tilespmem:v21+s19+$0x0], $0xffff  }
0xb8: {  	v57 =	vor.u32 v61, v6;
	v63 =	vor.u32 v61, v23;
	v14 =	vadd.f32 v28, v14;
	v39 =	vld.idx.msk [tilespmem:v21+s14+$0x0], $0xffff  }
0xb9: {  	v18 =	vadd.f32 v51, v18;
	v51 =	vor.u32 v61, v15;
	v15 =	vshrl.u32 v46, $0x12;
	v28 =	vld.idx.msk [tilespmem:v47+s20+$0x0], $0xffff  }
0xba: {  	v11 =	vadd.f32 v11, v22;
	v25 =	vand.u32 v0, v24;
	v35 =	vand.u32 v0, v35;
	v50 =	vld.idx.msk [tilespmem:v47+s21+$0x0], $0xffff  }
0xbb: {  	v31 =	vor.u32 v61, v55;
	v55 =	vor.u32 v61, v13;
	v5 =	vand.u32 $0x3FC0, v15;
	v6 =	vld.idx.msk [tilespmem:v47+s19+$0x0], $0xffff  }
0xbc: {  	v7 =	vadd.f32 v7, v18;
	v21 =	vadd.f32 v3, v17;
	v3 =	vand.u32 $0x3FC0, v19;
	v24 =	vld.idx.msk [tilespmem:v47+s14+$0x0], $0xffff  }
0xbd: {  	v15 =	vadd.f32 v60, v9;
	v11 =	vadd.f32 v45, v11;
	v9 =	vor.u32 v61, v3;
	v2 =	vld.idx.msk [tilespmem:v63+s20+$0x0], $0xffff  }
0xbe: {  	v3 =	vand.u32 $0x3FC0, v20;
	v18 =	vadd.f32 v12, v7;
	v12 =	vadd.f32 v1, v42;
	v42 =	vld.idx.msk [tilespmem:v57+s20+$0x0], $0xffff  }
0xbf: {  	v14 =	vadd.f32 v62, v14;
	v13 =	vor.u32 v61, v3;
	v3 =	vshrl.u32 v36, $0xA;
	v36 =	vld.idx.msk [tilespmem:v63+s21+$0x0], $0xffff  }
0xc0: {  	v22 =	vadd.f32 v44, v11;
	v44 =	vld.idx.msk [tilespmem:v25+s21+$0x0], $0xffff  }
0xc1: {  	v19 =	vadd.f32 v53, v14;
	v53 =	vld.idx.msk [tilespmem:v51+s14+$0x0], $0xffff  }
0xc2: {  	v26 =	vld.idx.msk [tilespmem:v35+s20+$0x0], $0xffff  }
0xc3: {  	v23 =	vshrl.u32 v46, $0xA;
	v49 =	vld.idx.msk [tilespmem:v35+s21+$0x0], $0xffff  }
0xc4: {  	v17 =	vand.u32 $0x3FC0, v23;
	v46 =	vld.idx.msk [tilespmem:v35+s19+$0x0], $0xffff  }
0xc5: {  	v43 =	vor.u32 v61, v17;
	v20 =	vld.idx.msk [tilespmem:v31+s20+$0x0], $0xffff  }
0xc6: {  	v38 =	vadd.f32 v52, v16;
	v16 =	vld.idx.msk [tilespmem:v31+s19+$0x0], $0xffff  }
0xc7: {  	v10 =	vadd.f32 v10, v15;
	v15 =	vand.u32 $0x3FC0, v3;
	v3 =	vld.idx.msk [tilespmem:v54+s20+$0x0], $0xffff  }
0xc8: {  	v14 =	vor.u32 v61, v5;
	v5 =	vld.idx.msk [tilespmem:v31+s21+$0x0], $0xffff  }
0xc9: {  	v52 =	vld.idx.msk [tilespmem:v31+s14+$0x0], $0xffff  }
0xca: {  	v17 =	vld.idx.msk [tilespmem:v43+s19+$0x0], $0xffff  }
0xcb: {  	v45 =	vld.idx.msk [tilespmem:v9+s14+$0x0], $0xffff  }
0xcc: {  	v23 =	vor.u32 v61, v15;
	v15 =	vadd.f32 v8, v10;
	v8 =	vand.u32 v0, v55;
	v7 =	vld.idx.msk [tilespmem:v9+s21+$0x0], $0xffff  }
0xcd: {  	v56 =	vmov v28;
	v28 =	vld.idx.msk [tilespmem:v14+s14+$0x0], $0xffff  }
0xce: {  	v0 =	vld.idx.msk [tilespmem:v43+s20+$0x0], $0xffff  }
0xcf: {  	v62 =	vmov v2;
	v2 =	vld.idx.msk [tilespmem:v57+s21+$0x0], $0xffff  }
0xd0: {  	v1 =	vmov v46;
	v46 =	vld.idx.msk [tilespmem:v14+s21+$0x0], $0xffff  }
0xd1: {  	v55 =	vld.idx.msk [tilespmem:v8+s19+$0x0], $0xffff  }
0xd2: {  	v10 =	vor.u32 v61, v48;
	v47 =	vld.idx.msk [tilespmem:v23+s21+$0x0], $0xffff  }
0xd3: {  	v48 =	vld.idx.msk [tilespmem:v23+s20+$0x0], $0xffff;
	v11 =	vadd.f32 v7, v30  }
0xd4: {  	v60 =	vld.idx.msk [tilespmem:v8+s20+$0x0], $0xffff  }
0xd5: {  	v31 =	vadd.f32 v50, v11;
	v11 =	vld.idx.msk [tilespmem:v8+s21+$0x0], $0xffff  }
0xd6: {  	[tilespmem:$0x1FCB0] =	vst v1;
	v1 =	vld.idx.msk [tilespmem:v8+s14+$0x0], $0xffff;
	v12 =	vadd.f32 v55, v12  }
0xd7: {  	v7 =	vld.idx.msk [tilespmem:v10+s19+$0x0], $0xffff  }
0xd8: {  	v37 =	vadd.f32 v37, v12;
	v12 =	vld [tilespmem:$0x1FC80]  }
0xd9: {  	v30 =	vld.idx.msk [tilespmem:v10+s14+$0x0], $0xffff  }
0xda: {  	v11 =	vadd.f32 v11, v58;
	v58 =	vld.idx.msk [tilespmem:v43+s21+$0x0], $0xffff  }
0xdb: {  	v8 =	vld.idx.msk [tilespmem:v13+s20+$0x0], $0xffff  }
0xdc: {  	v50 =	vadd.f32 v60, v34;
	v1 =	vadd.f32 v1, v33;
	v34 =	vld.idx.msk [tilespmem:v63+s14+$0x0], $0xffff  }
0xdd: {  	v55 =	vld.idx.msk [tilespmem:v43+s14+$0x0], $0xffff;
	v60 =	vadd.f32 v28, v29;
	v0 =	vadd.f32 v0, v12  }
0xde: {  	v28 =	vld.idx.msk [tilespmem:v51+s20+$0x0], $0xffff;
	v29 =	vadd.f32 v27, v50;
	v33 =	vadd.f32 v39, v1  }
0xdf: {  	v39 =	vld.idx.msk [tilespmem:v35+s14+$0x0], $0xffff;
	v27 =	vadd.f32 v58, v32;
	v0 =	vadd.f32 v42, v0  }
0xe0: {  	v35 =	vld.idx.msk [tilespmem:v10+s21+$0x0], $0xffff;
	v41 =	vadd.f32 v41, v11  }
0xe1: {  	p0 =	sne.s32 s30, $0x1;
	v1 =	vadd.f32 v2, v27;
	v27 =	vadd.f32 v48, v0;
	v0 =	vld [tilespmem:$0x1FC90]  }
.Ltmp0:
0xe2: {  	v43 =	vld.idx.msk [tilespmem:v51+s21+$0x0], $0xffff;
	(pc) =	sbr.rel @p0 .LBB2_3-.Ltmp0, $4  }
0xe3: {  	v11 =	vld.idx.msk [tilespmem:v51+s19+$0x0], $0xffff;
	v58 =	vadd.f32 v44, v41  }
0xe4: {  	v40 =	vadd.f32 v45, v40;
	v38 =	vadd.f32 v55, v38;
	v51 =	vmov v6;
	v12 =	vld.idx.msk [tilespmem:v13+s19+$0x0], $0xffff  }
0xe5: {  	v6 =	vmovc v26;
	v41 =	vld.idx.msk [tilespmem:v25+s14+$0x0], $0xffff;
	v44 =	vadd.f32 v53, v60;
	v60 =	vmov v56;
	v58 =	vadd.f32 v49, v58  }
0xe6: {  	s30 =	sadd.s32 $0xFFFFFFFF, s30;
	v50 =	vimm.s32 $0x1;
	v53 =	vmovc v3;
	v3 =	vmovc v16;
	v42 =	vld.idx.msk [tilespmem:v25+s20+$0x0], $0xffff;
	v32 =	vadd.f32 v47, v1;
	v26 =	vadd.f32 v46, v0  }
0xe7: {  	_ =	sdelay $0x3  }
0xe8: {  	v0 =	vld.idx.msk [tilespmem:v54+s14+$0x0], $0xffff  }
0xe9: {  	v1 =	vld.idx.msk [tilespmem:v54+s21+$0x0], $0xffff  }
0xea: {  	v2 =	vld.idx.msk [tilespmem:v57+s14+$0x0], $0xffff  }
0xeb: {  	v25 =	vld.idx.msk [tilespmem:v25+s19+$0x0], $0xffff  }
0xec: {  	v46 =	vld.idx.msk [tilespmem:v13+s21+$0x0], $0xffff  }
0xed: {  	v47 =	vld.idx.msk [tilespmem:v14+s19+$0x0], $0xffff  }
0xee: {  	v49 =	vld.idx.msk [tilespmem:v14+s20+$0x0], $0xffff  }
0xef: {  	v16 =	vld.idx.msk [tilespmem:v9+s20+$0x0], $0xffff  }
0xf0: {  	v56 =	vadd.f32 v35, v31;
	v31 =	vld [tilespmem:$0x1FCB0]  }
0xf1: {  	v34 =	vadd.f32 v34, v44;
	v44 =	vadd.f32 v20, v27;
	v27 =	vld [tilespmem:$0x1FCE0]  }
0xf2: {  	v35 =	vld.idx.msk [tilespmem:v54+s19+$0x0], $0xffff  }
0xf3: {  	v4 =	vadd.f32 v43, v26;
	v26 =	vld.idx.msk [tilespmem:v23+s14+$0x0], $0xffff  }
0xf4: {  	v43 =	vld.idx.msk [tilespmem:v57+s19+$0x0], $0xffff  }
0xf5: {  	v57 =	vld.idx.msk [tilespmem:v13+s14+$0x0], $0xffff  }
0xf6: {  	v36 =	vadd.f32 v36, v4;
	v4 =	vld.idx.msk [tilespmem:v23+s19+$0x0], $0xffff  }
0xf7: {  	v23 =	vld.idx.msk [tilespmem:v63+s19+$0x0], $0xffff  }
0xf8: {  	v45 =	vadd.f32 v41, v33;
	v41 =	vld [tilespmem:$0x1FD10]  }
0xf9: {  	v21 =	vadd.f32 v17, v21;
	v55 =	vadd.f32 v42, v29;
	v29 =	vld [tilespmem:$0x1FD50]  }
0xfa: {  	v59 =	vadd.f32 v0, v34;
	v0 =	vadd.f32 v47, v22;
	v22 =	vld.idx.msk [tilespmem:v10+s20+$0x0], $0xffff  }
0xfb: {  	v48 =	vadd.f32 v24, v40;
	v2 =	vadd.f32 v2, v38;
	v38 =	vld [tilespmem:$0x1FCD0]  }
0xfc: {  	v1 =	vadd.f32 v1, v36;
	v17 =	vadd.f32 v6, v55;
	v55 =	vld.idx.msk [tilespmem:v9+s19+$0x0], $0xffff  }
0xfd: {  	v20 =	vadd.f32 v39, v45;
	v39 =	vld [tilespmem:$0x1FD30]  }
0xfe: {  	v36 =	vld [tilespmem:$0x1FD20];
	[tilespmem:$0x1FC60] =	vst v1;
	v1 =	vadd.f32 v30, v48  }
0xff: {  	v25 =	vadd.f32 v25, v37;
	v37 =	vld [tilespmem:$0x1FE20]  }
0x100: {  	v45 =	vld [tilespmem:$0x1FDF0];
	v10 =	vadd.f32 v57, v1  }
0x101: {  	v1 =	vadd.f32 v31, v25;
	v31 =	vld [tilespmem:$0x1FCF0];
	v18 =	vadd.f32 v55, v18  }
0x102: {  	v15 =	vadd.f32 v16, v15;
	v9 =	vadd.f32 v46, v56;
	v56 =	vld [tilespmem:$0x1FD80]  }
0x103: {  	v2 =	vadd.f32 v26, v2;
	v18 =	vadd.f32 v51, v18;
	v51 =	vld [tilespmem:$0x1FD00]  }
0x104: {  	v40 =	vadd.f32 v5, v32;
	v32 =	vmul.f32 v20, v27;
	v0 =	vadd.f32 v11, v0;
	v30 =	vld [tilespmem:$0x1FDD0]  }
0x105: {  	v33 =	vadd.f32 v60, v15;
	v26 =	vld [tilespmem:$0x1FD60];
	v5 =	vadd.f32 v52, v2  }
0x106: {  	v0 =	vadd.f32 v23, v0;
	v23 =	vld [tilespmem:$0x1FDA0];
	v2 =	vadd.f32 v32, v38;
	v34 =	vmul.f32 v1, v31  }
0x107: {  	v25 =	vld [tilespmem:$0x1FCA0];
	v47 =	vmul.f32 v20, v39;
	v7 =	vadd.f32 v7, v18  }
0x108: {  	v13 =	vadd.f32 v22, v33;
	v33 =	vld [tilespmem:$0x1FD90];
	v2 =	vadd.f32 v34, v2;
	v46 =	vmul.f32 v17, v51  }
0x109: {  	v11 =	vadd.f32 v12, v7;
	v7 =	vadd.f32 v47, v36;
	v47 =	vld [tilespmem:$0x1FD40]  }
0x10a: {  	v2 =	vadd.f32 v46, v2;
	v46 =	vld [tilespmem:$0x1FD70]  }
0x10b: {  	v14 =	vadd.f32 v49, v19;
	v52 =	vld [tilespmem:$0x1FDC0]  }
0x10c: {  	v21 =	vadd.f32 v43, v21;
	v32 =	vld [tilespmem:$0x1FDB0]  }
0x10d: {  	v14 =	vadd.f32 v28, v14;
	v60 =	vmul.f32 v20, v56;
	v55 =	vld [tilespmem:$0x1FE30]  }
0x10e: {  	v21 =	vadd.f32 v4, v21;
	v16 =	vshll.u32 v25, $0x4;
	v25 =	vld [tilespmem:$0x1FE80];
	v49 =	vmul.f32 v1, v47  }
0x10f: {  	v14 =	vadd.f32 v62, v14;
	v18 =	vmul.f32 v1, v33;
	v34 =	vld [tilespmem:$0x1FDE0];
	v63 =	vadd.f32 v60, v46  }
0x110: {  	v48 =	vmul.f32 v58, v41;
	v4 =	vadd.f32 v3, v21;
	v7 =	vadd.f32 v49, v7;
	v49 =	vld [tilespmem:$0x1FE10]  }
0x111: {  	v8 =	vadd.f32 v8, v13;
	v24 =	vmul.f32 v17, v23;
	v60 =	vld [tilespmem:$0x1FE70];
	v13 =	vadd.f32 v18, v63  }
0x112: {  	v42 =	vmul.f32 v20, v37;
	v53 =	vadd.f32 v53, v14;
	v21 =	vmul.f32 v20, v30;
	v63 =	vld [tilespmem:$0x1FE40]  }
0x113: {  	v54 =	vadd.f32 v35, v0;
	v43 =	vmul.f32 v58, v32;
	v13 =	vadd.f32 v24, v13;
	v24 =	vld [tilespmem:$0x1FE60]  }
0x114: {  	v0 =	vmul.u32 $0x10, v61;
	v61 =	vmul.f32 v17, v29;
	v35 =	vld [tilespmem:$0x1FE50];
	v12 =	vadd.f32 v21, v52  }
0x115: {  	v57 =	vmul.f32 v1, v55;
	v14 =	vadd.f32 v42, v49;
	v13 =	vadd.f32 v43, v13;
	v43 =	vld [tilespmem:$0x1FE90]  }
0x116: {  	v28 =	vmul.f32 v1, v34;
	v7 =	vadd.f32 v61, v7;
	v49 =	vld [tilespmem:$0x1FE00];
	v61 =	vmul.f32 v20, v60  }
0x117: {  	v55 =	vld [tilespmem:$0x1FF10];
	v2 =	vadd.f32 v48, v2;
	v14 =	vadd.f32 v57, v14;
	v6 =	vmul.f32 v17, v63  }
0x118: {  	v12 =	vadd.f32 v28, v12;
	v28 =	vmul.f32 v1, v25;
	v25 =	vld [tilespmem:$0x1FF20];
	v15 =	vadd.f32 v61, v24  }
0x119: {  	v48 =	vmul.f32 v17, v45;
	v42 =	vmul.f32 v58, v35;
	v35 =	vld [tilespmem:$0x1FEC0];
	v14 =	vadd.f32 v6, v14  }
0x11a: {  	v62 =	vor.u32 $0x1800, v0;
	v6 =	vld [tilespmem:$0x1FF00];
	v15 =	vadd.f32 v28, v15;
	v45 =	vmul.f32 v17, v43  }
0x11b: {  	[tilespmem:$0x1FC70] =	vst v62;
	v12 =	vadd.f32 v48, v12;
	v62 =	vmul.f32 v58, v49;
	v14 =	vadd.f32 v42, v14;
	v42 =	vld [tilespmem:$0x1FED0]  }
0x11c: {  	v15 =	vadd.f32 v45, v15;
	v45 =	vld [tilespmem:$0x1FEB0]  }
0x11d: {  	v12 =	vadd.f32 v62, v12;
	v62 =	vld [tilespmem:$0x1FEA0]  }
0x11e: {  	v57 =	vmul.f32 v20, v55;
	v55 =	vld [tilespmem:$0x1FEE0]  }
0x11f: {  	v19 =	vor.u32 $0x1000, v0;
	v48 =	vmul.f32 v20, v35  }
0x120: {  	[tilespmem:$0x1FC40] =	vst v19;
	v19 =	vor.u32 $0x1, v16;
	v25 =	vmul.f32 v1, v25;
	v18 =	vadd.f32 v57, v6  }
0x121: {  	v22 =	vmul.f32 v58, v26;
	v61 =	vmul.f32 v1, v42;
	v60 =	vadd.f32 v48, v45  }
0x122: {  	v63 =	vmul.f32 v58, v62;
	v18 =	vadd.f32 v25, v18;
	v25 =	vld [tilespmem:$0x1FF60]  }
0x123: {  	v7 =	vadd.f32 v22, v7;
	v43 =	vmul.f32 v17, v55;
	v48 =	vld [tilespmem:$0x1FF30];
	v28 =	vadd.f32 v61, v60  }
0x124: {  	[tilespmem:v16+s22+$0x0] =	vst.idx.msk $0xffff, v2;
	v15 =	vadd.f32 v63, v15;
	v63 =	vld [tilespmem:$0x1FF40]  }
0x125: {  	[tilespmem:v19+s22+$0x0] =	vst.idx.msk $0xffff, v7;
	v19 =	vadd.f32 v43, v28;
	v43 =	vld [tilespmem:$0x1FF50]  }
0x126: {  	v28 =	vld [tilespmem:$0x1FF70]  }
0x127: {  	v22 =	vor.u32 $0x2, v16  }
0x128: {  	v2 =	vor.u32 $0x3, v16  }
0x129: {  	v62 =	vmul.f32 v20, v25;
	v57 =	vmul.f32 v17, v48  }
0x12a: {  	v6 =	vmul.f32 v58, v63  }
0x12b: {  	v60 =	vld [tilespmem:$0x1FEF0];
	v18 =	vadd.f32 v57, v18;
	v48 =	vadd.f32 v62, v43;
	v57 =	vmul.f32 v1, v28  }
0x12c: {  	[tilespmem:v22+s22+$0x0] =	vst.idx.msk $0xffff, v13  }
0x12d: {  	[tilespmem:v2+s22+$0x0] =	vst.idx.msk $0xffff, v12;
	v12 =	vadd.f32 v6, v18;
	v6 =	vadd.f32 v57, v48;
	v48 =	vld [tilespmem:$0x1FF80];
	_ =	sdelay $0x2  }
0x12e: {  	v61 =	vmul.f32 v58, v60  }
0x12f: {  	v60 =	vld [tilespmem:$0x1FFB0]  }
0x130: {  	v19 =	vadd.f32 v61, v19;
	v24 =	vmovc v43;
	v61 =	vld [tilespmem:$0x1FFA0];
	v57 =	vmul.f32 v10, v27;
	v43 =	vmul.f32 v17, v48  }
0x131: {  	v62 =	vld [tilespmem:$0x1FFC0]  }
0x132: {  	v27 =	vadd.f32 v43, v6;
	v43 =	vadd.f32 v57, v38;
	v57 =	vld [tilespmem:$0x1FF90]  }
0x133: {  	v7 =	vor.u32 $0x4, v16  }
0x134: {  	v18 =	vmul.f32 v20, v60  }
0x135: {  	v13 =	vor.u32 $0x5, v16  }
0x136: {  	v63 =	vld [tilespmem:$0x1FFD0];
	v23 =	vadd.f32 v18, v61;
	v1 =	vmul.f32 v1, v62  }
0x137: {  	v2 =	vor.u32 $0x6, v16;
	v6 =	vmul.f32 v11, v31;
	v20 =	vmul.f32 v58, v57  }
0x138: {  	v3 =	vor.u32 $0x800, v0;
	[tilespmem:v7+s22+$0x0] =	vst.idx.msk $0xffff, v14;
	v0 =	vadd.f32 v1, v23  }
0x139: {  	v14 =	vadd.f32 v6, v43;
	v43 =	vld [tilespmem:$0x1FFE0];
	v1 =	vadd.f32 v20, v27;
	v27 =	vmul.f32 v10, v39  }
0x13a: {  	[tilespmem:v13+s22+$0x0] =	vst.idx.msk $0xffff, v15;
	v13 =	vor.u32 $0x7, v16  }
0x13b: {  	v21 =	vmul.f32 v17, v63;
	v39 =	vmul.f32 v11, v47;
	v7 =	vadd.f32 v27, v36  }
0x13c: {  	v22 =	vmul.f32 v8, v51;
	[tilespmem:v2+s22+$0x0] =	vst.idx.msk $0xffff, v19;
	v23 =	vor.u32 $0x8, v16  }
0x13d: {  	v0 =	vadd.f32 v21, v0;
	v20 =	vadd.f32 v39, v7;
	v7 =	vmul.f32 v10, v30;
	v30 =	vld [tilespmem:$0x1FDA0]  }
0x13e: {  	v14 =	vadd.f32 v22, v14;
	v22 =	vld [tilespmem:$0x1FCC0];
	v31 =	vmul.f32 v58, v43;
	v58 =	vmul.f32 v10, v56  }
0x13f: {  	[tilespmem:v13+s22+$0x0] =	vst.idx.msk $0xffff, v12;
	v21 =	vmul.f32 v8, v29  }
0x140: {  	v29 =	vmovc v46;
	v0 =	vadd.f32 v31, v0;
	v31 =	vadd.f32 v58, v46;
	v46 =	vmul.f32 v11, v33  }
0x141: {  	[tilespmem:v23+s22+$0x0] =	vst.idx.msk $0xffff, v1  }
0x142: {  	v1 =	vadd.f32 v46, v31;
	v56 =	vadd.f32 v21, v20;
	v20 =	vmul.f32 v8, v30  }
0x143: {  	v23 =	vshll.u32 v22, $0x4  }
0x144: {  	[tilespmem:$0x1FC50] =	vst v23;
	v17 =	vor.u32 v3, v23;
	v23 =	vmul.f32 v9, v32;
	v1 =	vadd.f32 v20, v1;
	_ =	sdelay $0x1  }
0x145: {  	v1 =	vadd.f32 v23, v1;
	v23 =	vld [tilespmem:$0x1FE10];
	_ =	sdelay $0x1  }
0x146: {  	v27 =	vld [tilespmem:$0x1FDF0]  }
0x147: {  	v36 =	vmov v34;
	v22 =	vmul.f32 v11, v34;
	v34 =	vmul.f32 v10, v37  }
0x148: {  	v12 =	vor.u32 $0x9, v16  }
0x149: {  	v31 =	vmov v52;
	v21 =	vadd.f32 v7, v52;
	v52 =	vadd.f32 v34, v23;
	v34 =	vld [tilespmem:$0x1FE30]  }
0x14a: {  	v38 =	vmul.f32 v9, v41  }
0x14b: {  	v33 =	vmov v37;
	v46 =	vmul.f32 v8, v27;
	v37 =	vadd.f32 v22, v21;
	v22 =	vld [tilespmem:$0x1FE40]  }
0x14c: {  	v58 =	vmul.f32 v9, v26  }
0x14d: {  	[tilespmem:v12+s22+$0x0] =	vst.idx.msk $0xffff, v0;
	v12 =	vadd.f32 v46, v37;
	v37 =	vld [tilespmem:$0x1FE50]  }
0x14e: {  	v14 =	vadd.f32 v38, v14;
	v38 =	vmovc v26;
	v26 =	vld [tilespmem:$0x1FE70];
	v13 =	vadd.f32 v58, v56;
	v56 =	vmul.f32 v11, v34  }
0x14f: {  	v39 =	vmov v32;
	v32 =	vld [tilespmem:$0x1FE80];
	v58 =	vmul.f32 v9, v49  }
0x150: {  	v0 =	vor.u32 $0x1, v17;
	v20 =	vld [tilespmem:$0x1FE60];
	v7 =	vmul.f32 v8, v22;
	v2 =	vadd.f32 v56, v52  }
0x151: {  	[tilespmem:v17+s22+$0x0] =	vst.idx.msk $0xffff, v14;
	v14 =	vor.u32 $0x2, v17;
	v12 =	vadd.f32 v58, v12  }
0x152: {  	v58 =	vmul.f32 v10, v35;
	v56 =	vmul.f32 v9, v37;
	v2 =	vadd.f32 v7, v2  }
0x153: {  	v6 =	vmul.f32 v10, v26  }
0x154: {  	v52 =	vmovc v35;
	v35 =	vadd.f32 v58, v45;
	v2 =	vadd.f32 v56, v2;
	v56 =	vmul.f32 v11, v42  }
0x155: {  	v46 =	vmul.f32 v11, v32;
	[tilespmem:v0+s22+$0x0] =	vst.idx.msk $0xffff, v13;
	v21 =	vadd.f32 v6, v20  }
0x156: {  	[tilespmem:v14+s22+$0x0] =	vst.idx.msk $0xffff, v1;
	v14 =	vadd.f32 v56, v35;
	v35 =	vmul.f32 v8, v55  }
0x157: {  	v6 =	vadd.f32 v46, v21;
	v21 =	vld [tilespmem:$0x1FE90]  }
0x158: {  	v14 =	vadd.f32 v35, v14;
	v35 =	vld [tilespmem:$0x1FEF0]  }
0x159: {  	v0 =	vor.u32 $0x3, v17;
	v46 =	vmov v42;
	v42 =	vld [tilespmem:$0x1FEA0];
	_ =	sdelay $0x1  }
0x15a: {  	v1 =	vor.u32 $0x4, v17  }
0x15b: {  	v7 =	vmul.f32 v8, v21  }
0x15c: {  	v56 =	vmul.f32 v10, v25;
	v16 =	vmul.f32 v9, v35  }
0x15d: {  	[tilespmem:v0+s22+$0x0] =	vst.idx.msk $0xffff, v12;
	v13 =	vadd.f32 v7, v6;
	v58 =	vmul.f32 v9, v42  }
0x15e: {  	[tilespmem:$0x1FC30] =	vst v3;
	v6 =	vld [tilespmem:$0x1FF10];
	v14 =	vadd.f32 v16, v14;
	v16 =	vadd.f32 v56, v24;
	v56 =	vmul.f32 v11, v28  }
0x15f: {  	v3 =	vld [tilespmem:$0x1FF00];
	[tilespmem:v1+s22+$0x0] =	vst.idx.msk $0xffff, v2  }
0x160: {  	v13 =	vadd.f32 v58, v13;
	v58 =	vld [tilespmem:$0x1FF20];
	v2 =	vadd.f32 v56, v16;
	v56 =	vmul.f32 v8, v48;
	_ =	sdelay $0x1  }
0x161: {  	v57 =	vmul.f32 v9, v57;
	v48 =	vld [tilespmem:$0x1FCE0];
	v2 =	vadd.f32 v56, v2  }
0x162: {  	v7 =	vmul.f32 v10, v6;
	v56 =	vld [tilespmem:$0x1FCD0]  }
0x163: {  	v10 =	vmul.f32 v10, v60;
	v2 =	vadd.f32 v57, v2;
	v57 =	vld [tilespmem:$0x1FCF0]  }
0x164: {  	v15 =	vadd.f32 v7, v3;
	v7 =	vmul.f32 v11, v58  }
0x165: {  	v10 =	vadd.f32 v10, v61  }
0x166: {  	v11 =	vmul.f32 v11, v62;
	v12 =	vadd.f32 v7, v15;
	v7 =	vld [tilespmem:$0x1FF30];
	v16 =	vmul.f32 v5, v48  }
0x167: {  	v0 =	vor.u32 $0x5, v17  }
0x168: {  	v28 =	vld [tilespmem:$0x1FF40];
	v10 =	vadd.f32 v11, v10;
	v11 =	vadd.f32 v16, v56;
	v19 =	vmul.f32 v4, v57  }
0x169: {  	v16 =	vld [tilespmem:$0x1FD30]  }
0x16a: {  	v11 =	vadd.f32 v19, v11;
	v19 =	vmul.f32 v44, v51  }
0x16b: {  	v1 =	vor.u32 $0x6, v17;
	v15 =	vmul.f32 v8, v7;
	v51 =	vld [tilespmem:$0x1FD20]  }
0x16c: {  	v8 =	vmul.f32 v8, v63;
	v11 =	vadd.f32 v19, v11;
	v19 =	vmul.f32 v40, v41;
	v41 =	vld [tilespmem:$0x1FD80]  }
0x16d: {  	[tilespmem:v0+s22+$0x0] =	vst.idx.msk $0xffff, v13;
	v0 =	vor.u32 $0x7, v17;
	v12 =	vadd.f32 v15, v12;
	v15 =	vmul.f32 v9, v28  }
0x16e: {  	v8 =	vadd.f32 v8, v10;
	v9 =	vmul.f32 v9, v43;
	v10 =	vmul.f32 v5, v16;
	_ =	sdelay $0x1  }
0x16f: {  	v47 =	vmul.f32 v4, v47;
	v8 =	vadd.f32 v9, v8;
	v9 =	vadd.f32 v10, v51  }
0x170: {  	v18 =	vld [tilespmem:$0x1FC40];
	v12 =	vadd.f32 v15, v12;
	v16 =	vmul.f32 v5, v41  }
0x171: {  	[tilespmem:v1+s22+$0x0] =	vst.idx.msk $0xffff, v14;
	v9 =	vadd.f32 v47, v9;
	v47 =	vld [tilespmem:$0x1FD50]  }
0x172: {  	[tilespmem:v0+s22+$0x0] =	vst.idx.msk $0xffff, v12;
	v12 =	vadd.f32 v16, v29;
	v29 =	vld [tilespmem:$0x1FD90]  }
0x173: {  	v11 =	vadd.f32 v19, v11;
	v19 =	vld [tilespmem:$0x1FDD0]  }
0x174: {  	v10 =	vmul.f32 v40, v38;
	v38 =	vld [tilespmem:$0x1FC50];
	_ =	sdelay $0x1  }
0x175: {  	v1 =	vor.u32 $0x8, v17;
	v0 =	vor.u32 $0x9, v17;
	v17 =	vmul.f32 v44, v47  }
0x176: {  	v13 =	vmul.f32 v4, v29  }
0x177: {  	v14 =	vmul.f32 v5, v19;
	v9 =	vadd.f32 v17, v9  }
0x178: {  	v15 =	vor.u32 v18, v38;
	v18 =	vmul.f32 v44, v30;
	v12 =	vadd.f32 v13, v12  }
0x179: {  	v9 =	vadd.f32 v10, v9;
	v10 =	vadd.f32 v14, v31;
	v14 =	vmul.f32 v4, v36  }
0x17a: {  	v13 =	vmul.f32 v40, v39;
	v31 =	vmul.f32 v5, v33;
	v12 =	vadd.f32 v18, v12  }
0x17b: {  	v17 =	vadd.f32 v14, v10;
	v18 =	vmul.f32 v44, v27  }
0x17c: {  	v14 =	vmul.f32 v4, v34;
	v12 =	vadd.f32 v13, v12;
	v13 =	vadd.f32 v31, v23  }
0x17d: {  	[tilespmem:v1+s22+$0x0] =	vst.idx.msk $0xffff, v2  }
0x17e: {  	v2 =	vadd.f32 v18, v17;
	v18 =	vmul.f32 v44, v22;
	v17 =	vadd.f32 v14, v13  }
0x17f: {  	[tilespmem:v0+s22+$0x0] =	vst.idx.msk $0xffff, v8;
	v1 =	vor.u32 $0x1, v15;
	v23 =	vmul.f32 v5, v26  }
0x180: {  	v16 =	vmul.f32 v5, v52;
	v13 =	vmul.f32 v40, v37;
	v8 =	vadd.f32 v18, v17  }
0x181: {  	v31 =	vmov v34;
	v34 =	vmov v22;
	v22 =	vadd.f32 v23, v20  }
0x182: {  	v20 =	vmul.f32 v4, v46;
	v8 =	vadd.f32 v13, v8;
	v13 =	vadd.f32 v16, v45  }
0x183: {  	[tilespmem:v15+s22+$0x0] =	vst.idx.msk $0xffff, v11  }
0x184: {  	[tilespmem:v1+s22+$0x0] =	vst.idx.msk $0xffff, v9;
	v9 =	vadd.f32 v20, v13;
	v13 =	vmul.f32 v44, v55  }
0x185: {  	v10 =	vmul.f32 v40, v49;
	v23 =	vmul.f32 v4, v32  }
0x186: {  	v17 =	vmul.f32 v5, v25;
	v9 =	vadd.f32 v13, v9;
	v13 =	vmul.f32 v40, v35  }
0x187: {  	v0 =	vor.u32 $0x2, v15;
	v2 =	vadd.f32 v10, v2;
	v10 =	vadd.f32 v23, v22  }
0x188: {  	v14 =	vmul.f32 v44, v21;
	v9 =	vadd.f32 v13, v9;
	v13 =	vadd.f32 v17, v24;
	v17 =	vld [tilespmem:$0x1FF70]  }
0x189: {  	v11 =	vor.u32 $0x3, v15  }
0x18a: {  	v22 =	vmul.f32 v5, v6;
	v23 =	vmovc v21;
	v10 =	vadd.f32 v14, v10;
	v21 =	vmul.f32 v40, v42;
	v16 =	vld [tilespmem:$0x1FF80];
	_ =	sdelay $0x1  }
0x18b: {  	v6 =	vadd.f32 v22, v3;
	v10 =	vadd.f32 v21, v10;
	v21 =	vmul.f32 v4, v58  }
0x18c: {  	v1 =	vor.u32 $0x4, v15;
	[tilespmem:v0+s22+$0x0] =	vst.idx.msk $0xffff, v12;
	v5 =	vmul.f32 v5, v60;
	v20 =	vmul.f32 v4, v17  }
0x18d: {  	[tilespmem:v11+s22+$0x0] =	vst.idx.msk $0xffff, v2;
	v18 =	vmul.f32 v59, v48;
	v22 =	vmov v3;
	v3 =	vadd.f32 v21, v6  }
0x18e: {  	v6 =	vmul.f32 v44, v7;
	v11 =	vadd.f32 v20, v13;
	v20 =	vmul.f32 v44, v16  }
0x18f: {  	v48 =	vmul.f32 v44, v63;
	v5 =	vadd.f32 v5, v61;
	v21 =	vmovc v7;
	v7 =	vmul.f32 v4, v62;
	v44 =	vld [tilespmem:$0x1FD30]  }
0x190: {  	v14 =	vmul.f32 v40, v28;
	v12 =	vadd.f32 v6, v3;
	v11 =	vadd.f32 v20, v11;
	v20 =	vld [tilespmem:$0x1FF90]  }
0x191: {  	[tilespmem:v1+s22+$0x0] =	vst.idx.msk $0xffff, v8;
	v1 =	vadd.f32 v7, v5  }
0x192: {  	v12 =	vadd.f32 v14, v12;
	v14 =	vadd.f32 v18, v56;
	v18 =	vmul.f32 v54, v57  }
0x193: {  	v0 =	vor.u32 $0x5, v15;
	v1 =	vadd.f32 v48, v1;
	v48 =	vld [tilespmem:$0x1FD00]  }
0x194: {  	v8 =	vadd.f32 v18, v14;
	v14 =	vld [tilespmem:$0x1FC60];
	v6 =	vmul.f32 v59, v44;
	v44 =	vmul.f32 v53, v47  }
0x195: {  	v2 =	vor.u32 $0x6, v15;
	v47 =	vld [tilespmem:$0x1FD70];
	v13 =	vmul.f32 v40, v20;
	v40 =	vmul.f32 v40, v43  }
0x196: {  	v57 =	vadd.f32 v6, v51;
	v51 =	vmul.f32 v54, v29;
	v29 =	vmul.f32 v59, v33;
	v33 =	vld [tilespmem:$0x1FE10]  }
0x197: {  	v5 =	vadd.f32 v13, v11;
	v11 =	vld [tilespmem:$0x1FD40]  }
0x198: {  	v56 =	vmul.f32 v53, v48;
	v1 =	vadd.f32 v40, v1;
	v13 =	vld [tilespmem:$0x1FD10];
	v40 =	vmul.f32 v59, v41  }
0x199: {  	[tilespmem:v0+s22+$0x0] =	vst.idx.msk $0xffff, v10;
	v3 =	vor.u32 $0x7, v15  }
0x19a: {  	v0 =	vor.u32 $0x8, v15;
	[tilespmem:v2+s22+$0x0] =	vst.idx.msk $0xffff, v9;
	v8 =	vadd.f32 v56, v8;
	v41 =	vld [tilespmem:$0x1FC70];
	v48 =	vadd.f32 v40, v47  }
0x19b: {  	v47 =	vmul.f32 v54, v32;
	v10 =	vadd.f32 v29, v33;
	v33 =	vmul.f32 v54, v58  }
0x19c: {  	v56 =	vld [tilespmem:$0x1FD60];
	v9 =	vadd.f32 v51, v48;
	v48 =	vmul.f32 v14, v37;
	v37 =	vmul.f32 v14, v35  }
0x19d: {  	v6 =	vmul.f32 v54, v11;
	v18 =	vmul.f32 v14, v13  }
0x19e: {  	v2 =	vor.u32 $0x9, v15;
	[tilespmem:v3+s22+$0x0] =	vst.idx.msk $0xffff, v12;
	v13 =	vmul.f32 v53, v30;
	v30 =	vmul.f32 v53, v27  }
0x19f: {  	v7 =	vor.u32 v41, v38;
	v38 =	vmul.f32 v14, v49;
	v41 =	vmul.f32 v53, v34  }
0x1a0: {  	[tilespmem:v0+s22+$0x0] =	vst.idx.msk $0xffff, v5;
	v49 =	vmul.f32 v59, v52;
	v27 =	vmovc v14;
	v3 =	vor.u32 $0x1, v7;
	v0 =	vor.u32 $0x2, v7  }
0x1a1: {  	v15 =	vld [tilespmem:$0x1FDC0];
	v58 =	vmul.f32 v27, v20;
	v4 =	vadd.f32 v6, v57;
	v6 =	vmul.f32 v14, v56  }
0x1a2: {  	v29 =	vld [tilespmem:$0x1FF10];
	v8 =	vadd.f32 v18, v8;
	v57 =	vmul.f32 v59, v19;
	v18 =	vmul.f32 v54, v36  }
0x1a3: {  	[tilespmem:v2+s22+$0x0] =	vst.idx.msk $0xffff, v1;
	v51 =	vor.u32 $0x3, v7;
	v19 =	vmul.f32 v14, v39;
	v36 =	vmul.f32 v54, v31  }
0x1a4: {  	v9 =	vadd.f32 v13, v9;
	v39 =	vmul.f32 v59, v26;
	v56 =	vmul.f32 v53, v23  }
0x1a5: {  	v23 =	vmul.f32 v54, v46;
	v26 =	vmul.f32 v14, v42;
	v4 =	vadd.f32 v44, v4  }
0x1a6: {  	v31 =	vmul.f32 v53, v55;
	v9 =	vadd.f32 v19, v9;
	v40 =	vadd.f32 v36, v10;
	v44 =	vld [tilespmem:$0x1FE60]  }
0x1a7: {  	v13 =	vmul.f32 v59, v29;
	v4 =	vadd.f32 v6, v4;
	v6 =	vadd.f32 v57, v15  }
0x1a8: {  	v42 =	vmul.f32 v59, v60;
	v5 =	vadd.f32 v41, v40;
	v57 =	vadd.f32 v49, v45  }
0x1a9: {  	v46 =	vmul.f32 v54, v17;
	v32 =	vadd.f32 v13, v22;
	v6 =	vadd.f32 v18, v6  }
0x1aa: {  	v34 =	vor.u32 $0x5, v7;
	[tilespmem:v7+s22+$0x0] =	vst.idx.msk $0xffff, v8;
	v5 =	vadd.f32 v48, v5;
	v10 =	vadd.f32 v23, v57  }
0x1ab: {  	v55 =	vor.u32 $0x8, v7;
	[tilespmem:v3+s22+$0x0] =	vst.idx.msk $0xffff, v4;
	v48 =	vmul.f32 v54, v62;
	v11 =	vadd.f32 v39, v44  }
0x1ac: {  	v41 =	vor.u32 $0x6, v7;
	v39 =	vmul.f32 v59, v25;
	[tilespmem:v0+s22+$0x0] =	vst.idx.msk $0xffff, v9;
	v9 =	vadd.f32 v42, v61  }
0x1ad: {  	v61 =	vmul.f32 v27, v43;
	v6 =	vadd.f32 v30, v6;
	v36 =	vadd.f32 v31, v10  }
0x1ae: {  	v30 =	vor.u32 $0x4, v7;
	v52 =	vadd.f32 v47, v11;
	v11 =	vadd.f32 v33, v32  }
0x1af: {  	v45 =	vadd.f32 v39, v24;
	v47 =	vmul.f32 v14, v28;
	v6 =	vadd.f32 v38, v6  }
0x1b0: {  	v54 =	vadd.f32 v48, v9;
	v38 =	vmul.f32 v53, v21;
	v2 =	vadd.f32 v56, v52  }
0x1b1: {  	v49 =	vor.u32 $0x7, v7;
	v52 =	vmul.f32 v53, v16;
	[tilespmem:v51+s22+$0x0] =	vst.idx.msk $0xffff, v6;
	v51 =	vadd.f32 v46, v45  }
0x1b2: {  	s29 =	sadd.s32 $0x1, s29;
	v56 =	vmul.f32 v53, v63;
	v44 =	vadd.f32 v38, v11;
	v2 =	vadd.f32 v26, v2  }
0x1b3: {  	p0 =	sne.s32 s29, $0x4;
	v59 =	vor.u32 $0x9, v7;
	v40 =	vadd.f32 v37, v36;
	[tilespmem:v30+s22+$0x0] =	vst.idx.msk $0xffff, v5;
	v57 =	vadd.f32 v52, v51  }
.Ltmp1:
0x1b4: {  	v5 =	vadd.f32 v56, v54;
	v60 =	vadd.f32 v47, v44;
	[tilespmem:v34+s22+$0x0] =	vst.idx.msk $0xffff, v2;
	(pc) =	sbr.rel @p0 .LBB2_2-.Ltmp1, $4  }
0x1b5: {  	[tilespmem:v41+s22+$0x0] =	vst.idx.msk $0xffff, v40;
	v62 =	vadd.f32 v58, v57  }
0x1b6: {  	v63 =	vadd.f32 v61, v5;
	[tilespmem:v49+s22+$0x0] =	vst.idx.msk $0xffff, v60  }
0x1b7: {  	[tilespmem:v55+s22+$0x0] =	vst.idx.msk $0xffff, v62  }
0x1b8: {  	v56 =	vlaneseq.u32;
	[tilespmem:v59+s22+$0x0] =	vst.idx.msk $0xffff, v63;
	v59 =	vld [tilespmem:$0x1FFF0]  }
0x1b9: {  	_ =	swait.ge [sflag:s23], $0x4000  }
0x1ba: {  	[sflag:s23] =	ssyncset.done $0x0  }
0x1bb: {  	s29 =	simm.s32 $0x4;
	[sflag:s23] =	ssyncadd.s32 $0xFFFFC000  }
.LBB2_6:
0x1bc: {  	s30 =	sshll.u32 s29, $0x4;
	v0 =	vlaneseq.u32  }
0x1bd: {  	v1 =	vor.u32 s30, v0  }
0x1be: {  	vm0 =	veq.s32 v0, $0xC7;
	[tilespmem:$0x1FC00] =	vst v1;
	v1 =	vshll.u32 v1, $0x8  }
0x1bf: {  	v2 =	vsel vm0, $0xFFFFFF39, v50;
	v1 =	vor.u32 v0, v1  }
0x1c0: {  	v2 =	vadd.s32 v1, v2;
	_ =	sdelay $0x2  }
0x1c1: {  	vm13 =	veq.s32 v0, $0xC6  }
0x1c2: {  	v3 =	vsel vm13, $0xFFFFFF39, v50  }
0x1c3: {  	v3 =	vadd.s32 v3, v2;
	v2 =	vld.idx.msk [tilespmem:v2+s2+$0x0], $0xffff  }
0x1c4: {  	vm14 =	veq.s32 v0, $0xC5  }
0x1c5: {  	v4 =	vsel vm14, $0xFFFFFF39, v50  }
0x1c6: {  	v15 =	vadd.s32 v4, v3;
	_ =	sdelay $0x1  }
0x1c7: {  	v4 =	vshll.u32 v2, $0x6  }
0x1c8: {  	v4 =	vor.u32 v56, v4  }
0x1c9: {  	v4 =	vand.u32 v59, v4  }
0x1ca: {  	v5 =	vld.idx.msk [tilespmem:v15+s2+$0x0], $0xffff  }
0x1cb: {  	v6 =	vshrl.u32 v2, $0x2  }
0x1cc: {  	v1 =	vld.idx.msk [tilespmem:v1+s2+$0x0], $0xffff;
	v6 =	vand.u32 $0x3FC0, v6  }
0x1cd: {  	v7 =	vld.idx.msk [tilespmem:v3+s2+$0x0], $0xffff;
	v8 =	vor.u32 v56, v6  }
0x1ce: {  	v13 =	vld.idx.msk [tilespmem:v4+s20+$0x0], $0xffff  }
0x1cf: {  	v3 =	vshll.u32 v5, $0x6;
	v11 =	vld.idx.msk [tilespmem:v4+s21+$0x0], $0xffff  }
0x1d0: {  	v3 =	vor.u32 v56, v3;
	v19 =	vld.idx.msk [tilespmem:v4+s19+$0x0], $0xffff  }
0x1d1: {  	v17 =	vand.u32 v59, v3;
	v22 =	vld.idx.msk [tilespmem:v4+s14+$0x0], $0xffff  }
0x1d2: {  	v3 =	vshrl.u32 v7, $0x12;
	v54 =	vld.idx.msk [tilespmem:v8+s20+$0x0], $0xffff  }
0x1d3: {  	v3 =	vand.u32 $0x3FC0, v3;
	v28 =	vld.idx.msk [tilespmem:v8+s21+$0x0], $0xffff  }
0x1d4: {  	v12 =	vshll.u32 v7, $0x6;
	v57 =	vor.u32 v56, v3;
	v48 =	vld.idx.msk [tilespmem:v8+s19+$0x0], $0xffff  }
0x1d5: {  	v4 =	vshrl.u32 v5, $0xA;
	v24 =	vld.idx.msk [tilespmem:v8+s14+$0x0], $0xffff;
	v8 =	vor.u32 v56, v12  }
0x1d6: {  	v3 =	vand.u32 $0x3FC0, v4;
	v25 =	vand.u32 v59, v8;
	v49 =	vld.idx.msk [tilespmem:v17+s20+$0x0], $0xffff  }
0x1d7: {  	v10 =	vor.u32 v56, v3;
	v26 =	vld.idx.msk [tilespmem:v17+s21+$0x0], $0xffff  }
0x1d8: {  	v4 =	vshrl.u32 v1, $0xA;
	v55 =	vld.idx.msk [tilespmem:v17+s19+$0x0], $0xffff  }
0x1d9: {  	v3 =	vand.u32 $0x3FC0, v4;
	v4 =	vshrl.u32 v5, $0x12;
	v53 =	vld.idx.msk [tilespmem:v57+s20+$0x0], $0xffff  }
0x1da: {  	v27 =	vor.u32 v56, v3;
	v3 =	vand.u32 $0x3FC0, v4;
	v4 =	vshrl.u32 v1, $0x2;
	v36 =	vld.idx.msk [tilespmem:v57+s21+$0x0], $0xffff  }
0x1db: {  	v60 =	vor.u32 v56, v3;
	v3 =	vand.u32 $0x3FC0, v4;
	v4 =	vshrl.u32 v2, $0xA;
	v32 =	vld.idx.msk [tilespmem:v25+s21+$0x0], $0xffff  }
0x1dc: {  	v9 =	vor.u32 v56, v3;
	v3 =	vand.u32 $0x3FC0, v4;
	v20 =	vld.idx.msk [tilespmem:v10+s20+$0x0], $0xffff  }
0x1dd: {  	v5 =	vshrl.u32 v5, $0x2;
	v58 =	vor.u32 v56, v3;
	v3 =	vld.idx.msk [tilespmem:v10+s19+$0x0], $0xffff  }
0x1de: {  	v5 =	vand.u32 $0x3FC0, v5;
	v16 =	vld.idx.msk [tilespmem:v10+s21+$0x0], $0xffff  }
0x1df: {  	v12 =	vor.u32 v56, v5;
	v4 =	vshrl.u32 v1, $0x12;
	v18 =	vld.idx.msk [tilespmem:v27+s19+$0x0], $0xffff  }
0x1e0: {  	v4 =	vand.u32 $0x3FC0, v4;
	v42 =	vld.idx.msk [tilespmem:v27+s20+$0x0], $0xffff  }
0x1e1: {  	v14 =	vor.u32 v56, v4;
	v4 =	vshrl.u32 v7, $0xA;
	v43 =	vld.idx.msk [tilespmem:v27+s21+$0x0], $0xffff  }
0x1e2: {  	v2 =	vshrl.u32 v2, $0x12;
	v4 =	vand.u32 $0x3FC0, v4;
	v51 =	vld.idx.msk [tilespmem:v60+s20+$0x0], $0xffff  }
0x1e3: {  	v2 =	vand.u32 $0x3FC0, v2;
	v23 =	vor.u32 v56, v4;
	v4 =	vld.idx.msk [tilespmem:v10+s14+$0x0], $0xffff  }
0x1e4: {  	v2 =	vor.u32 v56, v2;
	v6 =	vld.idx.msk [tilespmem:v12+s20+$0x0], $0xffff  }
0x1e5: {  	v1 =	vshll.u32 v1, $0x6;
	v35 =	vld.idx.msk [tilespmem:v9+s14+$0x0], $0xffff  }
0x1e6: {  	v1 =	vor.u32 v56, v1;
	v8 =	vld.idx.msk [tilespmem:v9+s21+$0x0], $0xffff  }
0x1e7: {  	v1 =	vand.u32 v59, v1;
	v33 =	vld.idx.msk [tilespmem:v58+s21+$0x0], $0xffff  }
0x1e8: {  	v34 =	vld.idx.msk [tilespmem:v58+s20+$0x0], $0xffff  }
0x1e9: {  	v44 =	vld.idx.msk [tilespmem:v2+s14+$0x0], $0xffff  }
0x1ea: {  	v38 =	vld.idx.msk [tilespmem:v14+s21+$0x0], $0xffff  }
0x1eb: {  	v30 =	vld.idx.msk [tilespmem:v14+s14+$0x0], $0xffff  }
0x1ec: {  	v7 =	vshrl.u32 v7, $0x2;
	v5 =	vld.idx.msk [tilespmem:v1+s21+$0x0], $0xffff  }
0x1ed: {  	v7 =	vand.u32 $0x3FC0, v7;
	v37 =	vld.idx.msk [tilespmem:v1+s20+$0x0], $0xffff  }
0x1ee: {  	v10 =	vor.u32 v56, v7;
	v41 =	vld.idx.msk [tilespmem:v1+s19+$0x0], $0xffff  }
0x1ef: {  	v21 =	vimm.f32 $0.0e+00;
	v1 =	vld.idx.msk [tilespmem:v1+s14+$0x0], $0xffff  }
0x1f0: {  	v63 =	vadd.f32 v43, v21;
	v43 =	vld.idx.msk [tilespmem:v2+s21+$0x0], $0xffff;
	v29 =	vadd.f32 v8, v21  }
0x1f1: {  	v39 =	vld.idx.msk [tilespmem:v23+s21+$0x0], $0xffff  }
0x1f2: {  	v40 =	vld.idx.msk [tilespmem:v23+s20+$0x0], $0xffff;
	v29 =	vadd.f32 v28, v29  }
0x1f3: {  	v7 =	vld.idx.msk [tilespmem:v10+s19+$0x0], $0xffff;
	v5 =	vadd.f32 v5, v21;
	v28 =	vadd.f32 v37, v21  }
0x1f4: {  	v31 =	vld.idx.msk [tilespmem:v10+s14+$0x0], $0xffff;
	v62 =	vadd.f32 v41, v21;
	v1 =	vadd.f32 v1, v21  }
0x1f5: {  	v41 =	vld.idx.msk [tilespmem:v57+s14+$0x0], $0xffff;
	v45 =	vadd.f32 v30, v21;
	v5 =	vadd.f32 v11, v5  }
0x1f6: {  	v37 =	vadd.f32 v19, v62;
	v19 =	vld.idx.msk [tilespmem:v27+s14+$0x0], $0xffff;
	v27 =	vadd.f32 v42, v21  }
0x1f7: {  	v11 =	vld.idx.msk [tilespmem:v2+s19+$0x0], $0xffff;
	v30 =	vadd.f32 v13, v28;
	v13 =	vmov s30;
	v44 =	vadd.f32 v44, v45  }
0x1f8: {  	v28 =	vld.idx.msk [tilespmem:v2+s20+$0x0], $0xffff;
	v46 =	vadd.f32 v32, v5;
	v5 =	vadd.s32 $0x4, v0;
	v32 =	vadd.f32 v22, v1  }
0x1f9: {  	v42 =	vld.idx.msk [tilespmem:v25+s20+$0x0], $0xffff;
	v0 =	vadd.f32 v34, v27;
	v1 =	vadd.f32 v33, v63;
	v22 =	vimm.f32 $0.0e+00  }
0x1fa: {  	v33 =	vld.idx.msk [tilespmem:v17+s14+$0x0], $0xffff;
	v17 =	vimm.f32 $0.0e+00;
	vm15 =	veq.s32 v5, $0xC8;
	v62 =	vadd.f32 v26, v46  }
0x1fb: {  	[tilespmem:$0x1FC20] =	vst v13;
	v13 =	vld.idx.msk [tilespmem:v12+s19+$0x0], $0xffff;
	v2 =	vsel vm15, $0xFFFFFF39, v50;
	v27 =	vadd.f32 v40, v0;
	v26 =	vadd.f32 v38, v21  }
0x1fc: {  	v34 =	vld.idx.msk [tilespmem:v25+s14+$0x0], $0xffff;
	v38 =	vadd.f32 v39, v1;
	v40 =	vadd.f32 v35, v21;
	v61 =	vadd.s32 v2, v15  }
0x1fd: {  	[tilespmem:$0x1FC10] =	vst v6;
	s30 =	simm.s32 $0x31;
	v35 =	vld.idx.msk [tilespmem:v10+s21+$0x0], $0xffff;
	v39 =	vadd.f32 v19, v21;
	v19 =	vimm.f32 $0.0e+00;
	v15 =	vimm.f32 $0.0e+00  }
.LBB2_7:
0x1fe: {  	v2 =	vld.idx.msk [tilespmem:v60+s14+$0x0], $0xffff  }
0x1ff: {  	v46 =	vld.idx.msk [tilespmem:v58+s14+$0x0], $0xffff  }
0x200: {  	vm0 =	veq.s32 v5, $0xC7;
	v52 =	vld.idx.msk [tilespmem:v23+s14+$0x0], $0xffff  }
0x201: {  	v47 =	vld.idx.msk [tilespmem:v58+s19+$0x0], $0xffff;
	v63 =	vsel vm0, $0xFFFFFF39, v50;
	v27 =	vadd.f32 v20, v27  }
0x202: {  	v0 =	vadd.f32 v43, v26;
	v1 =	vadd.f32 v41, v44;
	v26 =	vmovc v5;
	v41 =	vadd.s32 v61, v63  }
0x203: {  	v23 =	vld.idx.msk [tilespmem:v23+s19+$0x0], $0xffff;
	v5 =	vadd.s32 $0x4, v5;
	v18 =	vadd.f32 v18, v21;
	vm13 =	veq.s32 v26, $0xC6  }
0x204: {  	v6 =	vld.idx.msk [tilespmem:v12+s21+$0x0], $0xffff;
	vm14 =	veq.s32 v26, $0xC5;
	vm15 =	veq.s32 v5, $0xC8;
	v45 =	vsel vm13, $0xFFFFFF39, v50  }
0x205: {  	v43 =	vld.idx.msk [tilespmem:v60+s21+$0x0], $0xffff;
	v0 =	vadd.f32 v36, v0;
	v20 =	vsel vm14, $0xFFFFFF39, v50;
	v36 =	vadd.s32 v45, v41  }
0x206: {  	v21 =	vld.idx.msk [tilespmem:v25+s19+$0x0], $0xffff;
	v26 =	vadd.f32 v42, v30;
	v30 =	vsel vm15, $0xFFFFFF39, v50;
	v20 =	vadd.s32 v20, v36  }
0x207: {  	v44 =	vmov v61;
	v61 =	vadd.s32 v30, v20;
	v30 =	vadd.f32 v2, v1;
	v1 =	vld.idx.msk [tilespmem:v41+s2+$0x0], $0xffff  }
0x208: {  	v12 =	vld.idx.msk [tilespmem:v12+s14+$0x0], $0xffff;
	v25 =	vadd.f32 v34, v32  }
0x209: {  	v10 =	vld.idx.msk [tilespmem:v10+s20+$0x0], $0xffff;
	v32 =	vadd.f32 v16, v38;
	v16 =	vadd.f32 v46, v39  }
0x20a: {  	v42 =	vld.idx.msk [tilespmem:v60+s19+$0x0], $0xffff;
	v33 =	vadd.f32 v33, v25;
	v2 =	vadd.f32 v24, v40  }
0x20b: {  	v18 =	vadd.f32 v47, v18;
	v0 =	vadd.f32 v43, v0;
	v20 =	vld.idx.msk [tilespmem:v20+s2+$0x0], $0xffff  }
0x20c: {  	v24 =	vld.idx.msk [tilespmem:v14+s19+$0x0], $0xffff;
	v2 =	vadd.f32 v31, v2;
	v31 =	vadd.f32 v21, v37;
	v21 =	vshll.u32 v1, $0x6  }
0x20d: {  	v25 =	vadd.f32 v35, v29;
	v34 =	vadd.f32 v49, v26;
	v14 =	vld.idx.msk [tilespmem:v14+s20+$0x0], $0xffff;
	v21 =	vor.u32 v56, v21  }
0x20e: {  	v16 =	vadd.f32 v52, v16;
	[tilespmem:$0x1FBF0] =	vst v0;
	v0 =	vld.idx.msk [tilespmem:v36+s2+$0x0], $0xffff;
	v21 =	vand.u32 v59, v21  }
0x20f: {  	v18 =	vadd.f32 v23, v18;
	v29 =	vadd.f32 v6, v25;
	v36 =	vld.idx.msk [tilespmem:v9+s19+$0x0], $0xffff  }
0x210: {  	v9 =	vld.idx.msk [tilespmem:v9+s20+$0x0], $0xffff;
	v23 =	vshrl.u32 v1, $0x2;
	v25 =	vshll.u32 v20, $0x6;
	v52 =	vshrl.u32 v20, $0x12  }
0x211: {  	v23 =	vand.u32 $0x3FC0, v23;
	v25 =	vor.u32 v56, v25;
	v49 =	vand.u32 $0x3FC0, v52;
	v52 =	vld.idx.msk [tilespmem:v44+s2+$0x0], $0xffff  }
0x212: {  	v44 =	vor.u32 v56, v23;
	v35 =	vand.u32 v59, v25;
	v25 =	vld.idx.msk [tilespmem:v57+s19+$0x0], $0xffff  }
0x213: {  	v38 =	vld.idx.msk [tilespmem:v21+s20+$0x0], $0xffff  }
0x214: {  	v40 =	vshrl.u32 v1, $0x12;
	v1 =	vshrl.u32 v1, $0xA;
	v41 =	vld.idx.msk [tilespmem:v21+s21+$0x0], $0xffff  }
0x215: {  	v22 =	vadd.f32 v24, v22;
	v14 =	vadd.f32 v14, v19;
	v1 =	vand.u32 $0x3FC0, v1;
	v37 =	vld.idx.msk [tilespmem:v21+s19+$0x0], $0xffff  }
0x216: {  	v6 =	vshll.u32 v0, $0x6;
	v17 =	vadd.f32 v36, v17;
	v58 =	vshrl.u32 v20, $0xA;
	v39 =	vld.idx.msk [tilespmem:v21+s14+$0x0], $0xffff  }
0x217: {  	v14 =	vadd.f32 v28, v14;
	v46 =	vor.u32 v56, v6;
	v6 =	vand.u32 $0x3FC0, v58;
	v24 =	vld.idx.msk [tilespmem:v44+s20+$0x0], $0xffff  }
0x218: {  	v58 =	vor.u32 v56, v1;
	v17 =	vadd.f32 v48, v17;
	v1 =	vor.u32 v56, v6;
	v48 =	vld.idx.msk [tilespmem:v44+s21+$0x0], $0xffff  }
0x219: {  	v11 =	vadd.f32 v11, v22;
	v50 =	vshrl.u32 v0, $0x2;
	v23 =	vshrl.u32 v0, $0x12;
	v8 =	vld.idx.msk [tilespmem:v44+s19+$0x0], $0xffff  }
0x21a: {  	v9 =	vadd.f32 v9, v15;
	v15 =	vand.u32 $0x3FC0, v40;
	v23 =	vand.u32 $0x3FC0, v23;
	v26 =	vld.idx.msk [tilespmem:v35+s20+$0x0], $0xffff  }
0x21b: {  	v40 =	vadd.f32 v12, v2;
	v45 =	vand.u32 $0x3FC0, v50;
	v57 =	vor.u32 v56, v23;
	v47 =	vld.idx.msk [tilespmem:v35+s21+$0x0], $0xffff  }
0x21c: {  	v20 =	vshrl.u32 v20, $0x2;
	v50 =	vadd.f32 v4, v16;
	v0 =	vshrl.u32 v0, $0xA;
	v36 =	vld.idx.msk [tilespmem:v35+s19+$0x0], $0xffff  }
0x21d: {  	v60 =	vor.u32 v56, v49;
	v0 =	vand.u32 $0x3FC0, v0;
	v23 =	vshrl.u32 v52, $0xA;
	v6 =	vld.idx.msk [tilespmem:v1+s19+$0x0], $0xffff  }
0x21e: {  	v21 =	vadd.f32 v3, v18;
	v18 =	vand.u32 $0x3FC0, v23;
	v23 =	vor.u32 v56, v0;
	v0 =	vld [tilespmem:$0x1FC10]  }
0x21f: {  	v14 =	vadd.f32 v53, v14;
	v49 =	vor.u32 v56, v15;
	v19 =	vshrl.u32 v52, $0x2;
	v16 =	vld.idx.msk [tilespmem:v1+s21+$0x0], $0xffff  }
0x220: {  	v15 =	vadd.f32 v54, v9;
	v12 =	vshrl.u32 v52, $0x12;
	v3 =	vand.u32 $0x3FC0, v19;
	v63 =	vld.idx.msk [tilespmem:v57+s20+$0x0], $0xffff  }
0x221: {  	v4 =	vand.u32 $0x3FC0, v12;
	v9 =	vor.u32 v56, v3;
	v3 =	vand.u32 $0x3FC0, v20;
	v20 =	vld.idx.msk [tilespmem:v1+s20+$0x0], $0xffff  }
0x222: {  	v11 =	vadd.f32 v25, v11;
	v19 =	vadd.f32 v51, v14;
	v14 =	vor.u32 v56, v4;
	v4 =	vld.idx.msk [tilespmem:v1+s14+$0x0], $0xffff  }
0x223: {  	v12 =	vor.u32 v56, v3;
	v3 =	vld.idx.msk [tilespmem:v60+s20+$0x0], $0xffff  }
0x224: {  	v10 =	vadd.f32 v10, v15;
	v25 =	vand.u32 v59, v46;
	v22 =	vadd.f32 v42, v11;
	v42 =	vld.idx.msk [tilespmem:v58+s21+$0x0], $0xffff  }
0x225: {  	v7 =	vadd.f32 v7, v17;
	v54 =	vmov v24;
	v24 =	vld.idx.msk [tilespmem:v44+s14+$0x0], $0xffff  }
0x226: {  	v28 =	vor.u32 v56, v18;
	v15 =	vadd.f32 v0, v10;
	v10 =	vor.u32 v56, v45;
	v45 =	vld.idx.msk [tilespmem:v58+s20+$0x0], $0xffff  }
0x227: {  	v17 =	vadd.f32 v13, v7;
	v13 =	vadd.f32 v55, v31;
	v55 =	vmov v36;
	v36 =	vld.idx.msk [tilespmem:v57+s21+$0x0], $0xffff  }
0x228: {  	v51 =	vld.idx.msk [tilespmem:v23+s21+$0x0], $0xffff  }
0x229: {  	v2 =	vshll.u32 v52, $0x6;
	v44 =	vld.idx.msk [tilespmem:v25+s21+$0x0], $0xffff  }
0x22a: {  	v2 =	vor.u32 v56, v2;
	v52 =	vld.idx.msk [tilespmem:v23+s20+$0x0], $0xffff  }
0x22b: {  	v2 =	vand.u32 v59, v2;
	v18 =	vld.idx.msk [tilespmem:v28+s19+$0x0], $0xffff  }
0x22c: {  	v0 =	vld.idx.msk [tilespmem:v9+s14+$0x0], $0xffff  }
0x22d: {  	v1 =	vld.idx.msk [tilespmem:v9+s21+$0x0], $0xffff  }
0x22e: {  	v46 =	vld.idx.msk [tilespmem:v14+s21+$0x0], $0xffff  }
0x22f: {  	v43 =	vld.idx.msk [tilespmem:v14+s14+$0x0], $0xffff  }
0x230: {  	v11 =	vld.idx.msk [tilespmem:v2+s20+$0x0], $0xffff  }
0x231: {  	v56 =	vld.idx.msk [tilespmem:v28+s20+$0x0], $0xffff  }
0x232: {  	v53 =	vmov v63;
	v63 =	vld.idx.msk [tilespmem:v12+s20+$0x0], $0xffff;
	v1 =	vadd.f32 v1, v29  }
0x233: {  	v7 =	vld.idx.msk [tilespmem:v10+s19+$0x0], $0xffff  }
0x234: {  	v29 =	vadd.f32 v48, v1;
	v1 =	vld.idx.msk [tilespmem:v2+s21+$0x0], $0xffff  }
0x235: {  	v31 =	vld.idx.msk [tilespmem:v10+s14+$0x0], $0xffff  }
0x236: {  	v48 =	vld.idx.msk [tilespmem:v2+s19+$0x0], $0xffff  }
0x237: {  	v2 =	vld.idx.msk [tilespmem:v2+s14+$0x0], $0xffff  }
0x238: {  	v34 =	vadd.f32 v11, v34;
	v11 =	vld.idx.msk [tilespmem:v49+s19+$0x0], $0xffff  }
0x239: {  	[tilespmem:$0x1FC10] =	vst v63;
	v63 =	vmov v59;
	v59 =	vld.idx.msk [tilespmem:v49+s14+$0x0], $0xffff;
	v1 =	vadd.f32 v1, v62  }
0x23a: {  	v62 =	vld.idx.msk [tilespmem:v28+s21+$0x0], $0xffff  }
0x23b: {  	v13 =	vadd.f32 v48, v13;
	v48 =	vld.idx.msk [tilespmem:v28+s14+$0x0], $0xffff;
	v1 =	vadd.f32 v41, v1  }
0x23c: {  	v2 =	vadd.f32 v2, v33;
	v33 =	vadd.f32 v43, v30;
	v28 =	vld.idx.msk [tilespmem:v49+s20+$0x0], $0xffff  }
0x23d: {  	v30 =	vadd.f32 v38, v34;
	v43 =	vld.idx.msk [tilespmem:v49+s21+$0x0], $0xffff;
	v1 =	vadd.f32 v44, v1  }
0x23e: {  	v34 =	vld.idx.msk [tilespmem:v25+s14+$0x0], $0xffff;
	v37 =	vadd.f32 v37, v13;
	v13 =	vadd.f32 v56, v27  }
0x23f: {  	p0 =	sne.s32 s30, $0x1;
	v27 =	vadd.f32 v62, v32;
	v62 =	vadd.f32 v47, v1;
	v1 =	vld [tilespmem:$0x1FBF0]  }
.Ltmp2:
0x240: {  	v41 =	vld.idx.msk [tilespmem:v57+s14+$0x0], $0xffff;
	v44 =	vadd.f32 v59, v33;
	(pc) =	sbr.rel @p0 .LBB2_7-.Ltmp2, $4  }
0x241: {  	v33 =	vld.idx.msk [tilespmem:v35+s14+$0x0], $0xffff;
	v32 =	vadd.f32 v39, v2;
	v2 =	vadd.f32 v45, v13  }
0x242: {  	v40 =	vadd.f32 v0, v40;
	v49 =	vmov v26;
	v35 =	vld.idx.msk [tilespmem:v10+s21+$0x0], $0xffff;
	v38 =	vadd.f32 v42, v27  }
0x243: {  	v56 =	vlaneseq.u32;
	v59 =	vmovc v63;
	v13 =	vld.idx.msk [tilespmem:v12+s19+$0x0], $0xffff;
	v39 =	vadd.f32 v48, v50;
	v48 =	vmovc v8;
	v27 =	vadd.f32 v52, v2  }
0x244: {  	s30 =	sadd.s32 $0xFFFFFFFF, s30;
	v50 =	vimm.s32 $0x1;
	v42 =	vld.idx.msk [tilespmem:v25+s20+$0x0], $0xffff;
	v38 =	vadd.f32 v51, v38;
	v51 =	vmovc v3;
	v3 =	vmovc v6;
	v26 =	vadd.f32 v46, v1  }
0x245: {  	_ =	sdelay $0x3  }
0x246: {  	v0 =	vld.idx.msk [tilespmem:v60+s14+$0x0], $0xffff  }
0x247: {  	v1 =	vld.idx.msk [tilespmem:v60+s21+$0x0], $0xffff  }
0x248: {  	v2 =	vld.idx.msk [tilespmem:v58+s14+$0x0], $0xffff  }
0x249: {  	v58 =	vld.idx.msk [tilespmem:v58+s19+$0x0], $0xffff  }
0x24a: {  	v6 =	vld.idx.msk [tilespmem:v25+s19+$0x0], $0xffff  }
0x24b: {  	v45 =	vld.idx.msk [tilespmem:v12+s21+$0x0], $0xffff  }
0x24c: {  	v46 =	vld.idx.msk [tilespmem:v14+s19+$0x0], $0xffff  }
0x24d: {  	v47 =	vld.idx.msk [tilespmem:v14+s20+$0x0], $0xffff  }
0x24e: {  	v52 =	vld.idx.msk [tilespmem:v9+s20+$0x0], $0xffff  }
0x24f: {  	v24 =	vadd.f32 v24, v40;
	v63 =	vld.idx.msk [tilespmem:v12+s14+$0x0], $0xffff  }
0x250: {  	v5 =	vadd.f32 v43, v26;
	v26 =	vld.idx.msk [tilespmem:v23+s14+$0x0], $0xffff  }
0x251: {  	v24 =	vadd.f32 v31, v24;
	v31 =	vld [tilespmem:$0x1FDF0]  }
0x252: {  	v36 =	vadd.f32 v36, v5;
	v5 =	vld [tilespmem:$0x1FCD0]  }
0x253: {  	v8 =	vadd.f32 v42, v30;
	v30 =	vld.idx.msk [tilespmem:v23+s19+$0x0], $0xffff  }
0x254: {  	v23 =	vld.idx.msk [tilespmem:v57+s19+$0x0], $0xffff  }
0x255: {  	v21 =	vadd.f32 v18, v21;
	v42 =	vadd.f32 v34, v32;
	v32 =	vld [tilespmem:$0x1FD20]  }
0x256: {  	v41 =	vadd.f32 v41, v44;
	v57 =	vld [tilespmem:$0x1FE00]  }
0x257: {  	v21 =	vadd.f32 v58, v21;
	v58 =	vadd.f32 v35, v29;
	v35 =	vld [tilespmem:$0x1FCE0]  }
0x258: {  	v44 =	vadd.f32 v20, v27;
	v20 =	vadd.f32 v6, v37;
	v37 =	vld.idx.msk [tilespmem:v60+s19+$0x0], $0xffff  }
0x259: {  	v6 =	vadd.f32 v47, v19;
	v47 =	vld [tilespmem:$0x1FD00]  }
0x25a: {  	v15 =	vadd.f32 v52, v15;
	v52 =	vld [tilespmem:$0x1FD30]  }
0x25b: {  	v29 =	vld [tilespmem:$0x1FD40]  }
0x25c: {  	v1 =	vadd.f32 v1, v36;
	v18 =	vadd.f32 v49, v8;
	v49 =	vld.idx.msk [tilespmem:v9+s19+$0x0], $0xffff  }
0x25d: {  	v2 =	vadd.f32 v2, v39;
	v21 =	vadd.f32 v30, v21;
	v30 =	vld [tilespmem:$0x1FCF0]  }
0x25e: {  	v25 =	vadd.f32 v33, v42;
	[tilespmem:$0x1FBE0] =	vst v1;
	v1 =	vadd.f32 v46, v22;
	v22 =	vld.idx.msk [tilespmem:v10+s20+$0x0], $0xffff  }
0x25f: {  	v61 =	vadd.f32 v0, v41;
	v0 =	vadd.f32 v28, v6;
	v6 =	vld [tilespmem:$0x1FDD0]  }
0x260: {  	v2 =	vadd.f32 v26, v2;
	v12 =	vadd.f32 v55, v20;
	v55 =	vld [tilespmem:$0x1FDC0];
	v26 =	vmul.f32 v25, v35  }
0x261: {  	v34 =	vadd.f32 v16, v38;
	v10 =	vadd.f32 v63, v24;
	v24 =	vld [tilespmem:$0x1FD60]  }
0x262: {  	v8 =	vadd.f32 v49, v17;
	v49 =	vld [tilespmem:$0x1FD80];
	v33 =	vadd.f32 v26, v5;
	v36 =	vmul.f32 v12, v30  }
0x263: {  	v27 =	vadd.f32 v54, v15;
	v3 =	vadd.f32 v3, v21;
	v21 =	vld [tilespmem:$0x1FC00]  }
0x264: {  	v14 =	vadd.f32 v48, v8;
	v38 =	vadd.f32 v36, v33;
	v33 =	vld [tilespmem:$0x1FD10]  }
0x265: {  	v4 =	vadd.f32 v4, v2;
	v2 =	vadd.f32 v22, v27;
	v27 =	vld [tilespmem:$0x1FD50]  }
0x266: {  	v40 =	vmul.f32 v25, v52;
	v22 =	vld [tilespmem:$0x1FD70];
	v7 =	vadd.f32 v7, v14  }
0x267: {  	v1 =	vadd.f32 v11, v1;
	v39 =	vmul.f32 v18, v47;
	v43 =	vmul.f32 v12, v29;
	v8 =	vld [tilespmem:$0x1FC10]  }
0x268: {  	v15 =	vshll.u32 v21, $0x4;
	v21 =	vld [tilespmem:$0x1FE10];
	v11 =	vadd.f32 v13, v7;
	v7 =	vadd.f32 v40, v32  }
0x269: {  	v41 =	vadd.f32 v39, v38;
	v39 =	vld [tilespmem:$0x1FD90];
	v42 =	vmul.f32 v62, v33  }
0x26a: {  	v9 =	vadd.f32 v45, v58;
	v58 =	vadd.f32 v43, v7;
	v43 =	vld [tilespmem:$0x1FE20]  }
0x26b: {  	v63 =	vmul.f32 v18, v27;
	v46 =	vadd.f32 v42, v41;
	v41 =	vld [tilespmem:$0x1FDE0]  }
0x26c: {  	v0 =	vadd.f32 v53, v0;
	v45 =	vmul.f32 v25, v49;
	v40 =	vld [tilespmem:$0x1FEC0]  }
0x26d: {  	v26 =	vmul.f32 v62, v24;
	v8 =	vadd.f32 v8, v2;
	v38 =	vld [tilespmem:$0x1FDA0];
	v2 =	vadd.f32 v63, v58  }
0x26e: {  	v53 =	vadd.f32 v51, v0;
	v60 =	vmul.f32 v25, v6;
	v0 =	vadd.f32 v45, v22;
	v45 =	vld [tilespmem:$0x1FE70]  }
0x26f: {  	v1 =	vadd.f32 v23, v1;
	v20 =	vmul.f32 v12, v39;
	v2 =	vadd.f32 v26, v2;
	v26 =	vld [tilespmem:$0x1FDB0]  }
0x270: {  	v7 =	vadd.f32 v60, v55;
	v60 =	vld [tilespmem:$0x1FED0];
	v48 =	vmul.f32 v25, v43;
	v23 =	vmul.f32 v12, v41  }
0x271: {  	v36 =	vmul.f32 v18, v31;
	v63 =	vld [tilespmem:$0x1FE30];
	v0 =	vadd.f32 v20, v0  }
0x272: {  	v28 =	vmul.f32 v18, v38;
	v17 =	vadd.f32 v48, v21;
	v48 =	vld [tilespmem:$0x1FE60];
	v7 =	vadd.f32 v23, v7  }
0x273: {  	v58 =	vmul.f32 v62, v57;
	v57 =	vld [tilespmem:$0x1FE40]  }
0x274: {  	v0 =	vadd.f32 v28, v0;
	v51 =	vmul.f32 v62, v26;
	v7 =	vadd.f32 v36, v7;
	v36 =	vld [tilespmem:$0x1FEB0]  }
0x275: {  	v42 =	vmul.f32 v25, v40;
	v40 =	vld [tilespmem:$0x1FEE0];
	v28 =	vmul.f32 v25, v45  }
0x276: {  	v23 =	vmul.f32 v12, v63;
	v0 =	vadd.f32 v51, v0;
	v51 =	vld [tilespmem:$0x1FE80]  }
0x277: {  	v54 =	vadd.f32 v37, v1;
	v37 =	vor.u32 $0x1, v15;
	v14 =	vadd.f32 v28, v48;
	v28 =	vld [tilespmem:$0x1FE50]  }
0x278: {  	v1 =	vor.u32 $0x2, v15;
	v6 =	vmul.f32 v12, v60;
	[tilespmem:v15+s22+$0x0] =	vst.idx.msk $0xffff, v46;
	v31 =	vadd.f32 v23, v17  }
0x279: {  	v46 =	vmul.f32 v18, v57;
	v7 =	vadd.f32 v58, v7;
	v58 =	vadd.f32 v42, v36  }
0x27a: {  	v48 =	vld [tilespmem:$0x1FF10]  }
0x27b: {  	v16 =	vadd.f32 v46, v31;
	v46 =	vld [tilespmem:$0x1FE90];
	v42 =	vmul.f32 v18, v40;
	v13 =	vadd.f32 v6, v58  }
0x27c: {  	v20 =	vmul.f32 v12, v51;
	v51 =	vld [tilespmem:$0x1FF20];
	v31 =	vmul.f32 v62, v28  }
0x27d: {  	[tilespmem:v37+s22+$0x0] =	vst.idx.msk $0xffff, v2;
	v13 =	vadd.f32 v42, v13;
	v42 =	vld [tilespmem:$0x1FF00]  }
0x27e: {  	[tilespmem:v1+s22+$0x0] =	vst.idx.msk $0xffff, v0;
	v0 =	vadd.f32 v31, v16;
	v31 =	vld [tilespmem:$0x1FEA0];
	_ =	sdelay $0x1  }
0x27f: {  	v2 =	vor.u32 $0x3, v15;
	v21 =	vld [tilespmem:$0x1FF60];
	v58 =	vmul.f32 v25, v48  }
0x280: {  	v14 =	vadd.f32 v20, v14;
	v37 =	vmul.f32 v18, v46  }
0x281: {  	v1 =	vor.u32 $0x4, v15;
	v16 =	vadd.f32 v58, v42;
	v58 =	vmul.f32 v12, v51;
	v51 =	vld [tilespmem:$0x1FF50]  }
0x282: {  	v14 =	vadd.f32 v37, v14;
	v60 =	vmul.f32 v62, v31;
	_ =	sdelay $0x1  }
0x283: {  	[tilespmem:v2+s22+$0x0] =	vst.idx.msk $0xffff, v7;
	v2 =	vadd.f32 v60, v14;
	v60 =	vmul.f32 v25, v21;
	_ =	sdelay $0x1  }
0x284: {  	[tilespmem:v1+s22+$0x0] =	vst.idx.msk $0xffff, v0;
	v1 =	vadd.f32 v60, v51;
	v60 =	vld [tilespmem:$0x1FF40]  }
0x285: {  	v23 =	vld [tilespmem:$0x1FF30]  }
0x286: {  	v42 =	vld [tilespmem:$0x1FF70]  }
0x287: {  	v37 =	vld [tilespmem:$0x1FEF0];
	_ =	sdelay $0x1  }
0x288: {  	v6 =	vmul.f32 v62, v60;
	v60 =	vld [tilespmem:$0x1FFB0];
	_ =	sdelay $0x1  }
0x289: {  	v16 =	vadd.f32 v58, v16;
	v58 =	vmul.f32 v12, v42;
	v51 =	vmul.f32 v10, v35;
	v35 =	vld [tilespmem:$0x1FFA0]  }
0x28a: {  	v40 =	vmul.f32 v62, v37;
	v37 =	vmul.f32 v18, v23  }
0x28b: {  	v1 =	vadd.f32 v58, v1;
	v58 =	vld [tilespmem:$0x1FF80]  }
0x28c: {  	v16 =	vadd.f32 v37, v16;
	v37 =	vmul.f32 v25, v60;
	_ =	sdelay $0x1  }
0x28d: {  	v7 =	vor.u32 $0x5, v15;
	v25 =	vadd.f32 v37, v35;
	v37 =	vld [tilespmem:$0x1FFC0]  }
0x28e: {  	v20 =	vld [tilespmem:$0x1FF90]  }
0x28f: {  	v23 =	vld [tilespmem:$0x1FFD0];
	v13 =	vadd.f32 v40, v13;
	v40 =	vmul.f32 v18, v58  }
0x290: {  	v30 =	vmul.f32 v11, v30  }
0x291: {  	v0 =	vor.u32 $0x6, v15;
	v1 =	vadd.f32 v40, v1;
	v40 =	vadd.f32 v51, v5  }
0x292: {  	[tilespmem:v7+s22+$0x0] =	vst.idx.msk $0xffff, v2;
	v2 =	vor.u32 $0x7, v15;
	v12 =	vmul.f32 v12, v37  }
0x293: {  	v14 =	vadd.f32 v30, v40;
	v40 =	vor.u32 $0x8, v15  }
0x294: {  	v51 =	vmul.f32 v62, v20;
	v37 =	vadd.f32 v12, v25;
	v25 =	vmul.f32 v18, v23  }
0x295: {  	v16 =	vadd.f32 v6, v16  }
0x296: {  	[tilespmem:v0+s22+$0x0] =	vst.idx.msk $0xffff, v13;
	v0 =	vadd.f32 v51, v1;
	v7 =	vadd.f32 v25, v37;
	v37 =	vld [tilespmem:$0x1FFE0]  }
0x297: {  	[tilespmem:v2+s22+$0x0] =	vst.idx.msk $0xffff, v16  }
0x298: {  	[tilespmem:v40+s22+$0x0] =	vst.idx.msk $0xffff, v0;
	v40 =	vld [tilespmem:$0x1FC20];
	_ =	sdelay $0x2  }
0x299: {  	v23 =	vmul.f32 v62, v37;
	_ =	sdelay $0x1  }
0x29a: {  	v62 =	vshll.u32 v40, $0x4;
	v40 =	vld [tilespmem:$0x1FDD0];
	_ =	sdelay $0x1  }
0x29b: {  	v30 =	vmul.f32 v8, v47;
	v2 =	vadd.f32 v23, v7;
	v7 =	vmul.f32 v11, v39;
	v23 =	vmovc v39;
	v39 =	vld [tilespmem:$0x1FC30]  }
0x29c: {  	v51 =	vmul.f32 v10, v52  }
0x29d: {  	v14 =	vadd.f32 v30, v14;
	v30 =	vmul.f32 v10, v49  }
0x29e: {  	v49 =	vmovc v27;
	v12 =	vadd.f32 v51, v32;
	v32 =	vmul.f32 v8, v27;
	v27 =	vmul.f32 v10, v40;
	_ =	sdelay $0x1  }
0x29f: {  	v5 =	vadd.f32 v27, v55;
	v17 =	vor.u32 v39, v62;
	v39 =	vmov v55;
	v55 =	vld [tilespmem:$0x1FDF0]  }
0x2a0: {  	v6 =	vadd.f32 v30, v22  }
0x2a1: {  	v13 =	vor.u32 $0x9, v15;
	v51 =	vmov v29;
	v29 =	vmul.f32 v11, v29  }
0x2a2: {  	v0 =	vadd.f32 v7, v6;
	v6 =	vmul.f32 v11, v41  }
0x2a3: {  	v30 =	vmov v38;
	v25 =	vmul.f32 v9, v33;
	v12 =	vadd.f32 v29, v12  }
0x2a4: {  	[tilespmem:$0x1FBD0] =	vst v62;
	v62 =	vmul.f32 v8, v38;
	v29 =	vadd.f32 v6, v5;
	v6 =	vld [tilespmem:$0x1FE10];
	v38 =	vmul.f32 v8, v55  }
0x2a5: {  	v7 =	vmul.f32 v9, v26  }
0x2a6: {  	v14 =	vadd.f32 v25, v14;
	[tilespmem:v13+s22+$0x0] =	vst.idx.msk $0xffff, v2;
	v13 =	vadd.f32 v38, v29;
	v29 =	vld [tilespmem:$0x1FE60]  }
0x2a7: {  	v12 =	vadd.f32 v32, v12;
	v27 =	vmul.f32 v10, v43;
	v0 =	vadd.f32 v62, v0  }
0x2a8: {  	v32 =	vmovc v24;
	v25 =	vmul.f32 v9, v24;
	v24 =	vmov v43;
	v43 =	vmul.f32 v11, v63  }
0x2a9: {  	v0 =	vadd.f32 v7, v0;
	v7 =	vmovc v63;
	v63 =	vmul.f32 v10, v45;
	v1 =	vadd.f32 v27, v6;
	v27 =	vld [tilespmem:$0x1FE00]  }
0x2aa: {  	v38 =	vmov v45;
	v45 =	vld [tilespmem:$0x1FE80]  }
0x2ab: {  	v12 =	vadd.f32 v25, v12;
	v25 =	vadd.f32 v63, v29;
	v63 =	vld [tilespmem:$0x1FEC0];
	_ =	sdelay $0x2  }
0x2ac: {  	v5 =	vmul.f32 v8, v57;
	v2 =	vor.u32 $0x1, v17;
	v1 =	vadd.f32 v43, v1  }
0x2ad: {  	v62 =	vmul.f32 v9, v27;
	v26 =	vmul.f32 v11, v45  }
0x2ae: {  	v43 =	vmov v57;
	v1 =	vadd.f32 v5, v1;
	v57 =	vmul.f32 v10, v63  }
0x2af: {  	v5 =	vmul.f32 v8, v46;
	v13 =	vadd.f32 v62, v13;
	v62 =	vadd.f32 v26, v25  }
0x2b0: {  	[tilespmem:v17+s22+$0x0] =	vst.idx.msk $0xffff, v14;
	v26 =	vadd.f32 v57, v36;
	v57 =	vld [tilespmem:$0x1FED0]  }
0x2b1: {  	[tilespmem:v2+s22+$0x0] =	vst.idx.msk $0xffff, v12;
	v12 =	vadd.f32 v5, v62;
	v62 =	vld [tilespmem:$0x1FEE0];
	v36 =	vmul.f32 v9, v31  }
0x2b2: {  	v31 =	vld [tilespmem:$0x1FF00]  }
0x2b3: {  	v28 =	vmul.f32 v9, v28;
	v12 =	vadd.f32 v36, v12;
	v36 =	vld [tilespmem:$0x1FF20]  }
0x2b4: {  	v14 =	vor.u32 $0x2, v17  }
0x2b5: {  	v2 =	vor.u32 $0x3, v17;
	v1 =	vadd.f32 v28, v1;
	v28 =	vmul.f32 v11, v57  }
0x2b6: {  	v25 =	vmov v46;
	v46 =	vmul.f32 v10, v48  }
0x2b7: {  	v5 =	vadd.f32 v28, v26;
	v26 =	vmul.f32 v8, v62  }
0x2b8: {  	v28 =	vadd.f32 v46, v31;
	v46 =	vmul.f32 v11, v36  }
0x2b9: {  	[tilespmem:v14+s22+$0x0] =	vst.idx.msk $0xffff, v0;
	v14 =	vadd.f32 v26, v5;
	v26 =	vld [tilespmem:$0x1FEF0]  }
0x2ba: {  	[tilespmem:v2+s22+$0x0] =	vst.idx.msk $0xffff, v13;
	v13 =	vadd.f32 v46, v28;
	v46 =	vld [tilespmem:$0x1FF30];
	_ =	sdelay $0x1  }
0x2bb: {  	v19 =	vmul.f32 v10, v21;
	v5 =	vmov v21;
	v21 =	vld [tilespmem:$0x1FF50];
	_ =	sdelay $0x1  }
0x2bc: {  	v0 =	vor.u32 $0x4, v17;
	v16 =	vmul.f32 v9, v26  }
0x2bd: {  	v28 =	vmul.f32 v8, v46  }
0x2be: {  	v14 =	vadd.f32 v16, v14  }
0x2bf: {  	v42 =	vmul.f32 v11, v42;
	v16 =	vadd.f32 v19, v21;
	v13 =	vadd.f32 v28, v13;
	v28 =	vld [tilespmem:$0x1FF40];
	_ =	sdelay $0x1  }
0x2c0: {  	v18 =	vld [tilespmem:$0x1FFC0];
	[tilespmem:v0+s22+$0x0] =	vst.idx.msk $0xffff, v1;
	v1 =	vadd.f32 v42, v16;
	v42 =	vmul.f32 v8, v58  }
0x2c1: {  	v58 =	vld [tilespmem:$0x1FCE0]  }
0x2c2: {  	v10 =	vmul.f32 v10, v60;
	v1 =	vadd.f32 v42, v1;
	v42 =	vld [tilespmem:$0x1FFD0]  }
0x2c3: {  	v2 =	vor.u32 $0x5, v17;
	v15 =	vmul.f32 v9, v28  }
0x2c4: {  	v0 =	vor.u32 $0x6, v17;
	v10 =	vadd.f32 v10, v35  }
0x2c5: {  	v11 =	vmul.f32 v11, v18;
	v19 =	vld [tilespmem:$0x1FCF0];
	v13 =	vadd.f32 v15, v13;
	v15 =	vmul.f32 v9, v20  }
0x2c6: {  	v16 =	vmul.f32 v4, v58;
	v9 =	vmul.f32 v9, v37;
	v58 =	vmov v37;
	v37 =	vld [tilespmem:$0x1FD20]  }
0x2c7: {  	v10 =	vadd.f32 v11, v10;
	v8 =	vmul.f32 v8, v42;
	v1 =	vadd.f32 v15, v1;
	v15 =	vld [tilespmem:$0x1FCD0]  }
0x2c8: {  	[tilespmem:v2+s22+$0x0] =	vst.idx.msk $0xffff, v12;
	v2 =	vor.u32 $0x7, v17  }
0x2c9: {  	v52 =	vmul.f32 v4, v52;
	v8 =	vadd.f32 v8, v10  }
0x2ca: {  	[tilespmem:v0+s22+$0x0] =	vst.idx.msk $0xffff, v14  }
0x2cb: {  	v8 =	vadd.f32 v9, v8;
	v9 =	vadd.f32 v52, v37;
	v52 =	vmul.f32 v34, v33;
	v33 =	vld [tilespmem:$0x1FD80]  }
0x2cc: {  	v10 =	vmul.f32 v3, v51;
	v11 =	vadd.f32 v16, v15;
	v16 =	vmul.f32 v3, v19  }
0x2cd: {  	v0 =	vor.u32 $0x8, v17;
	[tilespmem:v2+s22+$0x0] =	vst.idx.msk $0xffff, v13;
	v2 =	vor.u32 $0x9, v17;
	v17 =	vmul.f32 v44, v49  }
0x2ce: {  	v9 =	vadd.f32 v10, v9;
	v11 =	vadd.f32 v16, v11;
	v16 =	vmul.f32 v44, v47  }
0x2cf: {  	v32 =	vmul.f32 v34, v32;
	v40 =	vmul.f32 v4, v40  }
0x2d0: {  	v9 =	vadd.f32 v17, v9;
	v11 =	vadd.f32 v16, v11;
	v16 =	vmul.f32 v4, v33  }
0x2d1: {  	v14 =	vmul.f32 v3, v41;
	v13 =	vmul.f32 v3, v23;
	v10 =	vadd.f32 v40, v39  }
0x2d2: {  	v9 =	vadd.f32 v32, v9;
	v32 =	vmul.f32 v4, v24;
	v12 =	vadd.f32 v16, v22  }
0x2d3: {  	[tilespmem:v0+s22+$0x0] =	vst.idx.msk $0xffff, v1;
	v1 =	vadd.f32 v14, v10;
	v17 =	vmul.f32 v44, v55  }
0x2d4: {  	v40 =	vmovc v24;
	v24 =	vmul.f32 v3, v7;
	v12 =	vadd.f32 v13, v12;
	v13 =	vadd.f32 v32, v6;
	_ =	sdelay $0x1  }
0x2d5: {  	v1 =	vadd.f32 v17, v1;
	v17 =	vadd.f32 v24, v13;
	v24 =	vmul.f32 v44, v43;
	_ =	sdelay $0x1  }
0x2d6: {  	[tilespmem:v2+s22+$0x0] =	vst.idx.msk $0xffff, v8;
	v8 =	vadd.f32 v24, v17;
	v24 =	vld [tilespmem:$0x1FE50];
	_ =	sdelay $0x1  }
0x2d7: {  	v11 =	vadd.f32 v52, v11;
	v52 =	vld [tilespmem:$0x1FC40]  }
0x2d8: {  	v10 =	vmul.f32 v34, v27;
	v27 =	vmul.f32 v4, v38;
	v22 =	vld [tilespmem:$0x1FBD0];
	_ =	sdelay $0x1  }
0x2d9: {  	v1 =	vadd.f32 v10, v1;
	v10 =	vadd.f32 v27, v29;
	v27 =	vmul.f32 v34, v24;
	_ =	sdelay $0x1  }
0x2da: {  	v8 =	vadd.f32 v27, v8;
	v27 =	vld [tilespmem:$0x1FEB0]  }
0x2db: {  	v23 =	vmul.f32 v44, v30;
	v15 =	vor.u32 v52, v22  }
0x2dc: {  	v0 =	vor.u32 $0x1, v15  }
0x2dd: {  	v16 =	vmul.f32 v4, v63;
	v12 =	vadd.f32 v23, v12;
	v23 =	vld [tilespmem:$0x1FDB0]  }
0x2de: {  	v14 =	vmul.f32 v3, v45  }
0x2df: {  	v13 =	vadd.f32 v16, v27;
	v16 =	vmul.f32 v3, v57  }
0x2e0: {  	v10 =	vadd.f32 v14, v10;
	v14 =	vmul.f32 v44, v25;
	v17 =	vld [tilespmem:$0x1FF70];
	[tilespmem:v15+s22+$0x0] =	vst.idx.msk $0xffff, v11  }
0x2e1: {  	v25 =	vld [tilespmem:$0x1FEA0];
	v2 =	vor.u32 $0x2, v15;
	[tilespmem:v0+s22+$0x0] =	vst.idx.msk $0xffff, v9;
	v9 =	vadd.f32 v16, v13;
	v13 =	vmul.f32 v44, v62  }
0x2e2: {  	v52 =	vmov v30;
	v30 =	vmul.f32 v34, v23;
	v11 =	vor.u32 $0x3, v15  }
0x2e3: {  	v5 =	vmul.f32 v4, v5;
	v9 =	vadd.f32 v13, v9;
	v13 =	vmul.f32 v34, v26  }
0x2e4: {  	v10 =	vadd.f32 v14, v10;
	v12 =	vadd.f32 v30, v12  }
0x2e5: {  	v32 =	vmovc v6;
	v16 =	vmul.f32 v3, v17;
	v9 =	vadd.f32 v13, v9;
	v13 =	vadd.f32 v5, v21  }
0x2e6: {  	v6 =	vmul.f32 v34, v25;
	v30 =	vmov v7;
	v7 =	vmul.f32 v4, v48;
	[tilespmem:v2+s22+$0x0] =	vst.idx.msk $0xffff, v12  }
0x2e7: {  	[tilespmem:v11+s22+$0x0] =	vst.idx.msk $0xffff, v1;
	v11 =	vadd.f32 v16, v13;
	v16 =	vld [tilespmem:$0x1FF80]  }
0x2e8: {  	v10 =	vadd.f32 v6, v10;
	v6 =	vadd.f32 v7, v31;
	v7 =	vmul.f32 v3, v36;
	_ =	sdelay $0x1  }
0x2e9: {  	v6 =	vadd.f32 v7, v6;
	v7 =	vmul.f32 v44, v46;
	_ =	sdelay $0x1  }
0x2ea: {  	v14 =	vmul.f32 v34, v28;
	v12 =	vadd.f32 v7, v6;
	v13 =	vmul.f32 v44, v16;
	_ =	sdelay $0x1  }
0x2eb: {  	v12 =	vadd.f32 v14, v12;
	v14 =	vld [tilespmem:$0x1FCE0];
	v11 =	vadd.f32 v13, v11;
	v13 =	vmul.f32 v34, v20  }
0x2ec: {  	v0 =	vor.u32 $0x4, v15  }
0x2ed: {  	v4 =	vmul.f32 v4, v60;
	v5 =	vadd.f32 v13, v11;
	v11 =	vld [tilespmem:$0x1FCD0];
	_ =	sdelay $0x1  }
0x2ee: {  	v4 =	vadd.f32 v4, v35;
	v3 =	vmul.f32 v3, v18  }
0x2ef: {  	v14 =	vmul.f32 v61, v14  }
0x2f0: {  	[tilespmem:v0+s22+$0x0] =	vst.idx.msk $0xffff, v8;
	v0 =	vadd.f32 v3, v4;
	v44 =	vmul.f32 v44, v42  }
0x2f1: {  	v13 =	vadd.f32 v14, v11;
	v14 =	vmul.f32 v54, v19;
	v19 =	vmul.f32 v34, v58;
	v34 =	vld [tilespmem:$0x1FD30];
	_ =	sdelay $0x1  }
0x2f2: {  	v0 =	vadd.f32 v44, v0;
	v44 =	vmul.f32 v53, v47;
	v8 =	vadd.f32 v14, v13;
	_ =	sdelay $0x1  }
0x2f3: {  	v8 =	vadd.f32 v44, v8;
	v44 =	vld [tilespmem:$0x1FD70]  }
0x2f4: {  	v0 =	vadd.f32 v19, v0;
	v19 =	vld [tilespmem:$0x1FBE0];
	v6 =	vmul.f32 v61, v34  }
0x2f5: {  	v51 =	vmul.f32 v54, v51;
	v2 =	vor.u32 $0x5, v15;
	v1 =	vor.u32 $0x6, v15;
	v13 =	vld [tilespmem:$0x1FD10]  }
0x2f6: {  	v34 =	vmul.f32 v61, v33;
	v47 =	vadd.f32 v6, v37;
	v37 =	vmul.f32 v53, v49;
	v49 =	vld [tilespmem:$0x1FD90]  }
0x2f7: {  	v33 =	vld [tilespmem:$0x1FD60]  }
0x2f8: {  	v4 =	vadd.f32 v51, v47;
	v47 =	vadd.f32 v34, v44;
	v34 =	vld [tilespmem:$0x1FDD0];
	_ =	sdelay $0x1  }
0x2f9: {  	[tilespmem:v2+s22+$0x0] =	vst.idx.msk $0xffff, v10;
	v2 =	vor.u32 $0x8, v15;
	v44 =	vld [tilespmem:$0x1FC70]  }
0x2fa: {  	v3 =	vor.u32 $0x7, v15;
	[tilespmem:v1+s22+$0x0] =	vst.idx.msk $0xffff, v9;
	v1 =	vor.u32 $0x9, v15;
	v51 =	vmul.f32 v54, v49  }
0x2fb: {  	v14 =	vmul.f32 v19, v13;
	v6 =	vmul.f32 v19, v33;
	v4 =	vadd.f32 v37, v4  }
0x2fc: {  	v37 =	vmul.f32 v61, v34;
	v9 =	vadd.f32 v51, v47;
	v47 =	vmul.f32 v53, v52  }
0x2fd: {  	v8 =	vadd.f32 v14, v8;
	v51 =	vmul.f32 v54, v41;
	v52 =	vmul.f32 v19, v23  }
0x2fe: {  	v7 =	vor.u32 v44, v22;
	v22 =	vmul.f32 v61, v40;
	v23 =	vmul.f32 v53, v55  }
0x2ff: {  	v4 =	vadd.f32 v6, v4;
	v34 =	vmul.f32 v54, v30;
	v44 =	vmul.f32 v53, v43  }
0x300: {  	[tilespmem:v3+s22+$0x0] =	vst.idx.msk $0xffff, v12;
	v3 =	vor.u32 $0x1, v7;
	v40 =	vor.u32 $0x2, v7;
	v49 =	vadd.f32 v37, v39  }
0x301: {  	[tilespmem:v2+s22+$0x0] =	vst.idx.msk $0xffff, v5;
	v55 =	vor.u32 $0x3, v7;
	v9 =	vadd.f32 v47, v9;
	v33 =	vadd.f32 v22, v32  }
0x302: {  	v37 =	vld [tilespmem:$0x1FE00];
	v39 =	vmul.f32 v61, v38;
	v6 =	vadd.f32 v51, v49;
	v49 =	vmul.f32 v54, v45  }
0x303: {  	v9 =	vadd.f32 v52, v9;
	v51 =	vmul.f32 v19, v24;
	v52 =	vmul.f32 v61, v63  }
0x304: {  	v41 =	vadd.f32 v34, v33;
	v24 =	vmul.f32 v19, v25;
	v25 =	vmul.f32 v61, v48  }
0x305: {  	v47 =	vadd.f32 v39, v29;
	v29 =	vmul.f32 v53, v62;
	v34 =	vmul.f32 v19, v26  }
0x306: {  	[tilespmem:v1+s22+$0x0] =	vst.idx.msk $0xffff, v0;
	v32 =	vor.u32 $0x5, v7;
	v45 =	vmul.f32 v19, v28;
	v62 =	vmul.f32 v19, v58  }
0x307: {  	v6 =	vadd.f32 v23, v6;
	v5 =	vadd.f32 v44, v41;
	v11 =	vmul.f32 v19, v37;
	v37 =	vld [tilespmem:$0x1FF60]  }
0x308: {  	v15 =	vld [tilespmem:$0x1FE90];
	v39 =	vor.u32 $0x6, v7;
	[tilespmem:v7+s22+$0x0] =	vst.idx.msk $0xffff, v8;
	v63 =	vadd.f32 v49, v47;
	v22 =	vadd.f32 v52, v27  }
0x309: {  	v23 =	vmul.f32 v54, v57;
	v30 =	vadd.f32 v25, v31;
	v31 =	vmul.f32 v54, v36  }
0x30a: {  	v27 =	vor.u32 $0x4, v7;
	[tilespmem:v3+s22+$0x0] =	vst.idx.msk $0xffff, v4;
	v36 =	vmul.f32 v53, v46;
	v44 =	vmul.f32 v54, v17  }
0x30b: {  	v46 =	vmul.f32 v54, v18;
	v47 =	vor.u32 $0x7, v7;
	[tilespmem:v40+s22+$0x0] =	vst.idx.msk $0xffff, v9;
	v40 =	vmul.f32 v61, v60  }
0x30c: {  	v5 =	vadd.f32 v51, v5;
	v10 =	vadd.f32 v23, v22;
	v13 =	vmul.f32 v61, v37  }
0x30d: {  	v6 =	vadd.f32 v11, v6;
	v11 =	vmul.f32 v53, v15;
	v9 =	vadd.f32 v40, v35  }
0x30e: {  	v49 =	vmul.f32 v53, v16;
	v33 =	vadd.f32 v29, v10;
	v43 =	vadd.f32 v13, v21  }
0x30f: {  	v54 =	vmul.f32 v53, v42;
	v1 =	vadd.f32 v11, v63;
	v11 =	vadd.f32 v31, v30  }
0x310: {  	v57 =	vmul.f32 v19, v20;
	v51 =	vadd.f32 v46, v9;
	v48 =	vadd.f32 v44, v43  }
0x311: {  	s29 =	sadd.s32 $0x1, s29;
	v52 =	vor.u32 $0x8, v7;
	[tilespmem:v55+s22+$0x0] =	vst.idx.msk $0xffff, v6;
	v1 =	vadd.f32 v24, v1;
	v41 =	vadd.f32 v36, v11  }
0x312: {  	p0 =	sne.s32 s29, $0x8;
	v60 =	vor.u32 $0x9, v7;
	v38 =	vadd.f32 v34, v33;
	[tilespmem:v27+s22+$0x0] =	vst.idx.msk $0xffff, v5;
	v55 =	vadd.f32 v49, v48  }
.Ltmp3:
0x313: {  	v5 =	vadd.f32 v54, v51;
	[tilespmem:v32+s22+$0x0] =	vst.idx.msk $0xffff, v1;
	v61 =	vadd.f32 v45, v41;
	(pc) =	sbr.rel @p0 .LBB2_6-.Ltmp3, $4  }
0x314: {  	[tilespmem:v39+s22+$0x0] =	vst.idx.msk $0xffff, v38;
	v1 =	vadd.f32 v57, v55  }
0x315: {  	v63 =	vadd.f32 v62, v5;
	[tilespmem:v47+s22+$0x0] =	vst.idx.msk $0xffff, v61  }
0x316: {  	[tilespmem:v52+s22+$0x0] =	vst.idx.msk $0xffff, v1  }
0x317: {  	[tilespmem:v60+s22+$0x0] =	vst.idx.msk $0xffff, v63  }
0x318: {  	[hbm4b:s6+s2] =	stream.linear.scatter [tilespmem:s22], [sflag:$0x3], $0x800, $0x38;
	[tilespmem:$0xC9D0] =	vst v63  }
0x319: {  	_ =	swait.ge [sflag:s15], $0x800  }
0x31a: {  	[sflag:s15] =	ssyncset.done $0x0  }
0x31b: {  	[sflag:s15] =	ssyncadd.s32 $0xFFFFF800  }
0x31c: {  	[hbm4b:s9+s2] =	stream.linear.scatter [tilespmem:s24], [sflag:$0x3], $0x800, $0x38;
	[tilespmem:$0xC9D0] =	vst v63  }
0x31d: {  	_ =	swait.ge [sflag:s15], $0x800  }
0x31e: {  	[sflag:s15] =	ssyncset.done $0x0  }
0x31f: {  	[sflag:s15] =	ssyncadd.s32 $0xFFFFF800  }
0x320: {  	[hbm4b:s10+s2] =	stream.linear.scatter [tilespmem:s25], [sflag:$0x3], $0x800, $0x38;
	[tilespmem:$0xC9D0] =	vst v63  }
0x321: {  	s28 =	sadd.s32 $0x1, s28;
	_ =	swait.ge [sflag:s15], $0x800  }
0x322: {  	p0 =	sne.s32 s28, s12;
	[sflag:s15] =	ssyncset.done $0x0  }
.Ltmp4:
0x323: {  	[sflag:s15] =	ssyncadd.s32 $0xFFFFF800;
	(pc) =	sbr.rel @p0 .LBB2_1-.Ltmp4, $4  }
0x324: {  	[hbm4b:s11+s2] =	stream.linear.scatter [tilespmem:s26], [sflag:$0x3], $0x800, $0x38;
	[tilespmem:$0xC9D0] =	vst v63  }
0x325: {  	_ =	swait.ge [sflag:s15], $0x800  }
0x326: {  	[sflag:s15] =	ssyncset.done $0x0  }
0x327: {  	[sflag:s15] =	ssyncadd.s32 $0xFFFFF800  }
0x328: {  	_ =	sfence.sel $0x180000  }
0x329: {  	[bflag:$0x0] =	sbarrier.arrive $0xFFFF  }
0x32a: {  	p0 =	sne.s32 s1, $0x0;
	_ =	strace $0x90000047  }
0x32b: {  	s0 =	sadd.s32 @!p0 $0x100000, s0;
	[bflag:$0x2] =	sbarrier.arrive $0xFFFF  }
0x32c: {  	[sflag:s0] =	ssyncadd.tile.s32 @!p0 $0x1;
	_ =	shalt  }
.Lfunc_end2:
_tile_overlayer_lowered:
.L_overlay_start_2:
0x32d: {  	(tag) =	ssettag $0x2  }
0x32e: {  	s0 =	rddreg [dreg:$0x0];
	s2 =	stileid.u32  }
0x32f: {  	s1 =	rddreg [dreg:$0x1];
	p0 =	sne.s32 s2, $0x0  }
0x330: {  	s3 =	rddreg [dreg:$0x2];
	[bflag:$0x3] =	sbarrier.arrive $0xFFFF;
	s2 =	simm.s32 @!p0 $0x1C03  }
0x331: {  	[timem:s3], [sflag:s2] =	dma.local @!p0 [hbm:s0], s1  }
0x332: {  	s0 =	simm.s32 @!p0 $0x3  }
0x333: {  	_ =	swait.ge @!p0 [sflag:s0], s1  }
0x334: {  	s1 =	ssub.s32 @!p0 $0x0, s1;
	[sflag:s0] =	ssyncset.done @!p0 $0x0  }
0x335: {  	[sflag:s0] =	ssyncadd.s32 @!p0 s1  }
0x336: {  	[bflag:$0x3] =	sbarrier.arrive $0xFFFF  }
0x337: {  	_ =	shalt  }

</sc_bundles>
